<compile_context>
chip_gen: v7x
topology: tpu7x:2x2x1
jax: 0.10.2.dev20260603
libtpu: 0.0.44.dev20260713+nightly
codegen_flags: <defaults>
</compile_context>

<pallas_src>
import functools

import jax
import jax.numpy as jnp
from jax import lax
from jax.experimental import pallas as pl
from jax.experimental.pallas import tpu as pltpu
from jax.experimental.pallas import tpu_sc as plsc

_NUM_ENTITIES = 1000000
_NUM_RELATIONS = 1000
_EMBED_DIM = 64
_BATCH = 16384

_NC = 2
_NS = 16
_L = 16
_NW = _NC * _NS
_BPW = _BATCH // _NW
_CHUNK = 128
_NCHUNK = _BPW // _CHUNK
_DBLK = _EMBED_DIM // _L

_GDN = lax.GatherDimensionNumbers(
    offset_dims=(), collapsed_slice_dims=(0,), start_index_map=(0,))


def _permute(v, idx):
    return lax.gather(v, idx[:, None], _GDN, slice_sizes=(1,),
                      mode=lax.GatherScatterMode.PROMISE_IN_BOUNDS)


def _hsum_tree(vs, lanes):
    for d in (1, 2, 4, 8):
        perm = lanes ^ d
        mask = (lanes & d) != 0
        nxt = []
        for i in range(0, len(vs), 2):
            a = vs[i] + _permute(vs[i], perm)
            b = vs[i + 1] + _permute(vs[i + 1], perm)
            nxt.append(jnp.where(mask, b, a))
        vs = nxt
    return vs[0]


def _dm_body(e1i, reli, e2i, ent1, ent2, rel, out,
             idx_e1, idx_r, idx_e2, rows_e1, rows_r, rows_e2,
             out_v, sem):
    w = lax.axis_index("s") * _NC + lax.axis_index("c")
    crow = w * _NCHUNK

    pltpu.sync_copy(e1i.at[pl.ds(crow, _NCHUNK)], idx_e1)
    pltpu.sync_copy(reli.at[pl.ds(crow, _NCHUNK)], idx_r)
    pltpu.sync_copy(e2i.at[pl.ds(crow, _NCHUNK)], idx_e2)

    copies = []
    for j in range(_NCHUNK):
        dst = pl.ds(j * _CHUNK, _CHUNK)
        copies.append(pltpu.async_copy(ent1.at[idx_e1.at[j]], rows_e1.at[dst], sem))
        copies.append(pltpu.async_copy(rel.at[idx_r.at[j]], rows_r.at[dst], sem))
        copies.append(pltpu.async_copy(ent2.at[idx_e2.at[j]], rows_e2.at[dst], sem))
    for c in copies:
        c.wait()

    lanes = lax.iota(jnp.int32, _L)

    def blk_body(b, carry):
        base = b * _L
        partials = []
        for i in range(_L):
            r = base + i
            sl = pl.ds(0, _L)
            acc = rows_e1[r, sl] * rows_r[r, sl] * rows_e2[r, sl]
            for k in range(1, _DBLK):
                sl = pl.ds(k * _L, _L)
                acc = acc + rows_e1[r, sl] * rows_r[r, sl] * rows_e2[r, sl]
            partials.append(acc)
        tot = _hsum_tree(partials, lanes)
        y = 1.0 / (1.0 + jnp.exp(-tot))
        out_v[pl.ds(base, _L)] = y
        return carry

    lax.fori_loop(0, _BPW // _L, blk_body, 0)

    pltpu.sync_copy(out_v, out.at[pl.ds(w * _BPW, _BPW)])


@functools.partial(
    pl.kernel,
    out_type=jax.ShapeDtypeStruct((_BATCH,), jnp.float32),
    mesh=plsc.VectorSubcoreMesh(core_axis_name="c", subcore_axis_name="s"),
    compiler_params=pltpu.CompilerParams(use_tc_tiling_on_sc=False),
    scratch_types=[
        pltpu.VMEM((_NCHUNK, _CHUNK), jnp.int32),
        pltpu.VMEM((_NCHUNK, _CHUNK), jnp.int32),
        pltpu.VMEM((_NCHUNK, _CHUNK), jnp.int32),
        pltpu.VMEM((_BPW, _EMBED_DIM), jnp.float32),
        pltpu.VMEM((_BPW, _EMBED_DIM), jnp.float32),
        pltpu.VMEM((_BPW, _EMBED_DIM), jnp.float32),
        pltpu.VMEM((_BPW,), jnp.float32),
        pltpu.SemaphoreType.DMA,
    ],
)
def _dm_sc(e1i, reli, e2i, ent1, ent2, rel, out, *scratch):
    _dm_body(e1i, reli, e2i, ent1, ent2, rel, out, *scratch)


def kernel(e1_idx, rel_idx, e2_idx, entity_embedding, rel_embedding):
    e1i = e1_idx.astype(jnp.int32).reshape(_NW * _NCHUNK, _CHUNK)
    reli = rel_idx.astype(jnp.int32).reshape(_NW * _NCHUNK, _CHUNK)
    e2i = e2_idx.astype(jnp.int32).reshape(_NW * _NCHUNK, _CHUNK)
    out = _dm_sc(e1i, reli, e2i, entity_embedding, entity_embedding,
                 rel_embedding)
    return (out, 0.0)

# --- scband reference (transcript-rebuilt; emitter-appended) ---
"""Pipeline reference for scband-dist-mult-72361609003056 (READ-ONLY COPY).

The authoritative reference and input builder live on the scoring server;
editing this copy changes nothing except your own understanding.
"""

import jax, jax.numpy as jnp
import numpy as np

NUM_ENTITIES = 1000000
NUM_RELATIONS = 1000
EMBED_DIM = 64
BATCH = 16384

def setup_inputs(seed: int = 0) -> dict:
    key = jax.random.key(seed)
    k1, k2, k3, k4, k5 = jax.random.split(key, 5)
    e1_idx = jax.random.randint(k1, (BATCH,), 0, NUM_ENTITIES, dtype=jnp.int32).astype(jnp.int64) if False else jax.random.randint(k1, (BATCH,), 0, NUM_ENTITIES)
    rel_idx = jax.random.randint(k2, (BATCH,), 0, NUM_RELATIONS)
    e2_idx = jax.random.randint(k3, (BATCH,), 0, NUM_ENTITIES)
    # learned parameters (xavier-normal-ish init)
    ent_std = float(np.sqrt(2.0 / (NUM_ENTITIES + EMBED_DIM)))
    rel_std = float(np.sqrt(2.0 / (NUM_RELATIONS + EMBED_DIM)))
    entity_embedding = jax.random.normal(k4, (NUM_ENTITIES, EMBED_DIM), dtype=jnp.float32) * ent_std
    rel_embedding = jax.random.normal(k5, (NUM_RELATIONS, EMBED_DIM), dtype=jnp.float32) * rel_std
    return {
        "e1_idx": e1_idx,
        "rel_idx": rel_idx,
        "e2_idx": e2_idx,
        "entity_embedding": entity_embedding,
        "rel_embedding": rel_embedding,
    }

def reference(e1_idx, rel_idx, e2_idx, entity_embedding, rel_embedding):
    # Dropout is identity in eval mode; batch_norm=False so BN layers are skipped.
    e1_emb = jnp.take(entity_embedding, e1_idx, axis=0)
    r_emb = jnp.take(rel_embedding, rel_idx, axis=0)
    e2_emb = jnp.take(entity_embedding, e2_idx, axis=0)
    out = jax.nn.sigmoid(jnp.sum(e1_emb * r_emb * e2_emb, axis=1))
    out = jnp.ravel(out)
    reg = 0.0
    return (out, reg)

if __name__ == "__main__":
    import jax
    _d = setup_inputs()
    print(jax.jit(kernel)(*tuple(_d.values())))

</pallas_src>

<mosaic_0001>
#map = affine_map<(d0, d1) -> (0, 0)>
#map1 = affine_map<(d0, d1) -> (0)>
module attributes {stable_mosaic.version = 14 : i64} {
  func.func @_dm_sc(%arg0: i32, %arg1: i32, %arg2: memref<128x128xi32, #tpu.memory_space<hbm>>, %arg3: memref<128x128xi32, #tpu.memory_space<hbm>>, %arg4: memref<128x128xi32, #tpu.memory_space<hbm>>, %arg5: memref<1000000x64xf32, #tpu.memory_space<hbm>>, %arg6: memref<1000000x64xf32, #tpu.memory_space<hbm>>, %arg7: memref<1000x64xf32, #tpu.memory_space<hbm>>, %arg8: memref<16384xf32, #tpu.memory_space<hbm>>, %arg9: memref<4x128xi32, #tpu.memory_space<vmem>>, %arg10: memref<4x128xi32, #tpu.memory_space<vmem>>, %arg11: memref<4x128xi32, #tpu.memory_space<vmem>>, %arg12: memref<512x64xf32, #tpu.memory_space<vmem>>, %arg13: memref<512x64xf32, #tpu.memory_space<vmem>>, %arg14: memref<512x64xf32, #tpu.memory_space<vmem>>, %arg15: memref<512xf32, #tpu.memory_space<vmem>>, %arg16: memref<!tpu.dma_semaphore, #tpu.memory_space<semaphore_mem>>) attributes {dimension_semantics = [#tpu.dimension_semantics<core_parallel>, #tpu.dimension_semantics<subcore_parallel>], iteration_bounds = array<i64: 2, 16>, scalar_prefetch = 0 : i64, scratch_operands = 8 : i64, tpu.core_type = #tpu.core_type<sc_vector_subcore>, window_params = [{transform_indices = #map}, {transform_indices = #map}, {transform_indices = #map}, {transform_indices = #map}, {transform_indices = #map}, {transform_indices = #map}, {transform_indices = #map1}]} {
    %mul3A = arith.constant 2 : i32
    %mul3A_0 = arith.muli %arg1, %mul3A : i32
    %add3A = arith.addi %mul3A_0, %arg0 : i32
    %mul3A_1 = arith.constant 4 : i32
    %mul3A_2 = arith.muli %add3A, %mul3A_1 : i32
    "tpu.region"() ({
      %run_scoped3A = tpu.sem_alloc : memref<!tpu.dma_semaphore, #tpu.memory_space<semaphore_mem>>
      %dma_start3A_248 = arith.constant 0 : i32
      %dma_start3A_249 = tpu.memref_slice %arg2[%mul3A_2, %dma_start3A_248] : memref<128x128xi32, #tpu.memory_space<hbm>> -> memref<4x128xi32, #tpu.memory_space<hbm>>
      %dma_start3A_250 = arith.constant 0 : i32
      %dma_start3A_251 = tpu.memref_slice %arg2[%mul3A_2, %dma_start3A_250] : memref<128x128xi32, #tpu.memory_space<hbm>> -> memref<4x128xi32, #tpu.memory_space<hbm>>
      tpu.enqueue_dma source(%dma_start3A_251 : memref<4x128xi32, #tpu.memory_space<hbm>>) target(%arg9 : memref<4x128xi32, #tpu.memory_space<vmem>>) target_semaphore(%run_scoped3A : memref<!tpu.dma_semaphore, #tpu.memory_space<semaphore_mem>>)
      %dma_wait3A_252 = arith.constant 0 : i32
      %dma_wait3A_253 = tpu.memref_slice %arg2[%mul3A_2, %dma_wait3A_252] : memref<128x128xi32, #tpu.memory_space<hbm>> -> memref<4x128xi32, #tpu.memory_space<hbm>>
      %dma_wait3A_254 = arith.constant 0 : i32
      %dma_wait3A_255 = tpu.memref_slice %arg2[%mul3A_2, %dma_wait3A_254] : memref<128x128xi32, #tpu.memory_space<hbm>> -> memref<4x128xi32, #tpu.memory_space<hbm>>
      tpu.wait_dma2 semaphore(%run_scoped3A : memref<!tpu.dma_semaphore, #tpu.memory_space<semaphore_mem>>) src(%dma_wait3A_255 : memref<4x128xi32, #tpu.memory_space<hbm>>) dst(%arg9 : memref<4x128xi32, #tpu.memory_space<vmem>>)
      tpu.yield
    }) : () -> ()
    "tpu.region"() ({
      %run_scoped3A = tpu.sem_alloc : memref<!tpu.dma_semaphore, #tpu.memory_space<semaphore_mem>>
      %dma_start3A_248 = arith.constant 0 : i32
      %dma_start3A_249 = tpu.memref_slice %arg3[%mul3A_2, %dma_start3A_248] : memref<128x128xi32, #tpu.memory_space<hbm>> -> memref<4x128xi32, #tpu.memory_space<hbm>>
      %dma_start3A_250 = arith.constant 0 : i32
      %dma_start3A_251 = tpu.memref_slice %arg3[%mul3A_2, %dma_start3A_250] : memref<128x128xi32, #tpu.memory_space<hbm>> -> memref<4x128xi32, #tpu.memory_space<hbm>>
      tpu.enqueue_dma source(%dma_start3A_251 : memref<4x128xi32, #tpu.memory_space<hbm>>) target(%arg10 : memref<4x128xi32, #tpu.memory_space<vmem>>) target_semaphore(%run_scoped3A : memref<!tpu.dma_semaphore, #tpu.memory_space<semaphore_mem>>)
      %dma_wait3A_252 = arith.constant 0 : i32
      %dma_wait3A_253 = tpu.memref_slice %arg3[%mul3A_2, %dma_wait3A_252] : memref<128x128xi32, #tpu.memory_space<hbm>> -> memref<4x128xi32, #tpu.memory_space<hbm>>
      %dma_wait3A_254 = arith.constant 0 : i32
      %dma_wait3A_255 = tpu.memref_slice %arg3[%mul3A_2, %dma_wait3A_254] : memref<128x128xi32, #tpu.memory_space<hbm>> -> memref<4x128xi32, #tpu.memory_space<hbm>>
      tpu.wait_dma2 semaphore(%run_scoped3A : memref<!tpu.dma_semaphore, #tpu.memory_space<semaphore_mem>>) src(%dma_wait3A_255 : memref<4x128xi32, #tpu.memory_space<hbm>>) dst(%arg10 : memref<4x128xi32, #tpu.memory_space<vmem>>)
      tpu.yield
    }) : () -> ()
    "tpu.region"() ({
      %run_scoped3A = tpu.sem_alloc : memref<!tpu.dma_semaphore, #tpu.memory_space<semaphore_mem>>
      %dma_start3A_248 = arith.constant 0 : i32
      %dma_start3A_249 = tpu.memref_slice %arg4[%mul3A_2, %dma_start3A_248] : memref<128x128xi32, #tpu.memory_space<hbm>> -> memref<4x128xi32, #tpu.memory_space<hbm>>
      %dma_start3A_250 = arith.constant 0 : i32
      %dma_start3A_251 = tpu.memref_slice %arg4[%mul3A_2, %dma_start3A_250] : memref<128x128xi32, #tpu.memory_space<hbm>> -> memref<4x128xi32, #tpu.memory_space<hbm>>
      tpu.enqueue_dma source(%dma_start3A_251 : memref<4x128xi32, #tpu.memory_space<hbm>>) target(%arg11 : memref<4x128xi32, #tpu.memory_space<vmem>>) target_semaphore(%run_scoped3A : memref<!tpu.dma_semaphore, #tpu.memory_space<semaphore_mem>>)
      %dma_wait3A_252 = arith.constant 0 : i32
      %dma_wait3A_253 = tpu.memref_slice %arg4[%mul3A_2, %dma_wait3A_252] : memref<128x128xi32, #tpu.memory_space<hbm>> -> memref<4x128xi32, #tpu.memory_space<hbm>>
      %dma_wait3A_254 = arith.constant 0 : i32
      %dma_wait3A_255 = tpu.memref_slice %arg4[%mul3A_2, %dma_wait3A_254] : memref<128x128xi32, #tpu.memory_space<hbm>> -> memref<4x128xi32, #tpu.memory_space<hbm>>
      tpu.wait_dma2 semaphore(%run_scoped3A : memref<!tpu.dma_semaphore, #tpu.memory_space<semaphore_mem>>) src(%dma_wait3A_255 : memref<4x128xi32, #tpu.memory_space<hbm>>) dst(%arg11 : memref<4x128xi32, #tpu.memory_space<vmem>>)
      tpu.yield
    }) : () -> ()
    %dma_start3A = arith.constant 0 : i32
    %dma_start3A_3 = arith.constant 0 : i32
    %dma_start3A_4 = arith.constant 0 : i32
    %dma_start3A_5 = tpu.memref_slice %arg12[%dma_start3A_3, %dma_start3A_4] : memref<512x64xf32, #tpu.memory_space<vmem>> -> memref<128x64xf32, #tpu.memory_space<vmem>>
    %dma_start3A_6 = arith.constant 0 : i32
    %dma_start3A_7 = tpu.memref_slice %arg9[%dma_start3A, %dma_start3A_6] : memref<4x128xi32, #tpu.memory_space<vmem>> -> memref<1x128xi32, #tpu.memory_space<vmem>>
    %dma_start3A_8 = tpu.memref_squeeze %dma_start3A_7 : memref<1x128xi32, #tpu.memory_space<vmem>> -> memref<128xi32, #tpu.memory_space<vmem>>
    %dma_start3A_9 = arith.constant 0 : i32
    %dma_start3A_10 = arith.constant 0 : i32
    %dma_start3A_11 = tpu.memref_slice %arg5[%dma_start3A_9, %dma_start3A_10] : memref<1000000x64xf32, #tpu.memory_space<hbm>> -> memref<1000000x64xf32, #tpu.memory_space<hbm>>
    tpu.enqueue_indirect_dma source(%dma_start3A_11 : memref<1000000x64xf32, #tpu.memory_space<hbm>>) target(%dma_start3A_5 : memref<128x64xf32, #tpu.memory_space<vmem>>) offsets(%dma_start3A_8 : memref<128xi32, #tpu.memory_space<vmem>>) semaphore(%arg16 : memref<!tpu.dma_semaphore, #tpu.memory_space<semaphore_mem>>)
    %dma_start3A_12 = arith.constant 0 : i32
    %dma_start3A_13 = arith.constant 0 : i32
    %dma_start3A_14 = arith.constant 0 : i32
    %dma_start3A_15 = tpu.memref_slice %arg13[%dma_start3A_13, %dma_start3A_14] : memref<512x64xf32, #tpu.memory_space<vmem>> -> memref<128x64xf32, #tpu.memory_space<vmem>>
    %dma_start3A_16 = arith.constant 0 : i32
    %dma_start3A_17 = tpu.memref_slice %arg10[%dma_start3A_12, %dma_start3A_16] : memref<4x128xi32, #tpu.memory_space<vmem>> -> memref<1x128xi32, #tpu.memory_space<vmem>>
    %dma_start3A_18 = tpu.memref_squeeze %dma_start3A_17 : memref<1x128xi32, #tpu.memory_space<vmem>> -> memref<128xi32, #tpu.memory_space<vmem>>
    %dma_start3A_19 = arith.constant 0 : i32
    %dma_start3A_20 = arith.constant 0 : i32
    %dma_start3A_21 = tpu.memref_slice %arg7[%dma_start3A_19, %dma_start3A_20] : memref<1000x64xf32, #tpu.memory_space<hbm>> -> memref<1000x64xf32, #tpu.memory_space<hbm>>
    tpu.enqueue_indirect_dma source(%dma_start3A_21 : memref<1000x64xf32, #tpu.memory_space<hbm>>) target(%dma_start3A_15 : memref<128x64xf32, #tpu.memory_space<vmem>>) offsets(%dma_start3A_18 : memref<128xi32, #tpu.memory_space<vmem>>) semaphore(%arg16 : memref<!tpu.dma_semaphore, #tpu.memory_space<semaphore_mem>>)
    %dma_start3A_22 = arith.constant 0 : i32
    %dma_start3A_23 = arith.constant 0 : i32
    %dma_start3A_24 = arith.constant 0 : i32
    %dma_start3A_25 = tpu.memref_slice %arg14[%dma_start3A_23, %dma_start3A_24] : memref<512x64xf32, #tpu.memory_space<vmem>> -> memref<128x64xf32, #tpu.memory_space<vmem>>
    %dma_start3A_26 = arith.constant 0 : i32
    %dma_start3A_27 = tpu.memref_slice %arg11[%dma_start3A_22, %dma_start3A_26] : memref<4x128xi32, #tpu.memory_space<vmem>> -> memref<1x128xi32, #tpu.memory_space<vmem>>
    %dma_start3A_28 = tpu.memref_squeeze %dma_start3A_27 : memref<1x128xi32, #tpu.memory_space<vmem>> -> memref<128xi32, #tpu.memory_space<vmem>>
    %dma_start3A_29 = arith.constant 0 : i32
    %dma_start3A_30 = arith.constant 0 : i32
    %dma_start3A_31 = tpu.memref_slice %arg6[%dma_start3A_29, %dma_start3A_30] : memref<1000000x64xf32, #tpu.memory_space<hbm>> -> memref<1000000x64xf32, #tpu.memory_space<hbm>>
    tpu.enqueue_indirect_dma source(%dma_start3A_31 : memref<1000000x64xf32, #tpu.memory_space<hbm>>) target(%dma_start3A_25 : memref<128x64xf32, #tpu.memory_space<vmem>>) offsets(%dma_start3A_28 : memref<128xi32, #tpu.memory_space<vmem>>) semaphore(%arg16 : memref<!tpu.dma_semaphore, #tpu.memory_space<semaphore_mem>>)
    %dma_start3A_32 = arith.constant 1 : i32
    %dma_start3A_33 = arith.constant 128 : i32
    %dma_start3A_34 = arith.constant 0 : i32
    %dma_start3A_35 = tpu.memref_slice %arg12[%dma_start3A_33, %dma_start3A_34] : memref<512x64xf32, #tpu.memory_space<vmem>> -> memref<128x64xf32, #tpu.memory_space<vmem>>
    %dma_start3A_36 = arith.constant 0 : i32
    %dma_start3A_37 = tpu.memref_slice %arg9[%dma_start3A_32, %dma_start3A_36] : memref<4x128xi32, #tpu.memory_space<vmem>> -> memref<1x128xi32, #tpu.memory_space<vmem>>
    %dma_start3A_38 = tpu.memref_squeeze %dma_start3A_37 : memref<1x128xi32, #tpu.memory_space<vmem>> -> memref<128xi32, #tpu.memory_space<vmem>>
    %dma_start3A_39 = arith.constant 0 : i32
    %dma_start3A_40 = arith.constant 0 : i32
    %dma_start3A_41 = tpu.memref_slice %arg5[%dma_start3A_39, %dma_start3A_40] : memref<1000000x64xf32, #tpu.memory_space<hbm>> -> memref<1000000x64xf32, #tpu.memory_space<hbm>>
    tpu.enqueue_indirect_dma source(%dma_start3A_41 : memref<1000000x64xf32, #tpu.memory_space<hbm>>) target(%dma_start3A_35 : memref<128x64xf32, #tpu.memory_space<vmem>>) offsets(%dma_start3A_38 : memref<128xi32, #tpu.memory_space<vmem>>) semaphore(%arg16 : memref<!tpu.dma_semaphore, #tpu.memory_space<semaphore_mem>>)
    %dma_start3A_42 = arith.constant 1 : i32
    %dma_start3A_43 = arith.constant 128 : i32
    %dma_start3A_44 = arith.constant 0 : i32
    %dma_start3A_45 = tpu.memref_slice %arg13[%dma_start3A_43, %dma_start3A_44] : memref<512x64xf32, #tpu.memory_space<vmem>> -> memref<128x64xf32, #tpu.memory_space<vmem>>
    %dma_start3A_46 = arith.constant 0 : i32
    %dma_start3A_47 = tpu.memref_slice %arg10[%dma_start3A_42, %dma_start3A_46] : memref<4x128xi32, #tpu.memory_space<vmem>> -> memref<1x128xi32, #tpu.memory_space<vmem>>
    %dma_start3A_48 = tpu.memref_squeeze %dma_start3A_47 : memref<1x128xi32, #tpu.memory_space<vmem>> -> memref<128xi32, #tpu.memory_space<vmem>>
    %dma_start3A_49 = arith.constant 0 : i32
    %dma_start3A_50 = arith.constant 0 : i32
    %dma_start3A_51 = tpu.memref_slice %arg7[%dma_start3A_49, %dma_start3A_50] : memref<1000x64xf32, #tpu.memory_space<hbm>> -> memref<1000x64xf32, #tpu.memory_space<hbm>>
    tpu.enqueue_indirect_dma source(%dma_start3A_51 : memref<1000x64xf32, #tpu.memory_space<hbm>>) target(%dma_start3A_45 : memref<128x64xf32, #tpu.memory_space<vmem>>) offsets(%dma_start3A_48 : memref<128xi32, #tpu.memory_space<vmem>>) semaphore(%arg16 : memref<!tpu.dma_semaphore, #tpu.memory_space<semaphore_mem>>)
    %dma_start3A_52 = arith.constant 1 : i32
    %dma_start3A_53 = arith.constant 128 : i32
    %dma_start3A_54 = arith.constant 0 : i32
    %dma_start3A_55 = tpu.memref_slice %arg14[%dma_start3A_53, %dma_start3A_54] : memref<512x64xf32, #tpu.memory_space<vmem>> -> memref<128x64xf32, #tpu.memory_space<vmem>>
    %dma_start3A_56 = arith.constant 0 : i32
    %dma_start3A_57 = tpu.memref_slice %arg11[%dma_start3A_52, %dma_start3A_56] : memref<4x128xi32, #tpu.memory_space<vmem>> -> memref<1x128xi32, #tpu.memory_space<vmem>>
    %dma_start3A_58 = tpu.memref_squeeze %dma_start3A_57 : memref<1x128xi32, #tpu.memory_space<vmem>> -> memref<128xi32, #tpu.memory_space<vmem>>
    %dma_start3A_59 = arith.constant 0 : i32
    %dma_start3A_60 = arith.constant 0 : i32
    %dma_start3A_61 = tpu.memref_slice %arg6[%dma_start3A_59, %dma_start3A_60] : memref<1000000x64xf32, #tpu.memory_space<hbm>> -> memref<1000000x64xf32, #tpu.memory_space<hbm>>
    tpu.enqueue_indirect_dma source(%dma_start3A_61 : memref<1000000x64xf32, #tpu.memory_space<hbm>>) target(%dma_start3A_55 : memref<128x64xf32, #tpu.memory_space<vmem>>) offsets(%dma_start3A_58 : memref<128xi32, #tpu.memory_space<vmem>>) semaphore(%arg16 : memref<!tpu.dma_semaphore, #tpu.memory_space<semaphore_mem>>)
    %dma_start3A_62 = arith.constant 2 : i32
    %dma_start3A_63 = arith.constant 256 : i32
    %dma_start3A_64 = arith.constant 0 : i32
    %dma_start3A_65 = tpu.memref_slice %arg12[%dma_start3A_63, %dma_start3A_64] : memref<512x64xf32, #tpu.memory_space<vmem>> -> memref<128x64xf32, #tpu.memory_space<vmem>>
    %dma_start3A_66 = arith.constant 0 : i32
    %dma_start3A_67 = tpu.memref_slice %arg9[%dma_start3A_62, %dma_start3A_66] : memref<4x128xi32, #tpu.memory_space<vmem>> -> memref<1x128xi32, #tpu.memory_space<vmem>>
    %dma_start3A_68 = tpu.memref_squeeze %dma_start3A_67 : memref<1x128xi32, #tpu.memory_space<vmem>> -> memref<128xi32, #tpu.memory_space<vmem>>
    %dma_start3A_69 = arith.constant 0 : i32
    %dma_start3A_70 = arith.constant 0 : i32
    %dma_start3A_71 = tpu.memref_slice %arg5[%dma_start3A_69, %dma_start3A_70] : memref<1000000x64xf32, #tpu.memory_space<hbm>> -> memref<1000000x64xf32, #tpu.memory_space<hbm>>
    tpu.enqueue_indirect_dma source(%dma_start3A_71 : memref<1000000x64xf32, #tpu.memory_space<hbm>>) target(%dma_start3A_65 : memref<128x64xf32, #tpu.memory_space<vmem>>) offsets(%dma_start3A_68 : memref<128xi32, #tpu.memory_space<vmem>>) semaphore(%arg16 : memref<!tpu.dma_semaphore, #tpu.memory_space<semaphore_mem>>)
    %dma_start3A_72 = arith.constant 2 : i32
    %dma_start3A_73 = arith.constant 256 : i32
    %dma_start3A_74 = arith.constant 0 : i32
    %dma_start3A_75 = tpu.memref_slice %arg13[%dma_start3A_73, %dma_start3A_74] : memref<512x64xf32, #tpu.memory_space<vmem>> -> memref<128x64xf32, #tpu.memory_space<vmem>>
    %dma_start3A_76 = arith.constant 0 : i32
    %dma_start3A_77 = tpu.memref_slice %arg10[%dma_start3A_72, %dma_start3A_76] : memref<4x128xi32, #tpu.memory_space<vmem>> -> memref<1x128xi32, #tpu.memory_space<vmem>>
    %dma_start3A_78 = tpu.memref_squeeze %dma_start3A_77 : memref<1x128xi32, #tpu.memory_space<vmem>> -> memref<128xi32, #tpu.memory_space<vmem>>
    %dma_start3A_79 = arith.constant 0 : i32
    %dma_start3A_80 = arith.constant 0 : i32
    %dma_start3A_81 = tpu.memref_slice %arg7[%dma_start3A_79, %dma_start3A_80] : memref<1000x64xf32, #tpu.memory_space<hbm>> -> memref<1000x64xf32, #tpu.memory_space<hbm>>
    tpu.enqueue_indirect_dma source(%dma_start3A_81 : memref<1000x64xf32, #tpu.memory_space<hbm>>) target(%dma_start3A_75 : memref<128x64xf32, #tpu.memory_space<vmem>>) offsets(%dma_start3A_78 : memref<128xi32, #tpu.memory_space<vmem>>) semaphore(%arg16 : memref<!tpu.dma_semaphore, #tpu.memory_space<semaphore_mem>>)
    %dma_start3A_82 = arith.constant 2 : i32
    %dma_start3A_83 = arith.constant 256 : i32
    %dma_start3A_84 = arith.constant 0 : i32
    %dma_start3A_85 = tpu.memref_slice %arg14[%dma_start3A_83, %dma_start3A_84] : memref<512x64xf32, #tpu.memory_space<vmem>> -> memref<128x64xf32, #tpu.memory_space<vmem>>
    %dma_start3A_86 = arith.constant 0 : i32
    %dma_start3A_87 = tpu.memref_slice %arg11[%dma_start3A_82, %dma_start3A_86] : memref<4x128xi32, #tpu.memory_space<vmem>> -> memref<1x128xi32, #tpu.memory_space<vmem>>
    %dma_start3A_88 = tpu.memref_squeeze %dma_start3A_87 : memref<1x128xi32, #tpu.memory_space<vmem>> -> memref<128xi32, #tpu.memory_space<vmem>>
    %dma_start3A_89 = arith.constant 0 : i32
    %dma_start3A_90 = arith.constant 0 : i32
    %dma_start3A_91 = tpu.memref_slice %arg6[%dma_start3A_89, %dma_start3A_90] : memref<1000000x64xf32, #tpu.memory_space<hbm>> -> memref<1000000x64xf32, #tpu.memory_space<hbm>>
    tpu.enqueue_indirect_dma source(%dma_start3A_91 : memref<1000000x64xf32, #tpu.memory_space<hbm>>) target(%dma_start3A_85 : memref<128x64xf32, #tpu.memory_space<vmem>>) offsets(%dma_start3A_88 : memref<128xi32, #tpu.memory_space<vmem>>) semaphore(%arg16 : memref<!tpu.dma_semaphore, #tpu.memory_space<semaphore_mem>>)
    %dma_start3A_92 = arith.constant 3 : i32
    %dma_start3A_93 = arith.constant 384 : i32
    %dma_start3A_94 = arith.constant 0 : i32
    %dma_start3A_95 = tpu.memref_slice %arg12[%dma_start3A_93, %dma_start3A_94] : memref<512x64xf32, #tpu.memory_space<vmem>> -> memref<128x64xf32, #tpu.memory_space<vmem>>
    %dma_start3A_96 = arith.constant 0 : i32
    %dma_start3A_97 = tpu.memref_slice %arg9[%dma_start3A_92, %dma_start3A_96] : memref<4x128xi32, #tpu.memory_space<vmem>> -> memref<1x128xi32, #tpu.memory_space<vmem>>
    %dma_start3A_98 = tpu.memref_squeeze %dma_start3A_97 : memref<1x128xi32, #tpu.memory_space<vmem>> -> memref<128xi32, #tpu.memory_space<vmem>>
    %dma_start3A_99 = arith.constant 0 : i32
    %dma_start3A_100 = arith.constant 0 : i32
    %dma_start3A_101 = tpu.memref_slice %arg5[%dma_start3A_99, %dma_start3A_100] : memref<1000000x64xf32, #tpu.memory_space<hbm>> -> memref<1000000x64xf32, #tpu.memory_space<hbm>>
    tpu.enqueue_indirect_dma source(%dma_start3A_101 : memref<1000000x64xf32, #tpu.memory_space<hbm>>) target(%dma_start3A_95 : memref<128x64xf32, #tpu.memory_space<vmem>>) offsets(%dma_start3A_98 : memref<128xi32, #tpu.memory_space<vmem>>) semaphore(%arg16 : memref<!tpu.dma_semaphore, #tpu.memory_space<semaphore_mem>>)
    %dma_start3A_102 = arith.constant 3 : i32
    %dma_start3A_103 = arith.constant 384 : i32
    %dma_start3A_104 = arith.constant 0 : i32
    %dma_start3A_105 = tpu.memref_slice %arg13[%dma_start3A_103, %dma_start3A_104] : memref<512x64xf32, #tpu.memory_space<vmem>> -> memref<128x64xf32, #tpu.memory_space<vmem>>
    %dma_start3A_106 = arith.constant 0 : i32
    %dma_start3A_107 = tpu.memref_slice %arg10[%dma_start3A_102, %dma_start3A_106] : memref<4x128xi32, #tpu.memory_space<vmem>> -> memref<1x128xi32, #tpu.memory_space<vmem>>
    %dma_start3A_108 = tpu.memref_squeeze %dma_start3A_107 : memref<1x128xi32, #tpu.memory_space<vmem>> -> memref<128xi32, #tpu.memory_space<vmem>>
    %dma_start3A_109 = arith.constant 0 : i32
    %dma_start3A_110 = arith.constant 0 : i32
    %dma_start3A_111 = tpu.memref_slice %arg7[%dma_start3A_109, %dma_start3A_110] : memref<1000x64xf32, #tpu.memory_space<hbm>> -> memref<1000x64xf32, #tpu.memory_space<hbm>>
    tpu.enqueue_indirect_dma source(%dma_start3A_111 : memref<1000x64xf32, #tpu.memory_space<hbm>>) target(%dma_start3A_105 : memref<128x64xf32, #tpu.memory_space<vmem>>) offsets(%dma_start3A_108 : memref<128xi32, #tpu.memory_space<vmem>>) semaphore(%arg16 : memref<!tpu.dma_semaphore, #tpu.memory_space<semaphore_mem>>)
    %dma_start3A_112 = arith.constant 3 : i32
    %dma_start3A_113 = arith.constant 384 : i32
    %dma_start3A_114 = arith.constant 0 : i32
    %dma_start3A_115 = tpu.memref_slice %arg14[%dma_start3A_113, %dma_start3A_114] : memref<512x64xf32, #tpu.memory_space<vmem>> -> memref<128x64xf32, #tpu.memory_space<vmem>>
    %dma_start3A_116 = arith.constant 0 : i32
    %dma_start3A_117 = tpu.memref_slice %arg11[%dma_start3A_112, %dma_start3A_116] : memref<4x128xi32, #tpu.memory_space<vmem>> -> memref<1x128xi32, #tpu.memory_space<vmem>>
    %dma_start3A_118 = tpu.memref_squeeze %dma_start3A_117 : memref<1x128xi32, #tpu.memory_space<vmem>> -> memref<128xi32, #tpu.memory_space<vmem>>
    %dma_start3A_119 = arith.constant 0 : i32
    %dma_start3A_120 = arith.constant 0 : i32
    %dma_start3A_121 = tpu.memref_slice %arg6[%dma_start3A_119, %dma_start3A_120] : memref<1000000x64xf32, #tpu.memory_space<hbm>> -> memref<1000000x64xf32, #tpu.memory_space<hbm>>
    tpu.enqueue_indirect_dma source(%dma_start3A_121 : memref<1000000x64xf32, #tpu.memory_space<hbm>>) target(%dma_start3A_115 : memref<128x64xf32, #tpu.memory_space<vmem>>) offsets(%dma_start3A_118 : memref<128xi32, #tpu.memory_space<vmem>>) semaphore(%arg16 : memref<!tpu.dma_semaphore, #tpu.memory_space<semaphore_mem>>)
    %dma_wait3A = arith.constant 0 : i32
    %dma_wait3A_122 = arith.constant 0 : i32
    %dma_wait3A_123 = arith.constant 0 : i32
    %dma_wait3A_124 = tpu.memref_slice %arg12[%dma_wait3A_122, %dma_wait3A_123] : memref<512x64xf32, #tpu.memory_space<vmem>> -> memref<128x64xf32, #tpu.memory_space<vmem>>
    %dma_wait3A_125 = arith.constant 0 : i32
    %dma_wait3A_126 = tpu.memref_slice %arg9[%dma_wait3A, %dma_wait3A_125] : memref<4x128xi32, #tpu.memory_space<vmem>> -> memref<1x128xi32, #tpu.memory_space<vmem>>
    %dma_wait3A_127 = tpu.memref_squeeze %dma_wait3A_126 : memref<1x128xi32, #tpu.memory_space<vmem>> -> memref<128xi32, #tpu.memory_space<vmem>>
    %dma_wait3A_128 = arith.constant 0 : i32
    %dma_wait3A_129 = arith.constant 0 : i32
    %dma_wait3A_130 = tpu.memref_slice %arg5[%dma_wait3A_128, %dma_wait3A_129] : memref<1000000x64xf32, #tpu.memory_space<hbm>> -> memref<1000000x64xf32, #tpu.memory_space<hbm>>
    tpu.wait_indirect_dma semaphore(%arg16 : memref<!tpu.dma_semaphore, #tpu.memory_space<semaphore_mem>>) src(%dma_wait3A_130 : memref<1000000x64xf32, #tpu.memory_space<hbm>>) dst(%dma_wait3A_124 : memref<128x64xf32, #tpu.memory_space<vmem>>)
    %dma_wait3A_131 = arith.constant 0 : i32
    %dma_wait3A_132 = arith.constant 0 : i32
    %dma_wait3A_133 = arith.constant 0 : i32
    %dma_wait3A_134 = tpu.memref_slice %arg13[%dma_wait3A_132, %dma_wait3A_133] : memref<512x64xf32, #tpu.memory_space<vmem>> -> memref<128x64xf32, #tpu.memory_space<vmem>>
    %dma_wait3A_135 = arith.constant 0 : i32
    %dma_wait3A_136 = tpu.memref_slice %arg10[%dma_wait3A_131, %dma_wait3A_135] : memref<4x128xi32, #tpu.memory_space<vmem>> -> memref<1x128xi32, #tpu.memory_space<vmem>>
    %dma_wait3A_137 = tpu.memref_squeeze %dma_wait3A_136 : memref<1x128xi32, #tpu.memory_space<vmem>> -> memref<128xi32, #tpu.memory_space<vmem>>
    %dma_wait3A_138 = arith.constant 0 : i32
    %dma_wait3A_139 = arith.constant 0 : i32
    %dma_wait3A_140 = tpu.memref_slice %arg7[%dma_wait3A_138, %dma_wait3A_139] : memref<1000x64xf32, #tpu.memory_space<hbm>> -> memref<1000x64xf32, #tpu.memory_space<hbm>>
    tpu.wait_indirect_dma semaphore(%arg16 : memref<!tpu.dma_semaphore, #tpu.memory_space<semaphore_mem>>) src(%dma_wait3A_140 : memref<1000x64xf32, #tpu.memory_space<hbm>>) dst(%dma_wait3A_134 : memref<128x64xf32, #tpu.memory_space<vmem>>)
    %dma_wait3A_141 = arith.constant 0 : i32
    %dma_wait3A_142 = arith.constant 0 : i32
    %dma_wait3A_143 = arith.constant 0 : i32
    %dma_wait3A_144 = tpu.memref_slice %arg14[%dma_wait3A_142, %dma_wait3A_143] : memref<512x64xf32, #tpu.memory_space<vmem>> -> memref<128x64xf32, #tpu.memory_space<vmem>>
    %dma_wait3A_145 = arith.constant 0 : i32
    %dma_wait3A_146 = tpu.memref_slice %arg11[%dma_wait3A_141, %dma_wait3A_145] : memref<4x128xi32, #tpu.memory_space<vmem>> -> memref<1x128xi32, #tpu.memory_space<vmem>>
    %dma_wait3A_147 = tpu.memref_squeeze %dma_wait3A_146 : memref<1x128xi32, #tpu.memory_space<vmem>> -> memref<128xi32, #tpu.memory_space<vmem>>
    %dma_wait3A_148 = arith.constant 0 : i32
    %dma_wait3A_149 = arith.constant 0 : i32
    %dma_wait3A_150 = tpu.memref_slice %arg6[%dma_wait3A_148, %dma_wait3A_149] : memref<1000000x64xf32, #tpu.memory_space<hbm>> -> memref<1000000x64xf32, #tpu.memory_space<hbm>>
    tpu.wait_indirect_dma semaphore(%arg16 : memref<!tpu.dma_semaphore, #tpu.memory_space<semaphore_mem>>) src(%dma_wait3A_150 : memref<1000000x64xf32, #tpu.memory_space<hbm>>) dst(%dma_wait3A_144 : memref<128x64xf32, #tpu.memory_space<vmem>>)
    %dma_wait3A_151 = arith.constant 1 : i32
    %dma_wait3A_152 = arith.constant 128 : i32
    %dma_wait3A_153 = arith.constant 0 : i32
    %dma_wait3A_154 = tpu.memref_slice %arg12[%dma_wait3A_152, %dma_wait3A_153] : memref<512x64xf32, #tpu.memory_space<vmem>> -> memref<128x64xf32, #tpu.memory_space<vmem>>
    %dma_wait3A_155 = arith.constant 0 : i32
    %dma_wait3A_156 = tpu.memref_slice %arg9[%dma_wait3A_151, %dma_wait3A_155] : memref<4x128xi32, #tpu.memory_space<vmem>> -> memref<1x128xi32, #tpu.memory_space<vmem>>
    %dma_wait3A_157 = tpu.memref_squeeze %dma_wait3A_156 : memref<1x128xi32, #tpu.memory_space<vmem>> -> memref<128xi32, #tpu.memory_space<vmem>>
    %dma_wait3A_158 = arith.constant 0 : i32
    %dma_wait3A_159 = arith.constant 0 : i32
    %dma_wait3A_160 = tpu.memref_slice %arg5[%dma_wait3A_158, %dma_wait3A_159] : memref<1000000x64xf32, #tpu.memory_space<hbm>> -> memref<1000000x64xf32, #tpu.memory_space<hbm>>
    tpu.wait_indirect_dma semaphore(%arg16 : memref<!tpu.dma_semaphore, #tpu.memory_space<semaphore_mem>>) src(%dma_wait3A_160 : memref<1000000x64xf32, #tpu.memory_space<hbm>>) dst(%dma_wait3A_154 : memref<128x64xf32, #tpu.memory_space<vmem>>)
    %dma_wait3A_161 = arith.constant 1 : i32
    %dma_wait3A_162 = arith.constant 128 : i32
    %dma_wait3A_163 = arith.constant 0 : i32
    %dma_wait3A_164 = tpu.memref_slice %arg13[%dma_wait3A_162, %dma_wait3A_163] : memref<512x64xf32, #tpu.memory_space<vmem>> -> memref<128x64xf32, #tpu.memory_space<vmem>>
    %dma_wait3A_165 = arith.constant 0 : i32
    %dma_wait3A_166 = tpu.memref_slice %arg10[%dma_wait3A_161, %dma_wait3A_165] : memref<4x128xi32, #tpu.memory_space<vmem>> -> memref<1x128xi32, #tpu.memory_space<vmem>>
    %dma_wait3A_167 = tpu.memref_squeeze %dma_wait3A_166 : memref<1x128xi32, #tpu.memory_space<vmem>> -> memref<128xi32, #tpu.memory_space<vmem>>
    %dma_wait3A_168 = arith.constant 0 : i32
    %dma_wait3A_169 = arith.constant 0 : i32
    %dma_wait3A_170 = tpu.memref_slice %arg7[%dma_wait3A_168, %dma_wait3A_169] : memref<1000x64xf32, #tpu.memory_space<hbm>> -> memref<1000x64xf32, #tpu.memory_space<hbm>>
    tpu.wait_indirect_dma semaphore(%arg16 : memref<!tpu.dma_semaphore, #tpu.memory_space<semaphore_mem>>) src(%dma_wait3A_170 : memref<1000x64xf32, #tpu.memory_space<hbm>>) dst(%dma_wait3A_164 : memref<128x64xf32, #tpu.memory_space<vmem>>)
    %dma_wait3A_171 = arith.constant 1 : i32
    %dma_wait3A_172 = arith.constant 128 : i32
    %dma_wait3A_173 = arith.constant 0 : i32
    %dma_wait3A_174 = tpu.memref_slice %arg14[%dma_wait3A_172, %dma_wait3A_173] : memref<512x64xf32, #tpu.memory_space<vmem>> -> memref<128x64xf32, #tpu.memory_space<vmem>>
    %dma_wait3A_175 = arith.constant 0 : i32
    %dma_wait3A_176 = tpu.memref_slice %arg11[%dma_wait3A_171, %dma_wait3A_175] : memref<4x128xi32, #tpu.memory_space<vmem>> -> memref<1x128xi32, #tpu.memory_space<vmem>>
    %dma_wait3A_177 = tpu.memref_squeeze %dma_wait3A_176 : memref<1x128xi32, #tpu.memory_space<vmem>> -> memref<128xi32, #tpu.memory_space<vmem>>
    %dma_wait3A_178 = arith.constant 0 : i32
    %dma_wait3A_179 = arith.constant 0 : i32
    %dma_wait3A_180 = tpu.memref_slice %arg6[%dma_wait3A_178, %dma_wait3A_179] : memref<1000000x64xf32, #tpu.memory_space<hbm>> -> memref<1000000x64xf32, #tpu.memory_space<hbm>>
    tpu.wait_indirect_dma semaphore(%arg16 : memref<!tpu.dma_semaphore, #tpu.memory_space<semaphore_mem>>) src(%dma_wait3A_180 : memref<1000000x64xf32, #tpu.memory_space<hbm>>) dst(%dma_wait3A_174 : memref<128x64xf32, #tpu.memory_space<vmem>>)
    %dma_wait3A_181 = arith.constant 2 : i32
    %dma_wait3A_182 = arith.constant 256 : i32
    %dma_wait3A_183 = arith.constant 0 : i32
    %dma_wait3A_184 = tpu.memref_slice %arg12[%dma_wait3A_182, %dma_wait3A_183] : memref<512x64xf32, #tpu.memory_space<vmem>> -> memref<128x64xf32, #tpu.memory_space<vmem>>
    %dma_wait3A_185 = arith.constant 0 : i32
    %dma_wait3A_186 = tpu.memref_slice %arg9[%dma_wait3A_181, %dma_wait3A_185] : memref<4x128xi32, #tpu.memory_space<vmem>> -> memref<1x128xi32, #tpu.memory_space<vmem>>
    %dma_wait3A_187 = tpu.memref_squeeze %dma_wait3A_186 : memref<1x128xi32, #tpu.memory_space<vmem>> -> memref<128xi32, #tpu.memory_space<vmem>>
    %dma_wait3A_188 = arith.constant 0 : i32
    %dma_wait3A_189 = arith.constant 0 : i32
    %dma_wait3A_190 = tpu.memref_slice %arg5[%dma_wait3A_188, %dma_wait3A_189] : memref<1000000x64xf32, #tpu.memory_space<hbm>> -> memref<1000000x64xf32, #tpu.memory_space<hbm>>
    tpu.wait_indirect_dma semaphore(%arg16 : memref<!tpu.dma_semaphore, #tpu.memory_space<semaphore_mem>>) src(%dma_wait3A_190 : memref<1000000x64xf32, #tpu.memory_space<hbm>>) dst(%dma_wait3A_184 : memref<128x64xf32, #tpu.memory_space<vmem>>)
    %dma_wait3A_191 = arith.constant 2 : i32
    %dma_wait3A_192 = arith.constant 256 : i32
    %dma_wait3A_193 = arith.constant 0 : i32
    %dma_wait3A_194 = tpu.memref_slice %arg13[%dma_wait3A_192, %dma_wait3A_193] : memref<512x64xf32, #tpu.memory_space<vmem>> -> memref<128x64xf32, #tpu.memory_space<vmem>>
    %dma_wait3A_195 = arith.constant 0 : i32
    %dma_wait3A_196 = tpu.memref_slice %arg10[%dma_wait3A_191, %dma_wait3A_195] : memref<4x128xi32, #tpu.memory_space<vmem>> -> memref<1x128xi32, #tpu.memory_space<vmem>>
    %dma_wait3A_197 = tpu.memref_squeeze %dma_wait3A_196 : memref<1x128xi32, #tpu.memory_space<vmem>> -> memref<128xi32, #tpu.memory_space<vmem>>
    %dma_wait3A_198 = arith.constant 0 : i32
    %dma_wait3A_199 = arith.constant 0 : i32
    %dma_wait3A_200 = tpu.memref_slice %arg7[%dma_wait3A_198, %dma_wait3A_199] : memref<1000x64xf32, #tpu.memory_space<hbm>> -> memref<1000x64xf32, #tpu.memory_space<hbm>>
    tpu.wait_indirect_dma semaphore(%arg16 : memref<!tpu.dma_semaphore, #tpu.memory_space<semaphore_mem>>) src(%dma_wait3A_200 : memref<1000x64xf32, #tpu.memory_space<hbm>>) dst(%dma_wait3A_194 : memref<128x64xf32, #tpu.memory_space<vmem>>)
    %dma_wait3A_201 = arith.constant 2 : i32
    %dma_wait3A_202 = arith.constant 256 : i32
    %dma_wait3A_203 = arith.constant 0 : i32
    %dma_wait3A_204 = tpu.memref_slice %arg14[%dma_wait3A_202, %dma_wait3A_203] : memref<512x64xf32, #tpu.memory_space<vmem>> -> memref<128x64xf32, #tpu.memory_space<vmem>>
    %dma_wait3A_205 = arith.constant 0 : i32
    %dma_wait3A_206 = tpu.memref_slice %arg11[%dma_wait3A_201, %dma_wait3A_205] : memref<4x128xi32, #tpu.memory_space<vmem>> -> memref<1x128xi32, #tpu.memory_space<vmem>>
    %dma_wait3A_207 = tpu.memref_squeeze %dma_wait3A_206 : memref<1x128xi32, #tpu.memory_space<vmem>> -> memref<128xi32, #tpu.memory_space<vmem>>
    %dma_wait3A_208 = arith.constant 0 : i32
    %dma_wait3A_209 = arith.constant 0 : i32
    %dma_wait3A_210 = tpu.memref_slice %arg6[%dma_wait3A_208, %dma_wait3A_209] : memref<1000000x64xf32, #tpu.memory_space<hbm>> -> memref<1000000x64xf32, #tpu.memory_space<hbm>>
    tpu.wait_indirect_dma semaphore(%arg16 : memref<!tpu.dma_semaphore, #tpu.memory_space<semaphore_mem>>) src(%dma_wait3A_210 : memref<1000000x64xf32, #tpu.memory_space<hbm>>) dst(%dma_wait3A_204 : memref<128x64xf32, #tpu.memory_space<vmem>>)
    %dma_wait3A_211 = arith.constant 3 : i32
    %dma_wait3A_212 = arith.constant 384 : i32
    %dma_wait3A_213 = arith.constant 0 : i32
    %dma_wait3A_214 = tpu.memref_slice %arg12[%dma_wait3A_212, %dma_wait3A_213] : memref<512x64xf32, #tpu.memory_space<vmem>> -> memref<128x64xf32, #tpu.memory_space<vmem>>
    %dma_wait3A_215 = arith.constant 0 : i32
    %dma_wait3A_216 = tpu.memref_slice %arg9[%dma_wait3A_211, %dma_wait3A_215] : memref<4x128xi32, #tpu.memory_space<vmem>> -> memref<1x128xi32, #tpu.memory_space<vmem>>
    %dma_wait3A_217 = tpu.memref_squeeze %dma_wait3A_216 : memref<1x128xi32, #tpu.memory_space<vmem>> -> memref<128xi32, #tpu.memory_space<vmem>>
    %dma_wait3A_218 = arith.constant 0 : i32
    %dma_wait3A_219 = arith.constant 0 : i32
    %dma_wait3A_220 = tpu.memref_slice %arg5[%dma_wait3A_218, %dma_wait3A_219] : memref<1000000x64xf32, #tpu.memory_space<hbm>> -> memref<1000000x64xf32, #tpu.memory_space<hbm>>
    tpu.wait_indirect_dma semaphore(%arg16 : memref<!tpu.dma_semaphore, #tpu.memory_space<semaphore_mem>>) src(%dma_wait3A_220 : memref<1000000x64xf32, #tpu.memory_space<hbm>>) dst(%dma_wait3A_214 : memref<128x64xf32, #tpu.memory_space<vmem>>)
    %dma_wait3A_221 = arith.constant 3 : i32
    %dma_wait3A_222 = arith.constant 384 : i32
    %dma_wait3A_223 = arith.constant 0 : i32
    %dma_wait3A_224 = tpu.memref_slice %arg13[%dma_wait3A_222, %dma_wait3A_223] : memref<512x64xf32, #tpu.memory_space<vmem>> -> memref<128x64xf32, #tpu.memory_space<vmem>>
    %dma_wait3A_225 = arith.constant 0 : i32
    %dma_wait3A_226 = tpu.memref_slice %arg10[%dma_wait3A_221, %dma_wait3A_225] : memref<4x128xi32, #tpu.memory_space<vmem>> -> memref<1x128xi32, #tpu.memory_space<vmem>>
    %dma_wait3A_227 = tpu.memref_squeeze %dma_wait3A_226 : memref<1x128xi32, #tpu.memory_space<vmem>> -> memref<128xi32, #tpu.memory_space<vmem>>
    %dma_wait3A_228 = arith.constant 0 : i32
    %dma_wait3A_229 = arith.constant 0 : i32
    %dma_wait3A_230 = tpu.memref_slice %arg7[%dma_wait3A_228, %dma_wait3A_229] : memref<1000x64xf32, #tpu.memory_space<hbm>> -> memref<1000x64xf32, #tpu.memory_space<hbm>>
    tpu.wait_indirect_dma semaphore(%arg16 : memref<!tpu.dma_semaphore, #tpu.memory_space<semaphore_mem>>) src(%dma_wait3A_230 : memref<1000x64xf32, #tpu.memory_space<hbm>>) dst(%dma_wait3A_224 : memref<128x64xf32, #tpu.memory_space<vmem>>)
    %dma_wait3A_231 = arith.constant 3 : i32
    %dma_wait3A_232 = arith.constant 384 : i32
    %dma_wait3A_233 = arith.constant 0 : i32
    %dma_wait3A_234 = tpu.memref_slice %arg14[%dma_wait3A_232, %dma_wait3A_233] : memref<512x64xf32, #tpu.memory_space<vmem>> -> memref<128x64xf32, #tpu.memory_space<vmem>>
    %dma_wait3A_235 = arith.constant 0 : i32
    %dma_wait3A_236 = tpu.memref_slice %arg11[%dma_wait3A_231, %dma_wait3A_235] : memref<4x128xi32, #tpu.memory_space<vmem>> -> memref<1x128xi32, #tpu.memory_space<vmem>>
    %dma_wait3A_237 = tpu.memref_squeeze %dma_wait3A_236 : memref<1x128xi32, #tpu.memory_space<vmem>> -> memref<128xi32, #tpu.memory_space<vmem>>
    %dma_wait3A_238 = arith.constant 0 : i32
    %dma_wait3A_239 = arith.constant 0 : i32
    %dma_wait3A_240 = tpu.memref_slice %arg6[%dma_wait3A_238, %dma_wait3A_239] : memref<1000000x64xf32, #tpu.memory_space<hbm>> -> memref<1000000x64xf32, #tpu.memory_space<hbm>>
    tpu.wait_indirect_dma semaphore(%arg16 : memref<!tpu.dma_semaphore, #tpu.memory_space<semaphore_mem>>) src(%dma_wait3A_240 : memref<1000000x64xf32, #tpu.memory_space<hbm>>) dst(%dma_wait3A_234 : memref<128x64xf32, #tpu.memory_space<vmem>>)
    %iota3A = tpu.iota {dimensions = array<i32: 0>} : vector<16xi32>
    %scan3A = arith.constant 0 : i32
    %scan3A_241 = arith.constant 0 : i32
    %scan3A_242 = arith.constant 32 : i32
    %scan3A_243 = arith.addi %scan3A_241, %scan3A_242 : i32
    %scan3A_244 = arith.constant 1 : i32
    scf.for %scan3A_248 = %scan3A_241 to %scan3A_243 step %scan3A_244  : i32 {
      %mul3A_249 = arith.constant 16 : i32
      %mul3A_250 = arith.muli %scan3A_248, %mul3A_249 : i32
      %add3A_251 = arith.constant 0 : i32
      %add3A_252 = arith.addi %mul3A_250, %add3A_251 : i32
      %get3A = arith.index_cast %add3A_252 : i32 to index
      %get3A_253 = arith.constant 0 : index
      %get3A_254 = tpu.vector_load %arg12[%get3A, %get3A_253] {strides = array<i32>} : memref<512x64xf32, #tpu.memory_space<vmem>>, vector<1x16xf32>,
      %get3A_255 = vector.shape_cast %get3A_254 : vector<1x16xf32> to vector<16xf32>
      %get3A_256 = arith.index_cast %add3A_252 : i32 to index
      %get3A_257 = arith.constant 0 : index
      %get3A_258 = tpu.vector_load %arg13[%get3A_256, %get3A_257] {strides = array<i32>} : memref<512x64xf32, #tpu.memory_space<vmem>>, vector<1x16xf32>,
      %get3A_259 = vector.shape_cast %get3A_258 : vector<1x16xf32> to vector<16xf32>
      %mul3A_260 = arith.mulf %get3A_255, %get3A_259 : vector<16xf32>
      %get3A_261 = arith.index_cast %add3A_252 : i32 to index
      %get3A_262 = arith.constant 0 : index
      %get3A_263 = tpu.vector_load %arg14[%get3A_261, %get3A_262] {strides = array<i32>} : memref<512x64xf32, #tpu.memory_space<vmem>>, vector<1x16xf32>,
      %get3A_264 = vector.shape_cast %get3A_263 : vector<1x16xf32> to vector<16xf32>
      %mul3A_265 = arith.mulf %mul3A_260, %get3A_264 : vector<16xf32>
      %get3A_266 = arith.index_cast %add3A_252 : i32 to index
      %get3A_267 = arith.constant 16 : index
      %get3A_268 = tpu.vector_load %arg12[%get3A_266, %get3A_267] {strides = array<i32>} : memref<512x64xf32, #tpu.memory_space<vmem>>, vector<1x16xf32>,
      %get3A_269 = vector.shape_cast %get3A_268 : vector<1x16xf32> to vector<16xf32>
      %get3A_270 = arith.index_cast %add3A_252 : i32 to index
      %get3A_271 = arith.constant 16 : index
      %get3A_272 = tpu.vector_load %arg13[%get3A_270, %get3A_271] {strides = array<i32>} : memref<512x64xf32, #tpu.memory_space<vmem>>, vector<1x16xf32>,
      %get3A_273 = vector.shape_cast %get3A_272 : vector<1x16xf32> to vector<16xf32>
      %mul3A_274 = arith.mulf %get3A_269, %get3A_273 : vector<16xf32>
      %get3A_275 = arith.index_cast %add3A_252 : i32 to index
      %get3A_276 = arith.constant 16 : index
      %get3A_277 = tpu.vector_load %arg14[%get3A_275, %get3A_276] {strides = array<i32>} : memref<512x64xf32, #tpu.memory_space<vmem>>, vector<1x16xf32>,
      %get3A_278 = vector.shape_cast %get3A_277 : vector<1x16xf32> to vector<16xf32>
      %mul3A_279 = arith.mulf %mul3A_274, %get3A_278 : vector<16xf32>
      %add3A_280 = arith.addf %mul3A_265, %mul3A_279 : vector<16xf32>
      %get3A_281 = arith.index_cast %add3A_252 : i32 to index
      %get3A_282 = arith.constant 32 : index
      %get3A_283 = tpu.vector_load %arg12[%get3A_281, %get3A_282] {strides = array<i32>} : memref<512x64xf32, #tpu.memory_space<vmem>>, vector<1x16xf32>,
      %get3A_284 = vector.shape_cast %get3A_283 : vector<1x16xf32> to vector<16xf32>
      %get3A_285 = arith.index_cast %add3A_252 : i32 to index
      %get3A_286 = arith.constant 32 : index
      %get3A_287 = tpu.vector_load %arg13[%get3A_285, %get3A_286] {strides = array<i32>} : memref<512x64xf32, #tpu.memory_space<vmem>>, vector<1x16xf32>,
      %get3A_288 = vector.shape_cast %get3A_287 : vector<1x16xf32> to vector<16xf32>
      %mul3A_289 = arith.mulf %get3A_284, %get3A_288 : vector<16xf32>
      %get3A_290 = arith.index_cast %add3A_252 : i32 to index
      %get3A_291 = arith.constant 32 : index
      %get3A_292 = tpu.vector_load %arg14[%get3A_290, %get3A_291] {strides = array<i32>} : memref<512x64xf32, #tpu.memory_space<vmem>>, vector<1x16xf32>,
      %get3A_293 = vector.shape_cast %get3A_292 : vector<1x16xf32> to vector<16xf32>
      %mul3A_294 = arith.mulf %mul3A_289, %get3A_293 : vector<16xf32>
      %add3A_295 = arith.addf %add3A_280, %mul3A_294 : vector<16xf32>
      %get3A_296 = arith.index_cast %add3A_252 : i32 to index
      %get3A_297 = arith.constant 48 : index
      %get3A_298 = tpu.vector_load %arg12[%get3A_296, %get3A_297] {strides = array<i32>} : memref<512x64xf32, #tpu.memory_space<vmem>>, vector<1x16xf32>,
      %get3A_299 = vector.shape_cast %get3A_298 : vector<1x16xf32> to vector<16xf32>
      %get3A_300 = arith.index_cast %add3A_252 : i32 to index
      %get3A_301 = arith.constant 48 : index
      %get3A_302 = tpu.vector_load %arg13[%get3A_300, %get3A_301] {strides = array<i32>} : memref<512x64xf32, #tpu.memory_space<vmem>>, vector<1x16xf32>,
      %get3A_303 = vector.shape_cast %get3A_302 : vector<1x16xf32> to vector<16xf32>
      %mul3A_304 = arith.mulf %get3A_299, %get3A_303 : vector<16xf32>
      %get3A_305 = arith.index_cast %add3A_252 : i32 to index
      %get3A_306 = arith.constant 48 : index
      %get3A_307 = tpu.vector_load %arg14[%get3A_305, %get3A_306] {strides = array<i32>} : memref<512x64xf32, #tpu.memory_space<vmem>>, vector<1x16xf32>,
      %get3A_308 = vector.shape_cast %get3A_307 : vector<1x16xf32> to vector<16xf32>
      %mul3A_309 = arith.mulf %mul3A_304, %get3A_308 : vector<16xf32>
      %add3A_310 = arith.addf %add3A_295, %mul3A_309 : vector<16xf32>
      %add3A_311 = arith.constant 1 : i32
      %add3A_312 = arith.addi %mul3A_250, %add3A_311 : i32
      %get3A_313 = arith.index_cast %add3A_312 : i32 to index
      %get3A_314 = arith.constant 0 : index
      %get3A_315 = tpu.vector_load %arg12[%get3A_313, %get3A_314] {strides = array<i32>} : memref<512x64xf32, #tpu.memory_space<vmem>>, vector<1x16xf32>,
      %get3A_316 = vector.shape_cast %get3A_315 : vector<1x16xf32> to vector<16xf32>
      %get3A_317 = arith.index_cast %add3A_312 : i32 to index
      %get3A_318 = arith.constant 0 : index
      %get3A_319 = tpu.vector_load %arg13[%get3A_317, %get3A_318] {strides = array<i32>} : memref<512x64xf32, #tpu.memory_space<vmem>>, vector<1x16xf32>,
      %get3A_320 = vector.shape_cast %get3A_319 : vector<1x16xf32> to vector<16xf32>
      %mul3A_321 = arith.mulf %get3A_316, %get3A_320 : vector<16xf32>
      %get3A_322 = arith.index_cast %add3A_312 : i32 to index
      %get3A_323 = arith.constant 0 : index
      %get3A_324 = tpu.vector_load %arg14[%get3A_322, %get3A_323] {strides = array<i32>} : memref<512x64xf32, #tpu.memory_space<vmem>>, vector<1x16xf32>,
      %get3A_325 = vector.shape_cast %get3A_324 : vector<1x16xf32> to vector<16xf32>
      %mul3A_326 = arith.mulf %mul3A_321, %get3A_325 : vector<16xf32>
      %get3A_327 = arith.index_cast %add3A_312 : i32 to index
      %get3A_328 = arith.constant 16 : index
      %get3A_329 = tpu.vector_load %arg12[%get3A_327, %get3A_328] {strides = array<i32>} : memref<512x64xf32, #tpu.memory_space<vmem>>, vector<1x16xf32>,
      %get3A_330 = vector.shape_cast %get3A_329 : vector<1x16xf32> to vector<16xf32>
      %get3A_331 = arith.index_cast %add3A_312 : i32 to index
      %get3A_332 = arith.constant 16 : index
      %get3A_333 = tpu.vector_load %arg13[%get3A_331, %get3A_332] {strides = array<i32>} : memref<512x64xf32, #tpu.memory_space<vmem>>, vector<1x16xf32>,
      %get3A_334 = vector.shape_cast %get3A_333 : vector<1x16xf32> to vector<16xf32>
      %mul3A_335 = arith.mulf %get3A_330, %get3A_334 : vector<16xf32>
      %get3A_336 = arith.index_cast %add3A_312 : i32 to index
      %get3A_337 = arith.constant 16 : index
      %get3A_338 = tpu.vector_load %arg14[%get3A_336, %get3A_337] {strides = array<i32>} : memref<512x64xf32, #tpu.memory_space<vmem>>, vector<1x16xf32>,
      %get3A_339 = vector.shape_cast %get3A_338 : vector<1x16xf32> to vector<16xf32>
      %mul3A_340 = arith.mulf %mul3A_335, %get3A_339 : vector<16xf32>
      %add3A_341 = arith.addf %mul3A_326, %mul3A_340 : vector<16xf32>
      %get3A_342 = arith.index_cast %add3A_312 : i32 to index
      %get3A_343 = arith.constant 32 : index
      %get3A_344 = tpu.vector_load %arg12[%get3A_342, %get3A_343] {strides = array<i32>} : memref<512x64xf32, #tpu.memory_space<vmem>>, vector<1x16xf32>,
      %get3A_345 = vector.shape_cast %get3A_344 : vector<1x16xf32> to vector<16xf32>
      %get3A_346 = arith.index_cast %add3A_312 : i32 to index
      %get3A_347 = arith.constant 32 : index
      %get3A_348 = tpu.vector_load %arg13[%get3A_346, %get3A_347] {strides = array<i32>} : memref<512x64xf32, #tpu.memory_space<vmem>>, vector<1x16xf32>,
      %get3A_349 = vector.shape_cast %get3A_348 : vector<1x16xf32> to vector<16xf32>
      %mul3A_350 = arith.mulf %get3A_345, %get3A_349 : vector<16xf32>
      %get3A_351 = arith.index_cast %add3A_312 : i32 to index
      %get3A_352 = arith.constant 32 : index
      %get3A_353 = tpu.vector_load %arg14[%get3A_351, %get3A_352] {strides = array<i32>} : memref<512x64xf32, #tpu.memory_space<vmem>>, vector<1x16xf32>,
      %get3A_354 = vector.shape_cast %get3A_353 : vector<1x16xf32> to vector<16xf32>
      %mul3A_355 = arith.mulf %mul3A_350, %get3A_354 : vector<16xf32>
      %add3A_356 = arith.addf %add3A_341, %mul3A_355 : vector<16xf32>
      %get3A_357 = arith.index_cast %add3A_312 : i32 to index
      %get3A_358 = arith.constant 48 : index
      %get3A_359 = tpu.vector_load %arg12[%get3A_357, %get3A_358] {strides = array<i32>} : memref<512x64xf32, #tpu.memory_space<vmem>>, vector<1x16xf32>,
      %get3A_360 = vector.shape_cast %get3A_359 : vector<1x16xf32> to vector<16xf32>
      %get3A_361 = arith.index_cast %add3A_312 : i32 to index
      %get3A_362 = arith.constant 48 : index
      %get3A_363 = tpu.vector_load %arg13[%get3A_361, %get3A_362] {strides = array<i32>} : memref<512x64xf32, #tpu.memory_space<vmem>>, vector<1x16xf32>,
      %get3A_364 = vector.shape_cast %get3A_363 : vector<1x16xf32> to vector<16xf32>
      %mul3A_365 = arith.mulf %get3A_360, %get3A_364 : vector<16xf32>
      %get3A_366 = arith.index_cast %add3A_312 : i32 to index
      %get3A_367 = arith.constant 48 : index
      %get3A_368 = tpu.vector_load %arg14[%get3A_366, %get3A_367] {strides = array<i32>} : memref<512x64xf32, #tpu.memory_space<vmem>>, vector<1x16xf32>,
      %get3A_369 = vector.shape_cast %get3A_368 : vector<1x16xf32> to vector<16xf32>
      %mul3A_370 = arith.mulf %mul3A_365, %get3A_369 : vector<16xf32>
      %add3A_371 = arith.addf %add3A_356, %mul3A_370 : vector<16xf32>
      %add3A_372 = arith.constant 2 : i32
      %add3A_373 = arith.addi %mul3A_250, %add3A_372 : i32
      %get3A_374 = arith.index_cast %add3A_373 : i32 to index
      %get3A_375 = arith.constant 0 : index
      %get3A_376 = tpu.vector_load %arg12[%get3A_374, %get3A_375] {strides = array<i32>} : memref<512x64xf32, #tpu.memory_space<vmem>>, vector<1x16xf32>,
      %get3A_377 = vector.shape_cast %get3A_376 : vector<1x16xf32> to vector<16xf32>
      %get3A_378 = arith.index_cast %add3A_373 : i32 to index
      %get3A_379 = arith.constant 0 : index
      %get3A_380 = tpu.vector_load %arg13[%get3A_378, %get3A_379] {strides = array<i32>} : memref<512x64xf32, #tpu.memory_space<vmem>>, vector<1x16xf32>,
      %get3A_381 = vector.shape_cast %get3A_380 : vector<1x16xf32> to vector<16xf32>
      %mul3A_382 = arith.mulf %get3A_377, %get3A_381 : vector<16xf32>
      %get3A_383 = arith.index_cast %add3A_373 : i32 to index
      %get3A_384 = arith.constant 0 : index
      %get3A_385 = tpu.vector_load %arg14[%get3A_383, %get3A_384] {strides = array<i32>} : memref<512x64xf32, #tpu.memory_space<vmem>>, vector<1x16xf32>,
      %get3A_386 = vector.shape_cast %get3A_385 : vector<1x16xf32> to vector<16xf32>
      %mul3A_387 = arith.mulf %mul3A_382, %get3A_386 : vector<16xf32>
      %get3A_388 = arith.index_cast %add3A_373 : i32 to index
      %get3A_389 = arith.constant 16 : index
      %get3A_390 = tpu.vector_load %arg12[%get3A_388, %get3A_389] {strides = array<i32>} : memref<512x64xf32, #tpu.memory_space<vmem>>, vector<1x16xf32>,
      %get3A_391 = vector.shape_cast %get3A_390 : vector<1x16xf32> to vector<16xf32>
      %get3A_392 = arith.index_cast %add3A_373 : i32 to index
      %get3A_393 = arith.constant 16 : index
      %get3A_394 = tpu.vector_load %arg13[%get3A_392, %get3A_393] {strides = array<i32>} : memref<512x64xf32, #tpu.memory_space<vmem>>, vector<1x16xf32>,
      %get3A_395 = vector.shape_cast %get3A_394 : vector<1x16xf32> to vector<16xf32>
      %mul3A_396 = arith.mulf %get3A_391, %get3A_395 : vector<16xf32>
      %get3A_397 = arith.index_cast %add3A_373 : i32 to index
      %get3A_398 = arith.constant 16 : index
      %get3A_399 = tpu.vector_load %arg14[%get3A_397, %get3A_398] {strides = array<i32>} : memref<512x64xf32, #tpu.memory_space<vmem>>, vector<1x16xf32>,
      %get3A_400 = vector.shape_cast %get3A_399 : vector<1x16xf32> to vector<16xf32>
      %mul3A_401 = arith.mulf %mul3A_396, %get3A_400 : vector<16xf32>
      %add3A_402 = arith.addf %mul3A_387, %mul3A_401 : vector<16xf32>
      %get3A_403 = arith.index_cast %add3A_373 : i32 to index
      %get3A_404 = arith.constant 32 : index
      %get3A_405 = tpu.vector_load %arg12[%get3A_403, %get3A_404] {strides = array<i32>} : memref<512x64xf32, #tpu.memory_space<vmem>>, vector<1x16xf32>,
      %get3A_406 = vector.shape_cast %get3A_405 : vector<1x16xf32> to vector<16xf32>
      %get3A_407 = arith.index_cast %add3A_373 : i32 to index
      %get3A_408 = arith.constant 32 : index
      %get3A_409 = tpu.vector_load %arg13[%get3A_407, %get3A_408] {strides = array<i32>} : memref<512x64xf32, #tpu.memory_space<vmem>>, vector<1x16xf32>,
      %get3A_410 = vector.shape_cast %get3A_409 : vector<1x16xf32> to vector<16xf32>
      %mul3A_411 = arith.mulf %get3A_406, %get3A_410 : vector<16xf32>
      %get3A_412 = arith.index_cast %add3A_373 : i32 to index
      %get3A_413 = arith.constant 32 : index
      %get3A_414 = tpu.vector_load %arg14[%get3A_412, %get3A_413] {strides = array<i32>} : memref<512x64xf32, #tpu.memory_space<vmem>>, vector<1x16xf32>,
      %get3A_415 = vector.shape_cast %get3A_414 : vector<1x16xf32> to vector<16xf32>
      %mul3A_416 = arith.mulf %mul3A_411, %get3A_415 : vector<16xf32>
      %add3A_417 = arith.addf %add3A_402, %mul3A_416 : vector<16xf32>
      %get3A_418 = arith.index_cast %add3A_373 : i32 to index
      %get3A_419 = arith.constant 48 : index
      %get3A_420 = tpu.vector_load %arg12[%get3A_418, %get3A_419] {strides = array<i32>} : memref<512x64xf32, #tpu.memory_space<vmem>>, vector<1x16xf32>,
      %get3A_421 = vector.shape_cast %get3A_420 : vector<1x16xf32> to vector<16xf32>
      %get3A_422 = arith.index_cast %add3A_373 : i32 to index
      %get3A_423 = arith.constant 48 : index
      %get3A_424 = tpu.vector_load %arg13[%get3A_422, %get3A_423] {strides = array<i32>} : memref<512x64xf32, #tpu.memory_space<vmem>>, vector<1x16xf32>,
      %get3A_425 = vector.shape_cast %get3A_424 : vector<1x16xf32> to vector<16xf32>
      %mul3A_426 = arith.mulf %get3A_421, %get3A_425 : vector<16xf32>
      %get3A_427 = arith.index_cast %add3A_373 : i32 to index
      %get3A_428 = arith.constant 48 : index
      %get3A_429 = tpu.vector_load %arg14[%get3A_427, %get3A_428] {strides = array<i32>} : memref<512x64xf32, #tpu.memory_space<vmem>>, vector<1x16xf32>,
      %get3A_430 = vector.shape_cast %get3A_429 : vector<1x16xf32> to vector<16xf32>
      %mul3A_431 = arith.mulf %mul3A_426, %get3A_430 : vector<16xf32>
      %add3A_432 = arith.addf %add3A_417, %mul3A_431 : vector<16xf32>
      %add3A_433 = arith.constant 3 : i32
      %add3A_434 = arith.addi %mul3A_250, %add3A_433 : i32
      %get3A_435 = arith.index_cast %add3A_434 : i32 to index
      %get3A_436 = arith.constant 0 : index
      %get3A_437 = tpu.vector_load %arg12[%get3A_435, %get3A_436] {strides = array<i32>} : memref<512x64xf32, #tpu.memory_space<vmem>>, vector<1x16xf32>,
      %get3A_438 = vector.shape_cast %get3A_437 : vector<1x16xf32> to vector<16xf32>
      %get3A_439 = arith.index_cast %add3A_434 : i32 to index
      %get3A_440 = arith.constant 0 : index
      %get3A_441 = tpu.vector_load %arg13[%get3A_439, %get3A_440] {strides = array<i32>} : memref<512x64xf32, #tpu.memory_space<vmem>>, vector<1x16xf32>,
      %get3A_442 = vector.shape_cast %get3A_441 : vector<1x16xf32> to vector<16xf32>
      %mul3A_443 = arith.mulf %get3A_438, %get3A_442 : vector<16xf32>
      %get3A_444 = arith.index_cast %add3A_434 : i32 to index
      %get3A_445 = arith.constant 0 : index
      %get3A_446 = tpu.vector_load %arg14[%get3A_444, %get3A_445] {strides = array<i32>} : memref<512x64xf32, #tpu.memory_space<vmem>>, vector<1x16xf32>,
      %get3A_447 = vector.shape_cast %get3A_446 : vector<1x16xf32> to vector<16xf32>
      %mul3A_448 = arith.mulf %mul3A_443, %get3A_447 : vector<16xf32>
      %get3A_449 = arith.index_cast %add3A_434 : i32 to index
      %get3A_450 = arith.constant 16 : index
      %get3A_451 = tpu.vector_load %arg12[%get3A_449, %get3A_450] {strides = array<i32>} : memref<512x64xf32, #tpu.memory_space<vmem>>, vector<1x16xf32>,
      %get3A_452 = vector.shape_cast %get3A_451 : vector<1x16xf32> to vector<16xf32>
      %get3A_453 = arith.index_cast %add3A_434 : i32 to index
      %get3A_454 = arith.constant 16 : index
      %get3A_455 = tpu.vector_load %arg13[%get3A_453, %get3A_454] {strides = array<i32>} : memref<512x64xf32, #tpu.memory_space<vmem>>, vector<1x16xf32>,
      %get3A_456 = vector.shape_cast %get3A_455 : vector<1x16xf32> to vector<16xf32>
      %mul3A_457 = arith.mulf %get3A_452, %get3A_456 : vector<16xf32>
      %get3A_458 = arith.index_cast %add3A_434 : i32 to index
      %get3A_459 = arith.constant 16 : index
      %get3A_460 = tpu.vector_load %arg14[%get3A_458, %get3A_459] {strides = array<i32>} : memref<512x64xf32, #tpu.memory_space<vmem>>, vector<1x16xf32>,
      %get3A_461 = vector.shape_cast %get3A_460 : vector<1x16xf32> to vector<16xf32>
      %mul3A_462 = arith.mulf %mul3A_457, %get3A_461 : vector<16xf32>
      %add3A_463 = arith.addf %mul3A_448, %mul3A_462 : vector<16xf32>
      %get3A_464 = arith.index_cast %add3A_434 : i32 to index
      %get3A_465 = arith.constant 32 : index
      %get3A_466 = tpu.vector_load %arg12[%get3A_464, %get3A_465] {strides = array<i32>} : memref<512x64xf32, #tpu.memory_space<vmem>>, vector<1x16xf32>,
      %get3A_467 = vector.shape_cast %get3A_466 : vector<1x16xf32> to vector<16xf32>
      %get3A_468 = arith.index_cast %add3A_434 : i32 to index
      %get3A_469 = arith.constant 32 : index
      %get3A_470 = tpu.vector_load %arg13[%get3A_468, %get3A_469] {strides = array<i32>} : memref<512x64xf32, #tpu.memory_space<vmem>>, vector<1x16xf32>,
      %get3A_471 = vector.shape_cast %get3A_470 : vector<1x16xf32> to vector<16xf32>
      %mul3A_472 = arith.mulf %get3A_467, %get3A_471 : vector<16xf32>
      %get3A_473 = arith.index_cast %add3A_434 : i32 to index
      %get3A_474 = arith.constant 32 : index
      %get3A_475 = tpu.vector_load %arg14[%get3A_473, %get3A_474] {strides = array<i32>} : memref<512x64xf32, #tpu.memory_space<vmem>>, vector<1x16xf32>,
      %get3A_476 = vector.shape_cast %get3A_475 : vector<1x16xf32> to vector<16xf32>
      %mul3A_477 = arith.mulf %mul3A_472, %get3A_476 : vector<16xf32>
      %add3A_478 = arith.addf %add3A_463, %mul3A_477 : vector<16xf32>
      %get3A_479 = arith.index_cast %add3A_434 : i32 to index
      %get3A_480 = arith.constant 48 : index
      %get3A_481 = tpu.vector_load %arg12[%get3A_479, %get3A_480] {strides = array<i32>} : memref<512x64xf32, #tpu.memory_space<vmem>>, vector<1x16xf32>,
      %get3A_482 = vector.shape_cast %get3A_481 : vector<1x16xf32> to vector<16xf32>
      %get3A_483 = arith.index_cast %add3A_434 : i32 to index
      %get3A_484 = arith.constant 48 : index
      %get3A_485 = tpu.vector_load %arg13[%get3A_483, %get3A_484] {strides = array<i32>} : memref<512x64xf32, #tpu.memory_space<vmem>>, vector<1x16xf32>,
      %get3A_486 = vector.shape_cast %get3A_485 : vector<1x16xf32> to vector<16xf32>
      %mul3A_487 = arith.mulf %get3A_482, %get3A_486 : vector<16xf32>
      %get3A_488 = arith.index_cast %add3A_434 : i32 to index
      %get3A_489 = arith.constant 48 : index
      %get3A_490 = tpu.vector_load %arg14[%get3A_488, %get3A_489] {strides = array<i32>} : memref<512x64xf32, #tpu.memory_space<vmem>>, vector<1x16xf32>,
      %get3A_491 = vector.shape_cast %get3A_490 : vector<1x16xf32> to vector<16xf32>
      %mul3A_492 = arith.mulf %mul3A_487, %get3A_491 : vector<16xf32>
      %add3A_493 = arith.addf %add3A_478, %mul3A_492 : vector<16xf32>
      %add3A_494 = arith.constant 4 : i32
      %add3A_495 = arith.addi %mul3A_250, %add3A_494 : i32
      %get3A_496 = arith.index_cast %add3A_495 : i32 to index
      %get3A_497 = arith.constant 0 : index
      %get3A_498 = tpu.vector_load %arg12[%get3A_496, %get3A_497] {strides = array<i32>} : memref<512x64xf32, #tpu.memory_space<vmem>>, vector<1x16xf32>,
      %get3A_499 = vector.shape_cast %get3A_498 : vector<1x16xf32> to vector<16xf32>
      %get3A_500 = arith.index_cast %add3A_495 : i32 to index
      %get3A_501 = arith.constant 0 : index
      %get3A_502 = tpu.vector_load %arg13[%get3A_500, %get3A_501] {strides = array<i32>} : memref<512x64xf32, #tpu.memory_space<vmem>>, vector<1x16xf32>,
      %get3A_503 = vector.shape_cast %get3A_502 : vector<1x16xf32> to vector<16xf32>
      %mul3A_504 = arith.mulf %get3A_499, %get3A_503 : vector<16xf32>
      %get3A_505 = arith.index_cast %add3A_495 : i32 to index
      %get3A_506 = arith.constant 0 : index
      %get3A_507 = tpu.vector_load %arg14[%get3A_505, %get3A_506] {strides = array<i32>} : memref<512x64xf32, #tpu.memory_space<vmem>>, vector<1x16xf32>,
      %get3A_508 = vector.shape_cast %get3A_507 : vector<1x16xf32> to vector<16xf32>
      %mul3A_509 = arith.mulf %mul3A_504, %get3A_508 : vector<16xf32>
      %get3A_510 = arith.index_cast %add3A_495 : i32 to index
      %get3A_511 = arith.constant 16 : index
      %get3A_512 = tpu.vector_load %arg12[%get3A_510, %get3A_511] {strides = array<i32>} : memref<512x64xf32, #tpu.memory_space<vmem>>, vector<1x16xf32>,
      %get3A_513 = vector.shape_cast %get3A_512 : vector<1x16xf32> to vector<16xf32>
      %get3A_514 = arith.index_cast %add3A_495 : i32 to index
      %get3A_515 = arith.constant 16 : index
      %get3A_516 = tpu.vector_load %arg13[%get3A_514, %get3A_515] {strides = array<i32>} : memref<512x64xf32, #tpu.memory_space<vmem>>, vector<1x16xf32>,
      %get3A_517 = vector.shape_cast %get3A_516 : vector<1x16xf32> to vector<16xf32>
      %mul3A_518 = arith.mulf %get3A_513, %get3A_517 : vector<16xf32>
      %get3A_519 = arith.index_cast %add3A_495 : i32 to index
      %get3A_520 = arith.constant 16 : index
      %get3A_521 = tpu.vector_load %arg14[%get3A_519, %get3A_520] {strides = array<i32>} : memref<512x64xf32, #tpu.memory_space<vmem>>, vector<1x16xf32>,
      %get3A_522 = vector.shape_cast %get3A_521 : vector<1x16xf32> to vector<16xf32>
      %mul3A_523 = arith.mulf %mul3A_518, %get3A_522 : vector<16xf32>
      %add3A_524 = arith.addf %mul3A_509, %mul3A_523 : vector<16xf32>
      %get3A_525 = arith.index_cast %add3A_495 : i32 to index
      %get3A_526 = arith.constant 32 : index
      %get3A_527 = tpu.vector_load %arg12[%get3A_525, %get3A_526] {strides = array<i32>} : memref<512x64xf32, #tpu.memory_space<vmem>>, vector<1x16xf32>,
      %get3A_528 = vector.shape_cast %get3A_527 : vector<1x16xf32> to vector<16xf32>
      %get3A_529 = arith.index_cast %add3A_495 : i32 to index
      %get3A_530 = arith.constant 32 : index
      %get3A_531 = tpu.vector_load %arg13[%get3A_529, %get3A_530] {strides = array<i32>} : memref<512x64xf32, #tpu.memory_space<vmem>>, vector<1x16xf32>,
      %get3A_532 = vector.shape_cast %get3A_531 : vector<1x16xf32> to vector<16xf32>
      %mul3A_533 = arith.mulf %get3A_528, %get3A_532 : vector<16xf32>
      %get3A_534 = arith.index_cast %add3A_495 : i32 to index
      %get3A_535 = arith.constant 32 : index
      %get3A_536 = tpu.vector_load %arg14[%get3A_534, %get3A_535] {strides = array<i32>} : memref<512x64xf32, #tpu.memory_space<vmem>>, vector<1x16xf32>,
      %get3A_537 = vector.shape_cast %get3A_536 : vector<1x16xf32> to vector<16xf32>
      %mul3A_538 = arith.mulf %mul3A_533, %get3A_537 : vector<16xf32>
      %add3A_539 = arith.addf %add3A_524, %mul3A_538 : vector<16xf32>
      %get3A_540 = arith.index_cast %add3A_495 : i32 to index
      %get3A_541 = arith.constant 48 : index
      %get3A_542 = tpu.vector_load %arg12[%get3A_540, %get3A_541] {strides = array<i32>} : memref<512x64xf32, #tpu.memory_space<vmem>>, vector<1x16xf32>,
      %get3A_543 = vector.shape_cast %get3A_542 : vector<1x16xf32> to vector<16xf32>
      %get3A_544 = arith.index_cast %add3A_495 : i32 to index
      %get3A_545 = arith.constant 48 : index
      %get3A_546 = tpu.vector_load %arg13[%get3A_544, %get3A_545] {strides = array<i32>} : memref<512x64xf32, #tpu.memory_space<vmem>>, vector<1x16xf32>,
      %get3A_547 = vector.shape_cast %get3A_546 : vector<1x16xf32> to vector<16xf32>
      %mul3A_548 = arith.mulf %get3A_543, %get3A_547 : vector<16xf32>
      %get3A_549 = arith.index_cast %add3A_495 : i32 to index
      %get3A_550 = arith.constant 48 : index
      %get3A_551 = tpu.vector_load %arg14[%get3A_549, %get3A_550] {strides = array<i32>} : memref<512x64xf32, #tpu.memory_space<vmem>>, vector<1x16xf32>,
      %get3A_552 = vector.shape_cast %get3A_551 : vector<1x16xf32> to vector<16xf32>
      %mul3A_553 = arith.mulf %mul3A_548, %get3A_552 : vector<16xf32>
      %add3A_554 = arith.addf %add3A_539, %mul3A_553 : vector<16xf32>
      %add3A_555 = arith.constant 5 : i32
      %add3A_556 = arith.addi %mul3A_250, %add3A_555 : i32
      %get3A_557 = arith.index_cast %add3A_556 : i32 to index
      %get3A_558 = arith.constant 0 : index
      %get3A_559 = tpu.vector_load %arg12[%get3A_557, %get3A_558] {strides = array<i32>} : memref<512x64xf32, #tpu.memory_space<vmem>>, vector<1x16xf32>,
      %get3A_560 = vector.shape_cast %get3A_559 : vector<1x16xf32> to vector<16xf32>
      %get3A_561 = arith.index_cast %add3A_556 : i32 to index
      %get3A_562 = arith.constant 0 : index
      %get3A_563 = tpu.vector_load %arg13[%get3A_561, %get3A_562] {strides = array<i32>} : memref<512x64xf32, #tpu.memory_space<vmem>>, vector<1x16xf32>,
      %get3A_564 = vector.shape_cast %get3A_563 : vector<1x16xf32> to vector<16xf32>
      %mul3A_565 = arith.mulf %get3A_560, %get3A_564 : vector<16xf32>
      %get3A_566 = arith.index_cast %add3A_556 : i32 to index
      %get3A_567 = arith.constant 0 : index
      %get3A_568 = tpu.vector_load %arg14[%get3A_566, %get3A_567] {strides = array<i32>} : memref<512x64xf32, #tpu.memory_space<vmem>>, vector<1x16xf32>,
      %get3A_569 = vector.shape_cast %get3A_568 : vector<1x16xf32> to vector<16xf32>
      %mul3A_570 = arith.mulf %mul3A_565, %get3A_569 : vector<16xf32>
      %get3A_571 = arith.index_cast %add3A_556 : i32 to index
      %get3A_572 = arith.constant 16 : index
      %get3A_573 = tpu.vector_load %arg12[%get3A_571, %get3A_572] {strides = array<i32>} : memref<512x64xf32, #tpu.memory_space<vmem>>, vector<1x16xf32>,
      %get3A_574 = vector.shape_cast %get3A_573 : vector<1x16xf32> to vector<16xf32>
      %get3A_575 = arith.index_cast %add3A_556 : i32 to index
      %get3A_576 = arith.constant 16 : index
      %get3A_577 = tpu.vector_load %arg13[%get3A_575, %get3A_576] {strides = array<i32>} : memref<512x64xf32, #tpu.memory_space<vmem>>, vector<1x16xf32>,
      %get3A_578 = vector.shape_cast %get3A_577 : vector<1x16xf32> to vector<16xf32>
      %mul3A_579 = arith.mulf %get3A_574, %get3A_578 : vector<16xf32>
      %get3A_580 = arith.index_cast %add3A_556 : i32 to index
      %get3A_581 = arith.constant 16 : index
      %get3A_582 = tpu.vector_load %arg14[%get3A_580, %get3A_581] {strides = array<i32>} : memref<512x64xf32, #tpu.memory_space<vmem>>, vector<1x16xf32>,
      %get3A_583 = vector.shape_cast %get3A_582 : vector<1x16xf32> to vector<16xf32>
      %mul3A_584 = arith.mulf %mul3A_579, %get3A_583 : vector<16xf32>
      %add3A_585 = arith.addf %mul3A_570, %mul3A_584 : vector<16xf32>
      %get3A_586 = arith.index_cast %add3A_556 : i32 to index
      %get3A_587 = arith.constant 32 : index
      %get3A_588 = tpu.vector_load %arg12[%get3A_586, %get3A_587] {strides = array<i32>} : memref<512x64xf32, #tpu.memory_space<vmem>>, vector<1x16xf32>,
      %get3A_589 = vector.shape_cast %get3A_588 : vector<1x16xf32> to vector<16xf32>
      %get3A_590 = arith.index_cast %add3A_556 : i32 to index
      %get3A_591 = arith.constant 32 : index
      %get3A_592 = tpu.vector_load %arg13[%get3A_590, %get3A_591] {strides = array<i32>} : memref<512x64xf32, #tpu.memory_space<vmem>>, vector<1x16xf32>,
      %get3A_593 = vector.shape_cast %get3A_592 : vector<1x16xf32> to vector<16xf32>
      %mul3A_594 = arith.mulf %get3A_589, %get3A_593 : vector<16xf32>
      %get3A_595 = arith.index_cast %add3A_556 : i32 to index
      %get3A_596 = arith.constant 32 : index
      %get3A_597 = tpu.vector_load %arg14[%get3A_595, %get3A_596] {strides = array<i32>} : memref<512x64xf32, #tpu.memory_space<vmem>>, vector<1x16xf32>,
      %get3A_598 = vector.shape_cast %get3A_597 : vector<1x16xf32> to vector<16xf32>
      %mul3A_599 = arith.mulf %mul3A_594, %get3A_598 : vector<16xf32>
      %add3A_600 = arith.addf %add3A_585, %mul3A_599 : vector<16xf32>
      %get3A_601 = arith.index_cast %add3A_556 : i32 to index
      %get3A_602 = arith.constant 48 : index
      %get3A_603 = tpu.vector_load %arg12[%get3A_601, %get3A_602] {strides = array<i32>} : memref<512x64xf32, #tpu.memory_space<vmem>>, vector<1x16xf32>,
      %get3A_604 = vector.shape_cast %get3A_603 : vector<1x16xf32> to vector<16xf32>
      %get3A_605 = arith.index_cast %add3A_556 : i32 to index
      %get3A_606 = arith.constant 48 : index
      %get3A_607 = tpu.vector_load %arg13[%get3A_605, %get3A_606] {strides = array<i32>} : memref<512x64xf32, #tpu.memory_space<vmem>>, vector<1x16xf32>,
      %get3A_608 = vector.shape_cast %get3A_607 : vector<1x16xf32> to vector<16xf32>
      %mul3A_609 = arith.mulf %get3A_604, %get3A_608 : vector<16xf32>
      %get3A_610 = arith.index_cast %add3A_556 : i32 to index
      %get3A_611 = arith.constant 48 : index
      %get3A_612 = tpu.vector_load %arg14[%get3A_610, %get3A_611] {strides = array<i32>} : memref<512x64xf32, #tpu.memory_space<vmem>>, vector<1x16xf32>,
      %get3A_613 = vector.shape_cast %get3A_612 : vector<1x16xf32> to vector<16xf32>
      %mul3A_614 = arith.mulf %mul3A_609, %get3A_613 : vector<16xf32>
      %add3A_615 = arith.addf %add3A_600, %mul3A_614 : vector<16xf32>
      %add3A_616 = arith.constant 6 : i32
      %add3A_617 = arith.addi %mul3A_250, %add3A_616 : i32
      %get3A_618 = arith.index_cast %add3A_617 : i32 to index
      %get3A_619 = arith.constant 0 : index
      %get3A_620 = tpu.vector_load %arg12[%get3A_618, %get3A_619] {strides = array<i32>} : memref<512x64xf32, #tpu.memory_space<vmem>>, vector<1x16xf32>,
      %get3A_621 = vector.shape_cast %get3A_620 : vector<1x16xf32> to vector<16xf32>
      %get3A_622 = arith.index_cast %add3A_617 : i32 to index
      %get3A_623 = arith.constant 0 : index
      %get3A_624 = tpu.vector_load %arg13[%get3A_622, %get3A_623] {strides = array<i32>} : memref<512x64xf32, #tpu.memory_space<vmem>>, vector<1x16xf32>,
      %get3A_625 = vector.shape_cast %get3A_624 : vector<1x16xf32> to vector<16xf32>
      %mul3A_626 = arith.mulf %get3A_621, %get3A_625 : vector<16xf32>
      %get3A_627 = arith.index_cast %add3A_617 : i32 to index
      %get3A_628 = arith.constant 0 : index
      %get3A_629 = tpu.vector_load %arg14[%get3A_627, %get3A_628] {strides = array<i32>} : memref<512x64xf32, #tpu.memory_space<vmem>>, vector<1x16xf32>,
      %get3A_630 = vector.shape_cast %get3A_629 : vector<1x16xf32> to vector<16xf32>
      %mul3A_631 = arith.mulf %mul3A_626, %get3A_630 : vector<16xf32>
      %get3A_632 = arith.index_cast %add3A_617 : i32 to index
      %get3A_633 = arith.constant 16 : index
      %get3A_634 = tpu.vector_load %arg12[%get3A_632, %get3A_633] {strides = array<i32>} : memref<512x64xf32, #tpu.memory_space<vmem>>, vector<1x16xf32>,
      %get3A_635 = vector.shape_cast %get3A_634 : vector<1x16xf32> to vector<16xf32>
      %get3A_636 = arith.index_cast %add3A_617 : i32 to index
      %get3A_637 = arith.constant 16 : index
      %get3A_638 = tpu.vector_load %arg13[%get3A_636, %get3A_637] {strides = array<i32>} : memref<512x64xf32, #tpu.memory_space<vmem>>, vector<1x16xf32>,
      %get3A_639 = vector.shape_cast %get3A_638 : vector<1x16xf32> to vector<16xf32>
      %mul3A_640 = arith.mulf %get3A_635, %get3A_639 : vector<16xf32>
      %get3A_641 = arith.index_cast %add3A_617 : i32 to index
      %get3A_642 = arith.constant 16 : index
      %get3A_643 = tpu.vector_load %arg14[%get3A_641, %get3A_642] {strides = array<i32>} : memref<512x64xf32, #tpu.memory_space<vmem>>, vector<1x16xf32>,
      %get3A_644 = vector.shape_cast %get3A_643 : vector<1x16xf32> to vector<16xf32>
      %mul3A_645 = arith.mulf %mul3A_640, %get3A_644 : vector<16xf32>
      %add3A_646 = arith.addf %mul3A_631, %mul3A_645 : vector<16xf32>
      %get3A_647 = arith.index_cast %add3A_617 : i32 to index
      %get3A_648 = arith.constant 32 : index
      %get3A_649 = tpu.vector_load %arg12[%get3A_647, %get3A_648] {strides = array<i32>} : memref<512x64xf32, #tpu.memory_space<vmem>>, vector<1x16xf32>,
      %get3A_650 = vector.shape_cast %get3A_649 : vector<1x16xf32> to vector<16xf32>
      %get3A_651 = arith.index_cast %add3A_617 : i32 to index
      %get3A_652 = arith.constant 32 : index
      %get3A_653 = tpu.vector_load %arg13[%get3A_651, %get3A_652] {strides = array<i32>} : memref<512x64xf32, #tpu.memory_space<vmem>>, vector<1x16xf32>,
      %get3A_654 = vector.shape_cast %get3A_653 : vector<1x16xf32> to vector<16xf32>
      %mul3A_655 = arith.mulf %get3A_650, %get3A_654 : vector<16xf32>
      %get3A_656 = arith.index_cast %add3A_617 : i32 to index
      %get3A_657 = arith.constant 32 : index
      %get3A_658 = tpu.vector_load %arg14[%get3A_656, %get3A_657] {strides = array<i32>} : memref<512x64xf32, #tpu.memory_space<vmem>>, vector<1x16xf32>,
      %get3A_659 = vector.shape_cast %get3A_658 : vector<1x16xf32> to vector<16xf32>
      %mul3A_660 = arith.mulf %mul3A_655, %get3A_659 : vector<16xf32>
      %add3A_661 = arith.addf %add3A_646, %mul3A_660 : vector<16xf32>
      %get3A_662 = arith.index_cast %add3A_617 : i32 to index
      %get3A_663 = arith.constant 48 : index
      %get3A_664 = tpu.vector_load %arg12[%get3A_662, %get3A_663] {strides = array<i32>} : memref<512x64xf32, #tpu.memory_space<vmem>>, vector<1x16xf32>,
      %get3A_665 = vector.shape_cast %get3A_664 : vector<1x16xf32> to vector<16xf32>
      %get3A_666 = arith.index_cast %add3A_617 : i32 to index
      %get3A_667 = arith.constant 48 : index
      %get3A_668 = tpu.vector_load %arg13[%get3A_666, %get3A_667] {strides = array<i32>} : memref<512x64xf32, #tpu.memory_space<vmem>>, vector<1x16xf32>,
      %get3A_669 = vector.shape_cast %get3A_668 : vector<1x16xf32> to vector<16xf32>
      %mul3A_670 = arith.mulf %get3A_665, %get3A_669 : vector<16xf32>
      %get3A_671 = arith.index_cast %add3A_617 : i32 to index
      %get3A_672 = arith.constant 48 : index
      %get3A_673 = tpu.vector_load %arg14[%get3A_671, %get3A_672] {strides = array<i32>} : memref<512x64xf32, #tpu.memory_space<vmem>>, vector<1x16xf32>,
      %get3A_674 = vector.shape_cast %get3A_673 : vector<1x16xf32> to vector<16xf32>
      %mul3A_675 = arith.mulf %mul3A_670, %get3A_674 : vector<16xf32>
      %add3A_676 = arith.addf %add3A_661, %mul3A_675 : vector<16xf32>
      %add3A_677 = arith.constant 7 : i32
      %add3A_678 = arith.addi %mul3A_250, %add3A_677 : i32
      %get3A_679 = arith.index_cast %add3A_678 : i32 to index
      %get3A_680 = arith.constant 0 : index
      %get3A_681 = tpu.vector_load %arg12[%get3A_679, %get3A_680] {strides = array<i32>} : memref<512x64xf32, #tpu.memory_space<vmem>>, vector<1x16xf32>,
      %get3A_682 = vector.shape_cast %get3A_681 : vector<1x16xf32> to vector<16xf32>
      %get3A_683 = arith.index_cast %add3A_678 : i32 to index
      %get3A_684 = arith.constant 0 : index
      %get3A_685 = tpu.vector_load %arg13[%get3A_683, %get3A_684] {strides = array<i32>} : memref<512x64xf32, #tpu.memory_space<vmem>>, vector<1x16xf32>,
      %get3A_686 = vector.shape_cast %get3A_685 : vector<1x16xf32> to vector<16xf32>
      %mul3A_687 = arith.mulf %get3A_682, %get3A_686 : vector<16xf32>
      %get3A_688 = arith.index_cast %add3A_678 : i32 to index
      %get3A_689 = arith.constant 0 : index
      %get3A_690 = tpu.vector_load %arg14[%get3A_688, %get3A_689] {strides = array<i32>} : memref<512x64xf32, #tpu.memory_space<vmem>>, vector<1x16xf32>,
      %get3A_691 = vector.shape_cast %get3A_690 : vector<1x16xf32> to vector<16xf32>
      %mul3A_692 = arith.mulf %mul3A_687, %get3A_691 : vector<16xf32>
      %get3A_693 = arith.index_cast %add3A_678 : i32 to index
      %get3A_694 = arith.constant 16 : index
      %get3A_695 = tpu.vector_load %arg12[%get3A_693, %get3A_694] {strides = array<i32>} : memref<512x64xf32, #tpu.memory_space<vmem>>, vector<1x16xf32>,
      %get3A_696 = vector.shape_cast %get3A_695 : vector<1x16xf32> to vector<16xf32>
      %get3A_697 = arith.index_cast %add3A_678 : i32 to index
      %get3A_698 = arith.constant 16 : index
      %get3A_699 = tpu.vector_load %arg13[%get3A_697, %get3A_698] {strides = array<i32>} : memref<512x64xf32, #tpu.memory_space<vmem>>, vector<1x16xf32>,
      %get3A_700 = vector.shape_cast %get3A_699 : vector<1x16xf32> to vector<16xf32>
      %mul3A_701 = arith.mulf %get3A_696, %get3A_700 : vector<16xf32>
      %get3A_702 = arith.index_cast %add3A_678 : i32 to index
      %get3A_703 = arith.constant 16 : index
      %get3A_704 = tpu.vector_load %arg14[%get3A_702, %get3A_703] {strides = array<i32>} : memref<512x64xf32, #tpu.memory_space<vmem>>, vector<1x16xf32>,
      %get3A_705 = vector.shape_cast %get3A_704 : vector<1x16xf32> to vector<16xf32>
      %mul3A_706 = arith.mulf %mul3A_701, %get3A_705 : vector<16xf32>
      %add3A_707 = arith.addf %mul3A_692, %mul3A_706 : vector<16xf32>
      %get3A_708 = arith.index_cast %add3A_678 : i32 to index
      %get3A_709 = arith.constant 32 : index
      %get3A_710 = tpu.vector_load %arg12[%get3A_708, %get3A_709] {strides = array<i32>} : memref<512x64xf32, #tpu.memory_space<vmem>>, vector<1x16xf32>,
      %get3A_711 = vector.shape_cast %get3A_710 : vector<1x16xf32> to vector<16xf32>
      %get3A_712 = arith.index_cast %add3A_678 : i32 to index
      %get3A_713 = arith.constant 32 : index
      %get3A_714 = tpu.vector_load %arg13[%get3A_712, %get3A_713] {strides = array<i32>} : memref<512x64xf32, #tpu.memory_space<vmem>>, vector<1x16xf32>,
      %get3A_715 = vector.shape_cast %get3A_714 : vector<1x16xf32> to vector<16xf32>
      %mul3A_716 = arith.mulf %get3A_711, %get3A_715 : vector<16xf32>
      %get3A_717 = arith.index_cast %add3A_678 : i32 to index
      %get3A_718 = arith.constant 32 : index
      %get3A_719 = tpu.vector_load %arg14[%get3A_717, %get3A_718] {strides = array<i32>} : memref<512x64xf32, #tpu.memory_space<vmem>>, vector<1x16xf32>,
      %get3A_720 = vector.shape_cast %get3A_719 : vector<1x16xf32> to vector<16xf32>
      %mul3A_721 = arith.mulf %mul3A_716, %get3A_720 : vector<16xf32>
      %add3A_722 = arith.addf %add3A_707, %mul3A_721 : vector<16xf32>
      %get3A_723 = arith.index_cast %add3A_678 : i32 to index
      %get3A_724 = arith.constant 48 : index
      %get3A_725 = tpu.vector_load %arg12[%get3A_723, %get3A_724] {strides = array<i32>} : memref<512x64xf32, #tpu.memory_space<vmem>>, vector<1x16xf32>,
      %get3A_726 = vector.shape_cast %get3A_725 : vector<1x16xf32> to vector<16xf32>
      %get3A_727 = arith.index_cast %add3A_678 : i32 to index
      %get3A_728 = arith.constant 48 : index
      %get3A_729 = tpu.vector_load %arg13[%get3A_727, %get3A_728] {strides = array<i32>} : memref<512x64xf32, #tpu.memory_space<vmem>>, vector<1x16xf32>,
      %get3A_730 = vector.shape_cast %get3A_729 : vector<1x16xf32> to vector<16xf32>
      %mul3A_731 = arith.mulf %get3A_726, %get3A_730 : vector<16xf32>
      %get3A_732 = arith.index_cast %add3A_678 : i32 to index
      %get3A_733 = arith.constant 48 : index
      %get3A_734 = tpu.vector_load %arg14[%get3A_732, %get3A_733] {strides = array<i32>} : memref<512x64xf32, #tpu.memory_space<vmem>>, vector<1x16xf32>,
      %get3A_735 = vector.shape_cast %get3A_734 : vector<1x16xf32> to vector<16xf32>
      %mul3A_736 = arith.mulf %mul3A_731, %get3A_735 : vector<16xf32>
      %add3A_737 = arith.addf %add3A_722, %mul3A_736 : vector<16xf32>
      %add3A_738 = arith.constant 8 : i32
      %add3A_739 = arith.addi %mul3A_250, %add3A_738 : i32
      %get3A_740 = arith.index_cast %add3A_739 : i32 to index
      %get3A_741 = arith.constant 0 : index
      %get3A_742 = tpu.vector_load %arg12[%get3A_740, %get3A_741] {strides = array<i32>} : memref<512x64xf32, #tpu.memory_space<vmem>>, vector<1x16xf32>,
      %get3A_743 = vector.shape_cast %get3A_742 : vector<1x16xf32> to vector<16xf32>
      %get3A_744 = arith.index_cast %add3A_739 : i32 to index
      %get3A_745 = arith.constant 0 : index
      %get3A_746 = tpu.vector_load %arg13[%get3A_744, %get3A_745] {strides = array<i32>} : memref<512x64xf32, #tpu.memory_space<vmem>>, vector<1x16xf32>,
      %get3A_747 = vector.shape_cast %get3A_746 : vector<1x16xf32> to vector<16xf32>
      %mul3A_748 = arith.mulf %get3A_743, %get3A_747 : vector<16xf32>
      %get3A_749 = arith.index_cast %add3A_739 : i32 to index
      %get3A_750 = arith.constant 0 : index
      %get3A_751 = tpu.vector_load %arg14[%get3A_749, %get3A_750] {strides = array<i32>} : memref<512x64xf32, #tpu.memory_space<vmem>>, vector<1x16xf32>,
      %get3A_752 = vector.shape_cast %get3A_751 : vector<1x16xf32> to vector<16xf32>
      %mul3A_753 = arith.mulf %mul3A_748, %get3A_752 : vector<16xf32>
      %get3A_754 = arith.index_cast %add3A_739 : i32 to index
      %get3A_755 = arith.constant 16 : index
      %get3A_756 = tpu.vector_load %arg12[%get3A_754, %get3A_755] {strides = array<i32>} : memref<512x64xf32, #tpu.memory_space<vmem>>, vector<1x16xf32>,
      %get3A_757 = vector.shape_cast %get3A_756 : vector<1x16xf32> to vector<16xf32>
      %get3A_758 = arith.index_cast %add3A_739 : i32 to index
      %get3A_759 = arith.constant 16 : index
      %get3A_760 = tpu.vector_load %arg13[%get3A_758, %get3A_759] {strides = array<i32>} : memref<512x64xf32, #tpu.memory_space<vmem>>, vector<1x16xf32>,
      %get3A_761 = vector.shape_cast %get3A_760 : vector<1x16xf32> to vector<16xf32>
      %mul3A_762 = arith.mulf %get3A_757, %get3A_761 : vector<16xf32>
      %get3A_763 = arith.index_cast %add3A_739 : i32 to index
      %get3A_764 = arith.constant 16 : index
      %get3A_765 = tpu.vector_load %arg14[%get3A_763, %get3A_764] {strides = array<i32>} : memref<512x64xf32, #tpu.memory_space<vmem>>, vector<1x16xf32>,
      %get3A_766 = vector.shape_cast %get3A_765 : vector<1x16xf32> to vector<16xf32>
      %mul3A_767 = arith.mulf %mul3A_762, %get3A_766 : vector<16xf32>
      %add3A_768 = arith.addf %mul3A_753, %mul3A_767 : vector<16xf32>
      %get3A_769 = arith.index_cast %add3A_739 : i32 to index
      %get3A_770 = arith.constant 32 : index
      %get3A_771 = tpu.vector_load %arg12[%get3A_769, %get3A_770] {strides = array<i32>} : memref<512x64xf32, #tpu.memory_space<vmem>>, vector<1x16xf32>,
      %get3A_772 = vector.shape_cast %get3A_771 : vector<1x16xf32> to vector<16xf32>
      %get3A_773 = arith.index_cast %add3A_739 : i32 to index
      %get3A_774 = arith.constant 32 : index
      %get3A_775 = tpu.vector_load %arg13[%get3A_773, %get3A_774] {strides = array<i32>} : memref<512x64xf32, #tpu.memory_space<vmem>>, vector<1x16xf32>,
      %get3A_776 = vector.shape_cast %get3A_775 : vector<1x16xf32> to vector<16xf32>
      %mul3A_777 = arith.mulf %get3A_772, %get3A_776 : vector<16xf32>
      %get3A_778 = arith.index_cast %add3A_739 : i32 to index
      %get3A_779 = arith.constant 32 : index
      %get3A_780 = tpu.vector_load %arg14[%get3A_778, %get3A_779] {strides = array<i32>} : memref<512x64xf32, #tpu.memory_space<vmem>>, vector<1x16xf32>,
      %get3A_781 = vector.shape_cast %get3A_780 : vector<1x16xf32> to vector<16xf32>
      %mul3A_782 = arith.mulf %mul3A_777, %get3A_781 : vector<16xf32>
      %add3A_783 = arith.addf %add3A_768, %mul3A_782 : vector<16xf32>
      %get3A_784 = arith.index_cast %add3A_739 : i32 to index
      %get3A_785 = arith.constant 48 : index
      %get3A_786 = tpu.vector_load %arg12[%get3A_784, %get3A_785] {strides = array<i32>} : memref<512x64xf32, #tpu.memory_space<vmem>>, vector<1x16xf32>,
      %get3A_787 = vector.shape_cast %get3A_786 : vector<1x16xf32> to vector<16xf32>
      %get3A_788 = arith.index_cast %add3A_739 : i32 to index
      %get3A_789 = arith.constant 48 : index
      %get3A_790 = tpu.vector_load %arg13[%get3A_788, %get3A_789] {strides = array<i32>} : memref<512x64xf32, #tpu.memory_space<vmem>>, vector<1x16xf32>,
      %get3A_791 = vector.shape_cast %get3A_790 : vector<1x16xf32> to vector<16xf32>
      %mul3A_792 = arith.mulf %get3A_787, %get3A_791 : vector<16xf32>
      %get3A_793 = arith.index_cast %add3A_739 : i32 to index
      %get3A_794 = arith.constant 48 : index
      %get3A_795 = tpu.vector_load %arg14[%get3A_793, %get3A_794] {strides = array<i32>} : memref<512x64xf32, #tpu.memory_space<vmem>>, vector<1x16xf32>,
      %get3A_796 = vector.shape_cast %get3A_795 : vector<1x16xf32> to vector<16xf32>
      %mul3A_797 = arith.mulf %mul3A_792, %get3A_796 : vector<16xf32>
      %add3A_798 = arith.addf %add3A_783, %mul3A_797 : vector<16xf32>
      %add3A_799 = arith.constant 9 : i32
      %add3A_800 = arith.addi %mul3A_250, %add3A_799 : i32
      %get3A_801 = arith.index_cast %add3A_800 : i32 to index
      %get3A_802 = arith.constant 0 : index
      %get3A_803 = tpu.vector_load %arg12[%get3A_801, %get3A_802] {strides = array<i32>} : memref<512x64xf32, #tpu.memory_space<vmem>>, vector<1x16xf32>,
      %get3A_804 = vector.shape_cast %get3A_803 : vector<1x16xf32> to vector<16xf32>
      %get3A_805 = arith.index_cast %add3A_800 : i32 to index
      %get3A_806 = arith.constant 0 : index
      %get3A_807 = tpu.vector_load %arg13[%get3A_805, %get3A_806] {strides = array<i32>} : memref<512x64xf32, #tpu.memory_space<vmem>>, vector<1x16xf32>,
      %get3A_808 = vector.shape_cast %get3A_807 : vector<1x16xf32> to vector<16xf32>
      %mul3A_809 = arith.mulf %get3A_804, %get3A_808 : vector<16xf32>
      %get3A_810 = arith.index_cast %add3A_800 : i32 to index
      %get3A_811 = arith.constant 0 : index
      %get3A_812 = tpu.vector_load %arg14[%get3A_810, %get3A_811] {strides = array<i32>} : memref<512x64xf32, #tpu.memory_space<vmem>>, vector<1x16xf32>,
      %get3A_813 = vector.shape_cast %get3A_812 : vector<1x16xf32> to vector<16xf32>
      %mul3A_814 = arith.mulf %mul3A_809, %get3A_813 : vector<16xf32>
      %get3A_815 = arith.index_cast %add3A_800 : i32 to index
      %get3A_816 = arith.constant 16 : index
      %get3A_817 = tpu.vector_load %arg12[%get3A_815, %get3A_816] {strides = array<i32>} : memref<512x64xf32, #tpu.memory_space<vmem>>, vector<1x16xf32>,
      %get3A_818 = vector.shape_cast %get3A_817 : vector<1x16xf32> to vector<16xf32>
      %get3A_819 = arith.index_cast %add3A_800 : i32 to index
      %get3A_820 = arith.constant 16 : index
      %get3A_821 = tpu.vector_load %arg13[%get3A_819, %get3A_820] {strides = array<i32>} : memref<512x64xf32, #tpu.memory_space<vmem>>, vector<1x16xf32>,
      %get3A_822 = vector.shape_cast %get3A_821 : vector<1x16xf32> to vector<16xf32>
      %mul3A_823 = arith.mulf %get3A_818, %get3A_822 : vector<16xf32>
      %get3A_824 = arith.index_cast %add3A_800 : i32 to index
      %get3A_825 = arith.constant 16 : index
      %get3A_826 = tpu.vector_load %arg14[%get3A_824, %get3A_825] {strides = array<i32>} : memref<512x64xf32, #tpu.memory_space<vmem>>, vector<1x16xf32>,
      %get3A_827 = vector.shape_cast %get3A_826 : vector<1x16xf32> to vector<16xf32>
      %mul3A_828 = arith.mulf %mul3A_823, %get3A_827 : vector<16xf32>
      %add3A_829 = arith.addf %mul3A_814, %mul3A_828 : vector<16xf32>
      %get3A_830 = arith.index_cast %add3A_800 : i32 to index
      %get3A_831 = arith.constant 32 : index
      %get3A_832 = tpu.vector_load %arg12[%get3A_830, %get3A_831] {strides = array<i32>} : memref<512x64xf32, #tpu.memory_space<vmem>>, vector<1x16xf32>,
      %get3A_833 = vector.shape_cast %get3A_832 : vector<1x16xf32> to vector<16xf32>
      %get3A_834 = arith.index_cast %add3A_800 : i32 to index
      %get3A_835 = arith.constant 32 : index
      %get3A_836 = tpu.vector_load %arg13[%get3A_834, %get3A_835] {strides = array<i32>} : memref<512x64xf32, #tpu.memory_space<vmem>>, vector<1x16xf32>,
      %get3A_837 = vector.shape_cast %get3A_836 : vector<1x16xf32> to vector<16xf32>
      %mul3A_838 = arith.mulf %get3A_833, %get3A_837 : vector<16xf32>
      %get3A_839 = arith.index_cast %add3A_800 : i32 to index
      %get3A_840 = arith.constant 32 : index
      %get3A_841 = tpu.vector_load %arg14[%get3A_839, %get3A_840] {strides = array<i32>} : memref<512x64xf32, #tpu.memory_space<vmem>>, vector<1x16xf32>,
      %get3A_842 = vector.shape_cast %get3A_841 : vector<1x16xf32> to vector<16xf32>
      %mul3A_843 = arith.mulf %mul3A_838, %get3A_842 : vector<16xf32>
      %add3A_844 = arith.addf %add3A_829, %mul3A_843 : vector<16xf32>
      %get3A_845 = arith.index_cast %add3A_800 : i32 to index
      %get3A_846 = arith.constant 48 : index
      %get3A_847 = tpu.vector_load %arg12[%get3A_845, %get3A_846] {strides = array<i32>} : memref<512x64xf32, #tpu.memory_space<vmem>>, vector<1x16xf32>,
      %get3A_848 = vector.shape_cast %get3A_847 : vector<1x16xf32> to vector<16xf32>
      %get3A_849 = arith.index_cast %add3A_800 : i32 to index
      %get3A_850 = arith.constant 48 : index
      %get3A_851 = tpu.vector_load %arg13[%get3A_849, %get3A_850] {strides = array<i32>} : memref<512x64xf32, #tpu.memory_space<vmem>>, vector<1x16xf32>,
      %get3A_852 = vector.shape_cast %get3A_851 : vector<1x16xf32> to vector<16xf32>
      %mul3A_853 = arith.mulf %get3A_848, %get3A_852 : vector<16xf32>
      %get3A_854 = arith.index_cast %add3A_800 : i32 to index
      %get3A_855 = arith.constant 48 : index
      %get3A_856 = tpu.vector_load %arg14[%get3A_854, %get3A_855] {strides = array<i32>} : memref<512x64xf32, #tpu.memory_space<vmem>>, vector<1x16xf32>,
      %get3A_857 = vector.shape_cast %get3A_856 : vector<1x16xf32> to vector<16xf32>
      %mul3A_858 = arith.mulf %mul3A_853, %get3A_857 : vector<16xf32>
      %add3A_859 = arith.addf %add3A_844, %mul3A_858 : vector<16xf32>
      %add3A_860 = arith.constant 10 : i32
      %add3A_861 = arith.addi %mul3A_250, %add3A_860 : i32
      %get3A_862 = arith.index_cast %add3A_861 : i32 to index
      %get3A_863 = arith.constant 0 : index
      %get3A_864 = tpu.vector_load %arg12[%get3A_862, %get3A_863] {strides = array<i32>} : memref<512x64xf32, #tpu.memory_space<vmem>>, vector<1x16xf32>,
      %get3A_865 = vector.shape_cast %get3A_864 : vector<1x16xf32> to vector<16xf32>
      %get3A_866 = arith.index_cast %add3A_861 : i32 to index
      %get3A_867 = arith.constant 0 : index
      %get3A_868 = tpu.vector_load %arg13[%get3A_866, %get3A_867] {strides = array<i32>} : memref<512x64xf32, #tpu.memory_space<vmem>>, vector<1x16xf32>,
      %get3A_869 = vector.shape_cast %get3A_868 : vector<1x16xf32> to vector<16xf32>
      %mul3A_870 = arith.mulf %get3A_865, %get3A_869 : vector<16xf32>
      %get3A_871 = arith.index_cast %add3A_861 : i32 to index
      %get3A_872 = arith.constant 0 : index
      %get3A_873 = tpu.vector_load %arg14[%get3A_871, %get3A_872] {strides = array<i32>} : memref<512x64xf32, #tpu.memory_space<vmem>>, vector<1x16xf32>,
      %get3A_874 = vector.shape_cast %get3A_873 : vector<1x16xf32> to vector<16xf32>
      %mul3A_875 = arith.mulf %mul3A_870, %get3A_874 : vector<16xf32>
      %get3A_876 = arith.index_cast %add3A_861 : i32 to index
      %get3A_877 = arith.constant 16 : index
      %get3A_878 = tpu.vector_load %arg12[%get3A_876, %get3A_877] {strides = array<i32>} : memref<512x64xf32, #tpu.memory_space<vmem>>, vector<1x16xf32>,
      %get3A_879 = vector.shape_cast %get3A_878 : vector<1x16xf32> to vector<16xf32>
      %get3A_880 = arith.index_cast %add3A_861 : i32 to index
      %get3A_881 = arith.constant 16 : index
      %get3A_882 = tpu.vector_load %arg13[%get3A_880, %get3A_881] {strides = array<i32>} : memref<512x64xf32, #tpu.memory_space<vmem>>, vector<1x16xf32>,
      %get3A_883 = vector.shape_cast %get3A_882 : vector<1x16xf32> to vector<16xf32>
      %mul3A_884 = arith.mulf %get3A_879, %get3A_883 : vector<16xf32>
      %get3A_885 = arith.index_cast %add3A_861 : i32 to index
      %get3A_886 = arith.constant 16 : index
      %get3A_887 = tpu.vector_load %arg14[%get3A_885, %get3A_886] {strides = array<i32>} : memref<512x64xf32, #tpu.memory_space<vmem>>, vector<1x16xf32>,
      %get3A_888 = vector.shape_cast %get3A_887 : vector<1x16xf32> to vector<16xf32>
      %mul3A_889 = arith.mulf %mul3A_884, %get3A_888 : vector<16xf32>
      %add3A_890 = arith.addf %mul3A_875, %mul3A_889 : vector<16xf32>
      %get3A_891 = arith.index_cast %add3A_861 : i32 to index
      %get3A_892 = arith.constant 32 : index
      %get3A_893 = tpu.vector_load %arg12[%get3A_891, %get3A_892] {strides = array<i32>} : memref<512x64xf32, #tpu.memory_space<vmem>>, vector<1x16xf32>,
      %get3A_894 = vector.shape_cast %get3A_893 : vector<1x16xf32> to vector<16xf32>
      %get3A_895 = arith.index_cast %add3A_861 : i32 to index
      %get3A_896 = arith.constant 32 : index
      %get3A_897 = tpu.vector_load %arg13[%get3A_895, %get3A_896] {strides = array<i32>} : memref<512x64xf32, #tpu.memory_space<vmem>>, vector<1x16xf32>,
      %get3A_898 = vector.shape_cast %get3A_897 : vector<1x16xf32> to vector<16xf32>
      %mul3A_899 = arith.mulf %get3A_894, %get3A_898 : vector<16xf32>
      %get3A_900 = arith.index_cast %add3A_861 : i32 to index
      %get3A_901 = arith.constant 32 : index
      %get3A_902 = tpu.vector_load %arg14[%get3A_900, %get3A_901] {strides = array<i32>} : memref<512x64xf32, #tpu.memory_space<vmem>>, vector<1x16xf32>,
      %get3A_903 = vector.shape_cast %get3A_902 : vector<1x16xf32> to vector<16xf32>
      %mul3A_904 = arith.mulf %mul3A_899, %get3A_903 : vector<16xf32>
      %add3A_905 = arith.addf %add3A_890, %mul3A_904 : vector<16xf32>
      %get3A_906 = arith.index_cast %add3A_861 : i32 to index
      %get3A_907 = arith.constant 48 : index
      %get3A_908 = tpu.vector_load %arg12[%get3A_906, %get3A_907] {strides = array<i32>} : memref<512x64xf32, #tpu.memory_space<vmem>>, vector<1x16xf32>,
      %get3A_909 = vector.shape_cast %get3A_908 : vector<1x16xf32> to vector<16xf32>
      %get3A_910 = arith.index_cast %add3A_861 : i32 to index
      %get3A_911 = arith.constant 48 : index
      %get3A_912 = tpu.vector_load %arg13[%get3A_910, %get3A_911] {strides = array<i32>} : memref<512x64xf32, #tpu.memory_space<vmem>>, vector<1x16xf32>,
      %get3A_913 = vector.shape_cast %get3A_912 : vector<1x16xf32> to vector<16xf32>
      %mul3A_914 = arith.mulf %get3A_909, %get3A_913 : vector<16xf32>
      %get3A_915 = arith.index_cast %add3A_861 : i32 to index
      %get3A_916 = arith.constant 48 : index
      %get3A_917 = tpu.vector_load %arg14[%get3A_915, %get3A_916] {strides = array<i32>} : memref<512x64xf32, #tpu.memory_space<vmem>>, vector<1x16xf32>,
      %get3A_918 = vector.shape_cast %get3A_917 : vector<1x16xf32> to vector<16xf32>
      %mul3A_919 = arith.mulf %mul3A_914, %get3A_918 : vector<16xf32>
      %add3A_920 = arith.addf %add3A_905, %mul3A_919 : vector<16xf32>
      %add3A_921 = arith.constant 11 : i32
      %add3A_922 = arith.addi %mul3A_250, %add3A_921 : i32
      %get3A_923 = arith.index_cast %add3A_922 : i32 to index
      %get3A_924 = arith.constant 0 : index
      %get3A_925 = tpu.vector_load %arg12[%get3A_923, %get3A_924] {strides = array<i32>} : memref<512x64xf32, #tpu.memory_space<vmem>>, vector<1x16xf32>,
      %get3A_926 = vector.shape_cast %get3A_925 : vector<1x16xf32> to vector<16xf32>
      %get3A_927 = arith.index_cast %add3A_922 : i32 to index
      %get3A_928 = arith.constant 0 : index
      %get3A_929 = tpu.vector_load %arg13[%get3A_927, %get3A_928] {strides = array<i32>} : memref<512x64xf32, #tpu.memory_space<vmem>>, vector<1x16xf32>,
      %get3A_930 = vector.shape_cast %get3A_929 : vector<1x16xf32> to vector<16xf32>
      %mul3A_931 = arith.mulf %get3A_926, %get3A_930 : vector<16xf32>
      %get3A_932 = arith.index_cast %add3A_922 : i32 to index
      %get3A_933 = arith.constant 0 : index
      %get3A_934 = tpu.vector_load %arg14[%get3A_932, %get3A_933] {strides = array<i32>} : memref<512x64xf32, #tpu.memory_space<vmem>>, vector<1x16xf32>,
      %get3A_935 = vector.shape_cast %get3A_934 : vector<1x16xf32> to vector<16xf32>
      %mul3A_936 = arith.mulf %mul3A_931, %get3A_935 : vector<16xf32>
      %get3A_937 = arith.index_cast %add3A_922 : i32 to index
      %get3A_938 = arith.constant 16 : index
      %get3A_939 = tpu.vector_load %arg12[%get3A_937, %get3A_938] {strides = array<i32>} : memref<512x64xf32, #tpu.memory_space<vmem>>, vector<1x16xf32>,
      %get3A_940 = vector.shape_cast %get3A_939 : vector<1x16xf32> to vector<16xf32>
      %get3A_941 = arith.index_cast %add3A_922 : i32 to index
      %get3A_942 = arith.constant 16 : index
      %get3A_943 = tpu.vector_load %arg13[%get3A_941, %get3A_942] {strides = array<i32>} : memref<512x64xf32, #tpu.memory_space<vmem>>, vector<1x16xf32>,
      %get3A_944 = vector.shape_cast %get3A_943 : vector<1x16xf32> to vector<16xf32>
      %mul3A_945 = arith.mulf %get3A_940, %get3A_944 : vector<16xf32>
      %get3A_946 = arith.index_cast %add3A_922 : i32 to index
      %get3A_947 = arith.constant 16 : index
      %get3A_948 = tpu.vector_load %arg14[%get3A_946, %get3A_947] {strides = array<i32>} : memref<512x64xf32, #tpu.memory_space<vmem>>, vector<1x16xf32>,
      %get3A_949 = vector.shape_cast %get3A_948 : vector<1x16xf32> to vector<16xf32>
      %mul3A_950 = arith.mulf %mul3A_945, %get3A_949 : vector<16xf32>
      %add3A_951 = arith.addf %mul3A_936, %mul3A_950 : vector<16xf32>
      %get3A_952 = arith.index_cast %add3A_922 : i32 to index
      %get3A_953 = arith.constant 32 : index
      %get3A_954 = tpu.vector_load %arg12[%get3A_952, %get3A_953] {strides = array<i32>} : memref<512x64xf32, #tpu.memory_space<vmem>>, vector<1x16xf32>,
      %get3A_955 = vector.shape_cast %get3A_954 : vector<1x16xf32> to vector<16xf32>
      %get3A_956 = arith.index_cast %add3A_922 : i32 to index
      %get3A_957 = arith.constant 32 : index
      %get3A_958 = tpu.vector_load %arg13[%get3A_956, %get3A_957] {strides = array<i32>} : memref<512x64xf32, #tpu.memory_space<vmem>>, vector<1x16xf32>,
      %get3A_959 = vector.shape_cast %get3A_958 : vector<1x16xf32> to vector<16xf32>
      %mul3A_960 = arith.mulf %get3A_955, %get3A_959 : vector<16xf32>
      %get3A_961 = arith.index_cast %add3A_922 : i32 to index
      %get3A_962 = arith.constant 32 : index
      %get3A_963 = tpu.vector_load %arg14[%get3A_961, %get3A_962] {strides = array<i32>} : memref<512x64xf32, #tpu.memory_space<vmem>>, vector<1x16xf32>,
      %get3A_964 = vector.shape_cast %get3A_963 : vector<1x16xf32> to vector<16xf32>
      %mul3A_965 = arith.mulf %mul3A_960, %get3A_964 : vector<16xf32>
      %add3A_966 = arith.addf %add3A_951, %mul3A_965 : vector<16xf32>
      %get3A_967 = arith.index_cast %add3A_922 : i32 to index
      %get3A_968 = arith.constant 48 : index
      %get3A_969 = tpu.vector_load %arg12[%get3A_967, %get3A_968] {strides = array<i32>} : memref<512x64xf32, #tpu.memory_space<vmem>>, vector<1x16xf32>,
      %get3A_970 = vector.shape_cast %get3A_969 : vector<1x16xf32> to vector<16xf32>
      %get3A_971 = arith.index_cast %add3A_922 : i32 to index
      %get3A_972 = arith.constant 48 : index
      %get3A_973 = tpu.vector_load %arg13[%get3A_971, %get3A_972] {strides = array<i32>} : memref<512x64xf32, #tpu.memory_space<vmem>>, vector<1x16xf32>,
      %get3A_974 = vector.shape_cast %get3A_973 : vector<1x16xf32> to vector<16xf32>
      %mul3A_975 = arith.mulf %get3A_970, %get3A_974 : vector<16xf32>
      %get3A_976 = arith.index_cast %add3A_922 : i32 to index
      %get3A_977 = arith.constant 48 : index
      %get3A_978 = tpu.vector_load %arg14[%get3A_976, %get3A_977] {strides = array<i32>} : memref<512x64xf32, #tpu.memory_space<vmem>>, vector<1x16xf32>,
      %get3A_979 = vector.shape_cast %get3A_978 : vector<1x16xf32> to vector<16xf32>
      %mul3A_980 = arith.mulf %mul3A_975, %get3A_979 : vector<16xf32>
      %add3A_981 = arith.addf %add3A_966, %mul3A_980 : vector<16xf32>
      %add3A_982 = arith.constant 12 : i32
      %add3A_983 = arith.addi %mul3A_250, %add3A_982 : i32
      %get3A_984 = arith.index_cast %add3A_983 : i32 to index
      %get3A_985 = arith.constant 0 : index
      %get3A_986 = tpu.vector_load %arg12[%get3A_984, %get3A_985] {strides = array<i32>} : memref<512x64xf32, #tpu.memory_space<vmem>>, vector<1x16xf32>,
      %get3A_987 = vector.shape_cast %get3A_986 : vector<1x16xf32> to vector<16xf32>
      %get3A_988 = arith.index_cast %add3A_983 : i32 to index
      %get3A_989 = arith.constant 0 : index
      %get3A_990 = tpu.vector_load %arg13[%get3A_988, %get3A_989] {strides = array<i32>} : memref<512x64xf32, #tpu.memory_space<vmem>>, vector<1x16xf32>,
      %get3A_991 = vector.shape_cast %get3A_990 : vector<1x16xf32> to vector<16xf32>
      %mul3A_992 = arith.mulf %get3A_987, %get3A_991 : vector<16xf32>
      %get3A_993 = arith.index_cast %add3A_983 : i32 to index
      %get3A_994 = arith.constant 0 : index
      %get3A_995 = tpu.vector_load %arg14[%get3A_993, %get3A_994] {strides = array<i32>} : memref<512x64xf32, #tpu.memory_space<vmem>>, vector<1x16xf32>,
      %get3A_996 = vector.shape_cast %get3A_995 : vector<1x16xf32> to vector<16xf32>
      %mul3A_997 = arith.mulf %mul3A_992, %get3A_996 : vector<16xf32>
      %get3A_998 = arith.index_cast %add3A_983 : i32 to index
      %get3A_999 = arith.constant 16 : index
      %get3A_1000 = tpu.vector_load %arg12[%get3A_998, %get3A_999] {strides = array<i32>} : memref<512x64xf32, #tpu.memory_space<vmem>>, vector<1x16xf32>,
      %get3A_1001 = vector.shape_cast %get3A_1000 : vector<1x16xf32> to vector<16xf32>
      %get3A_1002 = arith.index_cast %add3A_983 : i32 to index
      %get3A_1003 = arith.constant 16 : index
      %get3A_1004 = tpu.vector_load %arg13[%get3A_1002, %get3A_1003] {strides = array<i32>} : memref<512x64xf32, #tpu.memory_space<vmem>>, vector<1x16xf32>,
      %get3A_1005 = vector.shape_cast %get3A_1004 : vector<1x16xf32> to vector<16xf32>
      %mul3A_1006 = arith.mulf %get3A_1001, %get3A_1005 : vector<16xf32>
      %get3A_1007 = arith.index_cast %add3A_983 : i32 to index
      %get3A_1008 = arith.constant 16 : index
      %get3A_1009 = tpu.vector_load %arg14[%get3A_1007, %get3A_1008] {strides = array<i32>} : memref<512x64xf32, #tpu.memory_space<vmem>>, vector<1x16xf32>,
      %get3A_1010 = vector.shape_cast %get3A_1009 : vector<1x16xf32> to vector<16xf32>
      %mul3A_1011 = arith.mulf %mul3A_1006, %get3A_1010 : vector<16xf32>
      %add3A_1012 = arith.addf %mul3A_997, %mul3A_1011 : vector<16xf32>
      %get3A_1013 = arith.index_cast %add3A_983 : i32 to index
      %get3A_1014 = arith.constant 32 : index
      %get3A_1015 = tpu.vector_load %arg12[%get3A_1013, %get3A_1014] {strides = array<i32>} : memref<512x64xf32, #tpu.memory_space<vmem>>, vector<1x16xf32>,
      %get3A_1016 = vector.shape_cast %get3A_1015 : vector<1x16xf32> to vector<16xf32>
      %get3A_1017 = arith.index_cast %add3A_983 : i32 to index
      %get3A_1018 = arith.constant 32 : index
      %get3A_1019 = tpu.vector_load %arg13[%get3A_1017, %get3A_1018] {strides = array<i32>} : memref<512x64xf32, #tpu.memory_space<vmem>>, vector<1x16xf32>,
      %get3A_1020 = vector.shape_cast %get3A_1019 : vector<1x16xf32> to vector<16xf32>
      %mul3A_1021 = arith.mulf %get3A_1016, %get3A_1020 : vector<16xf32>
      %get3A_1022 = arith.index_cast %add3A_983 : i32 to index
      %get3A_1023 = arith.constant 32 : index
      %get3A_1024 = tpu.vector_load %arg14[%get3A_1022, %get3A_1023] {strides = array<i32>} : memref<512x64xf32, #tpu.memory_space<vmem>>, vector<1x16xf32>,
      %get3A_1025 = vector.shape_cast %get3A_1024 : vector<1x16xf32> to vector<16xf32>
      %mul3A_1026 = arith.mulf %mul3A_1021, %get3A_1025 : vector<16xf32>
      %add3A_1027 = arith.addf %add3A_1012, %mul3A_1026 : vector<16xf32>
      %get3A_1028 = arith.index_cast %add3A_983 : i32 to index
      %get3A_1029 = arith.constant 48 : index
      %get3A_1030 = tpu.vector_load %arg12[%get3A_1028, %get3A_1029] {strides = array<i32>} : memref<512x64xf32, #tpu.memory_space<vmem>>, vector<1x16xf32>,
      %get3A_1031 = vector.shape_cast %get3A_1030 : vector<1x16xf32> to vector<16xf32>
      %get3A_1032 = arith.index_cast %add3A_983 : i32 to index
      %get3A_1033 = arith.constant 48 : index
      %get3A_1034 = tpu.vector_load %arg13[%get3A_1032, %get3A_1033] {strides = array<i32>} : memref<512x64xf32, #tpu.memory_space<vmem>>, vector<1x16xf32>,
      %get3A_1035 = vector.shape_cast %get3A_1034 : vector<1x16xf32> to vector<16xf32>
      %mul3A_1036 = arith.mulf %get3A_1031, %get3A_1035 : vector<16xf32>
      %get3A_1037 = arith.index_cast %add3A_983 : i32 to index
      %get3A_1038 = arith.constant 48 : index
      %get3A_1039 = tpu.vector_load %arg14[%get3A_1037, %get3A_1038] {strides = array<i32>} : memref<512x64xf32, #tpu.memory_space<vmem>>, vector<1x16xf32>,
      %get3A_1040 = vector.shape_cast %get3A_1039 : vector<1x16xf32> to vector<16xf32>
      %mul3A_1041 = arith.mulf %mul3A_1036, %get3A_1040 : vector<16xf32>
      %add3A_1042 = arith.addf %add3A_1027, %mul3A_1041 : vector<16xf32>
      %add3A_1043 = arith.constant 13 : i32
      %add3A_1044 = arith.addi %mul3A_250, %add3A_1043 : i32
      %get3A_1045 = arith.index_cast %add3A_1044 : i32 to index
      %get3A_1046 = arith.constant 0 : index
      %get3A_1047 = tpu.vector_load %arg12[%get3A_1045, %get3A_1046] {strides = array<i32>} : memref<512x64xf32, #tpu.memory_space<vmem>>, vector<1x16xf32>,
      %get3A_1048 = vector.shape_cast %get3A_1047 : vector<1x16xf32> to vector<16xf32>
      %get3A_1049 = arith.index_cast %add3A_1044 : i32 to index
      %get3A_1050 = arith.constant 0 : index
      %get3A_1051 = tpu.vector_load %arg13[%get3A_1049, %get3A_1050] {strides = array<i32>} : memref<512x64xf32, #tpu.memory_space<vmem>>, vector<1x16xf32>,
      %get3A_1052 = vector.shape_cast %get3A_1051 : vector<1x16xf32> to vector<16xf32>
      %mul3A_1053 = arith.mulf %get3A_1048, %get3A_1052 : vector<16xf32>
      %get3A_1054 = arith.index_cast %add3A_1044 : i32 to index
      %get3A_1055 = arith.constant 0 : index
      %get3A_1056 = tpu.vector_load %arg14[%get3A_1054, %get3A_1055] {strides = array<i32>} : memref<512x64xf32, #tpu.memory_space<vmem>>, vector<1x16xf32>,
      %get3A_1057 = vector.shape_cast %get3A_1056 : vector<1x16xf32> to vector<16xf32>
      %mul3A_1058 = arith.mulf %mul3A_1053, %get3A_1057 : vector<16xf32>
      %get3A_1059 = arith.index_cast %add3A_1044 : i32 to index
      %get3A_1060 = arith.constant 16 : index
      %get3A_1061 = tpu.vector_load %arg12[%get3A_1059, %get3A_1060] {strides = array<i32>} : memref<512x64xf32, #tpu.memory_space<vmem>>, vector<1x16xf32>,
      %get3A_1062 = vector.shape_cast %get3A_1061 : vector<1x16xf32> to vector<16xf32>
      %get3A_1063 = arith.index_cast %add3A_1044 : i32 to index
      %get3A_1064 = arith.constant 16 : index
      %get3A_1065 = tpu.vector_load %arg13[%get3A_1063, %get3A_1064] {strides = array<i32>} : memref<512x64xf32, #tpu.memory_space<vmem>>, vector<1x16xf32>,
      %get3A_1066 = vector.shape_cast %get3A_1065 : vector<1x16xf32> to vector<16xf32>
      %mul3A_1067 = arith.mulf %get3A_1062, %get3A_1066 : vector<16xf32>
      %get3A_1068 = arith.index_cast %add3A_1044 : i32 to index
      %get3A_1069 = arith.constant 16 : index
      %get3A_1070 = tpu.vector_load %arg14[%get3A_1068, %get3A_1069] {strides = array<i32>} : memref<512x64xf32, #tpu.memory_space<vmem>>, vector<1x16xf32>,
      %get3A_1071 = vector.shape_cast %get3A_1070 : vector<1x16xf32> to vector<16xf32>
      %mul3A_1072 = arith.mulf %mul3A_1067, %get3A_1071 : vector<16xf32>
      %add3A_1073 = arith.addf %mul3A_1058, %mul3A_1072 : vector<16xf32>
      %get3A_1074 = arith.index_cast %add3A_1044 : i32 to index
      %get3A_1075 = arith.constant 32 : index
      %get3A_1076 = tpu.vector_load %arg12[%get3A_1074, %get3A_1075] {strides = array<i32>} : memref<512x64xf32, #tpu.memory_space<vmem>>, vector<1x16xf32>,
      %get3A_1077 = vector.shape_cast %get3A_1076 : vector<1x16xf32> to vector<16xf32>
      %get3A_1078 = arith.index_cast %add3A_1044 : i32 to index
      %get3A_1079 = arith.constant 32 : index
      %get3A_1080 = tpu.vector_load %arg13[%get3A_1078, %get3A_1079] {strides = array<i32>} : memref<512x64xf32, #tpu.memory_space<vmem>>, vector<1x16xf32>,
      %get3A_1081 = vector.shape_cast %get3A_1080 : vector<1x16xf32> to vector<16xf32>
      %mul3A_1082 = arith.mulf %get3A_1077, %get3A_1081 : vector<16xf32>
      %get3A_1083 = arith.index_cast %add3A_1044 : i32 to index
      %get3A_1084 = arith.constant 32 : index
      %get3A_1085 = tpu.vector_load %arg14[%get3A_1083, %get3A_1084] {strides = array<i32>} : memref<512x64xf32, #tpu.memory_space<vmem>>, vector<1x16xf32>,
      %get3A_1086 = vector.shape_cast %get3A_1085 : vector<1x16xf32> to vector<16xf32>
      %mul3A_1087 = arith.mulf %mul3A_1082, %get3A_1086 : vector<16xf32>
      %add3A_1088 = arith.addf %add3A_1073, %mul3A_1087 : vector<16xf32>
      %get3A_1089 = arith.index_cast %add3A_1044 : i32 to index
      %get3A_1090 = arith.constant 48 : index
      %get3A_1091 = tpu.vector_load %arg12[%get3A_1089, %get3A_1090] {strides = array<i32>} : memref<512x64xf32, #tpu.memory_space<vmem>>, vector<1x16xf32>,
      %get3A_1092 = vector.shape_cast %get3A_1091 : vector<1x16xf32> to vector<16xf32>
      %get3A_1093 = arith.index_cast %add3A_1044 : i32 to index
      %get3A_1094 = arith.constant 48 : index
      %get3A_1095 = tpu.vector_load %arg13[%get3A_1093, %get3A_1094] {strides = array<i32>} : memref<512x64xf32, #tpu.memory_space<vmem>>, vector<1x16xf32>,
      %get3A_1096 = vector.shape_cast %get3A_1095 : vector<1x16xf32> to vector<16xf32>
      %mul3A_1097 = arith.mulf %get3A_1092, %get3A_1096 : vector<16xf32>
      %get3A_1098 = arith.index_cast %add3A_1044 : i32 to index
      %get3A_1099 = arith.constant 48 : index
      %get3A_1100 = tpu.vector_load %arg14[%get3A_1098, %get3A_1099] {strides = array<i32>} : memref<512x64xf32, #tpu.memory_space<vmem>>, vector<1x16xf32>,
      %get3A_1101 = vector.shape_cast %get3A_1100 : vector<1x16xf32> to vector<16xf32>
      %mul3A_1102 = arith.mulf %mul3A_1097, %get3A_1101 : vector<16xf32>
      %add3A_1103 = arith.addf %add3A_1088, %mul3A_1102 : vector<16xf32>
      %add3A_1104 = arith.constant 14 : i32
      %add3A_1105 = arith.addi %mul3A_250, %add3A_1104 : i32
      %get3A_1106 = arith.index_cast %add3A_1105 : i32 to index
      %get3A_1107 = arith.constant 0 : index
      %get3A_1108 = tpu.vector_load %arg12[%get3A_1106, %get3A_1107] {strides = array<i32>} : memref<512x64xf32, #tpu.memory_space<vmem>>, vector<1x16xf32>,
      %get3A_1109 = vector.shape_cast %get3A_1108 : vector<1x16xf32> to vector<16xf32>
      %get3A_1110 = arith.index_cast %add3A_1105 : i32 to index
      %get3A_1111 = arith.constant 0 : index
      %get3A_1112 = tpu.vector_load %arg13[%get3A_1110, %get3A_1111] {strides = array<i32>} : memref<512x64xf32, #tpu.memory_space<vmem>>, vector<1x16xf32>,
      %get3A_1113 = vector.shape_cast %get3A_1112 : vector<1x16xf32> to vector<16xf32>
      %mul3A_1114 = arith.mulf %get3A_1109, %get3A_1113 : vector<16xf32>
      %get3A_1115 = arith.index_cast %add3A_1105 : i32 to index
      %get3A_1116 = arith.constant 0 : index
      %get3A_1117 = tpu.vector_load %arg14[%get3A_1115, %get3A_1116] {strides = array<i32>} : memref<512x64xf32, #tpu.memory_space<vmem>>, vector<1x16xf32>,
      %get3A_1118 = vector.shape_cast %get3A_1117 : vector<1x16xf32> to vector<16xf32>
      %mul3A_1119 = arith.mulf %mul3A_1114, %get3A_1118 : vector<16xf32>
      %get3A_1120 = arith.index_cast %add3A_1105 : i32 to index
      %get3A_1121 = arith.constant 16 : index
      %get3A_1122 = tpu.vector_load %arg12[%get3A_1120, %get3A_1121] {strides = array<i32>} : memref<512x64xf32, #tpu.memory_space<vmem>>, vector<1x16xf32>,
      %get3A_1123 = vector.shape_cast %get3A_1122 : vector<1x16xf32> to vector<16xf32>
      %get3A_1124 = arith.index_cast %add3A_1105 : i32 to index
      %get3A_1125 = arith.constant 16 : index
      %get3A_1126 = tpu.vector_load %arg13[%get3A_1124, %get3A_1125] {strides = array<i32>} : memref<512x64xf32, #tpu.memory_space<vmem>>, vector<1x16xf32>,
      %get3A_1127 = vector.shape_cast %get3A_1126 : vector<1x16xf32> to vector<16xf32>
      %mul3A_1128 = arith.mulf %get3A_1123, %get3A_1127 : vector<16xf32>
      %get3A_1129 = arith.index_cast %add3A_1105 : i32 to index
      %get3A_1130 = arith.constant 16 : index
      %get3A_1131 = tpu.vector_load %arg14[%get3A_1129, %get3A_1130] {strides = array<i32>} : memref<512x64xf32, #tpu.memory_space<vmem>>, vector<1x16xf32>,
      %get3A_1132 = vector.shape_cast %get3A_1131 : vector<1x16xf32> to vector<16xf32>
      %mul3A_1133 = arith.mulf %mul3A_1128, %get3A_1132 : vector<16xf32>
      %add3A_1134 = arith.addf %mul3A_1119, %mul3A_1133 : vector<16xf32>
      %get3A_1135 = arith.index_cast %add3A_1105 : i32 to index
      %get3A_1136 = arith.constant 32 : index
      %get3A_1137 = tpu.vector_load %arg12[%get3A_1135, %get3A_1136] {strides = array<i32>} : memref<512x64xf32, #tpu.memory_space<vmem>>, vector<1x16xf32>,
      %get3A_1138 = vector.shape_cast %get3A_1137 : vector<1x16xf32> to vector<16xf32>
      %get3A_1139 = arith.index_cast %add3A_1105 : i32 to index
      %get3A_1140 = arith.constant 32 : index
      %get3A_1141 = tpu.vector_load %arg13[%get3A_1139, %get3A_1140] {strides = array<i32>} : memref<512x64xf32, #tpu.memory_space<vmem>>, vector<1x16xf32>,
      %get3A_1142 = vector.shape_cast %get3A_1141 : vector<1x16xf32> to vector<16xf32>
      %mul3A_1143 = arith.mulf %get3A_1138, %get3A_1142 : vector<16xf32>
      %get3A_1144 = arith.index_cast %add3A_1105 : i32 to index
      %get3A_1145 = arith.constant 32 : index
      %get3A_1146 = tpu.vector_load %arg14[%get3A_1144, %get3A_1145] {strides = array<i32>} : memref<512x64xf32, #tpu.memory_space<vmem>>, vector<1x16xf32>,
      %get3A_1147 = vector.shape_cast %get3A_1146 : vector<1x16xf32> to vector<16xf32>
      %mul3A_1148 = arith.mulf %mul3A_1143, %get3A_1147 : vector<16xf32>
      %add3A_1149 = arith.addf %add3A_1134, %mul3A_1148 : vector<16xf32>
      %get3A_1150 = arith.index_cast %add3A_1105 : i32 to index
      %get3A_1151 = arith.constant 48 : index
      %get3A_1152 = tpu.vector_load %arg12[%get3A_1150, %get3A_1151] {strides = array<i32>} : memref<512x64xf32, #tpu.memory_space<vmem>>, vector<1x16xf32>,
      %get3A_1153 = vector.shape_cast %get3A_1152 : vector<1x16xf32> to vector<16xf32>
      %get3A_1154 = arith.index_cast %add3A_1105 : i32 to index
      %get3A_1155 = arith.constant 48 : index
      %get3A_1156 = tpu.vector_load %arg13[%get3A_1154, %get3A_1155] {strides = array<i32>} : memref<512x64xf32, #tpu.memory_space<vmem>>, vector<1x16xf32>,
      %get3A_1157 = vector.shape_cast %get3A_1156 : vector<1x16xf32> to vector<16xf32>
      %mul3A_1158 = arith.mulf %get3A_1153, %get3A_1157 : vector<16xf32>
      %get3A_1159 = arith.index_cast %add3A_1105 : i32 to index
      %get3A_1160 = arith.constant 48 : index
      %get3A_1161 = tpu.vector_load %arg14[%get3A_1159, %get3A_1160] {strides = array<i32>} : memref<512x64xf32, #tpu.memory_space<vmem>>, vector<1x16xf32>,
      %get3A_1162 = vector.shape_cast %get3A_1161 : vector<1x16xf32> to vector<16xf32>
      %mul3A_1163 = arith.mulf %mul3A_1158, %get3A_1162 : vector<16xf32>
      %add3A_1164 = arith.addf %add3A_1149, %mul3A_1163 : vector<16xf32>
      %add3A_1165 = arith.constant 15 : i32
      %add3A_1166 = arith.addi %mul3A_250, %add3A_1165 : i32
      %get3A_1167 = arith.index_cast %add3A_1166 : i32 to index
      %get3A_1168 = arith.constant 0 : index
      %get3A_1169 = tpu.vector_load %arg12[%get3A_1167, %get3A_1168] {strides = array<i32>} : memref<512x64xf32, #tpu.memory_space<vmem>>, vector<1x16xf32>,
      %get3A_1170 = vector.shape_cast %get3A_1169 : vector<1x16xf32> to vector<16xf32>
      %get3A_1171 = arith.index_cast %add3A_1166 : i32 to index
      %get3A_1172 = arith.constant 0 : index
      %get3A_1173 = tpu.vector_load %arg13[%get3A_1171, %get3A_1172] {strides = array<i32>} : memref<512x64xf32, #tpu.memory_space<vmem>>, vector<1x16xf32>,
      %get3A_1174 = vector.shape_cast %get3A_1173 : vector<1x16xf32> to vector<16xf32>
      %mul3A_1175 = arith.mulf %get3A_1170, %get3A_1174 : vector<16xf32>
      %get3A_1176 = arith.index_cast %add3A_1166 : i32 to index
      %get3A_1177 = arith.constant 0 : index
      %get3A_1178 = tpu.vector_load %arg14[%get3A_1176, %get3A_1177] {strides = array<i32>} : memref<512x64xf32, #tpu.memory_space<vmem>>, vector<1x16xf32>,
      %get3A_1179 = vector.shape_cast %get3A_1178 : vector<1x16xf32> to vector<16xf32>
      %mul3A_1180 = arith.mulf %mul3A_1175, %get3A_1179 : vector<16xf32>
      %get3A_1181 = arith.index_cast %add3A_1166 : i32 to index
      %get3A_1182 = arith.constant 16 : index
      %get3A_1183 = tpu.vector_load %arg12[%get3A_1181, %get3A_1182] {strides = array<i32>} : memref<512x64xf32, #tpu.memory_space<vmem>>, vector<1x16xf32>,
      %get3A_1184 = vector.shape_cast %get3A_1183 : vector<1x16xf32> to vector<16xf32>
      %get3A_1185 = arith.index_cast %add3A_1166 : i32 to index
      %get3A_1186 = arith.constant 16 : index
      %get3A_1187 = tpu.vector_load %arg13[%get3A_1185, %get3A_1186] {strides = array<i32>} : memref<512x64xf32, #tpu.memory_space<vmem>>, vector<1x16xf32>,
      %get3A_1188 = vector.shape_cast %get3A_1187 : vector<1x16xf32> to vector<16xf32>
      %mul3A_1189 = arith.mulf %get3A_1184, %get3A_1188 : vector<16xf32>
      %get3A_1190 = arith.index_cast %add3A_1166 : i32 to index
      %get3A_1191 = arith.constant 16 : index
      %get3A_1192 = tpu.vector_load %arg14[%get3A_1190, %get3A_1191] {strides = array<i32>} : memref<512x64xf32, #tpu.memory_space<vmem>>, vector<1x16xf32>,
      %get3A_1193 = vector.shape_cast %get3A_1192 : vector<1x16xf32> to vector<16xf32>
      %mul3A_1194 = arith.mulf %mul3A_1189, %get3A_1193 : vector<16xf32>
      %add3A_1195 = arith.addf %mul3A_1180, %mul3A_1194 : vector<16xf32>
      %get3A_1196 = arith.index_cast %add3A_1166 : i32 to index
      %get3A_1197 = arith.constant 32 : index
      %get3A_1198 = tpu.vector_load %arg12[%get3A_1196, %get3A_1197] {strides = array<i32>} : memref<512x64xf32, #tpu.memory_space<vmem>>, vector<1x16xf32>,
      %get3A_1199 = vector.shape_cast %get3A_1198 : vector<1x16xf32> to vector<16xf32>
      %get3A_1200 = arith.index_cast %add3A_1166 : i32 to index
      %get3A_1201 = arith.constant 32 : index
      %get3A_1202 = tpu.vector_load %arg13[%get3A_1200, %get3A_1201] {strides = array<i32>} : memref<512x64xf32, #tpu.memory_space<vmem>>, vector<1x16xf32>,
      %get3A_1203 = vector.shape_cast %get3A_1202 : vector<1x16xf32> to vector<16xf32>
      %mul3A_1204 = arith.mulf %get3A_1199, %get3A_1203 : vector<16xf32>
      %get3A_1205 = arith.index_cast %add3A_1166 : i32 to index
      %get3A_1206 = arith.constant 32 : index
      %get3A_1207 = tpu.vector_load %arg14[%get3A_1205, %get3A_1206] {strides = array<i32>} : memref<512x64xf32, #tpu.memory_space<vmem>>, vector<1x16xf32>,
      %get3A_1208 = vector.shape_cast %get3A_1207 : vector<1x16xf32> to vector<16xf32>
      %mul3A_1209 = arith.mulf %mul3A_1204, %get3A_1208 : vector<16xf32>
      %add3A_1210 = arith.addf %add3A_1195, %mul3A_1209 : vector<16xf32>
      %get3A_1211 = arith.index_cast %add3A_1166 : i32 to index
      %get3A_1212 = arith.constant 48 : index
      %get3A_1213 = tpu.vector_load %arg12[%get3A_1211, %get3A_1212] {strides = array<i32>} : memref<512x64xf32, #tpu.memory_space<vmem>>, vector<1x16xf32>,
      %get3A_1214 = vector.shape_cast %get3A_1213 : vector<1x16xf32> to vector<16xf32>
      %get3A_1215 = arith.index_cast %add3A_1166 : i32 to index
      %get3A_1216 = arith.constant 48 : index
      %get3A_1217 = tpu.vector_load %arg13[%get3A_1215, %get3A_1216] {strides = array<i32>} : memref<512x64xf32, #tpu.memory_space<vmem>>, vector<1x16xf32>,
      %get3A_1218 = vector.shape_cast %get3A_1217 : vector<1x16xf32> to vector<16xf32>
      %mul3A_1219 = arith.mulf %get3A_1214, %get3A_1218 : vector<16xf32>
      %get3A_1220 = arith.index_cast %add3A_1166 : i32 to index
      %get3A_1221 = arith.constant 48 : index
      %get3A_1222 = tpu.vector_load %arg14[%get3A_1220, %get3A_1221] {strides = array<i32>} : memref<512x64xf32, #tpu.memory_space<vmem>>, vector<1x16xf32>,
      %get3A_1223 = vector.shape_cast %get3A_1222 : vector<1x16xf32> to vector<16xf32>
      %mul3A_1224 = arith.mulf %mul3A_1219, %get3A_1223 : vector<16xf32>
      %add3A_1225 = arith.addf %add3A_1210, %mul3A_1224 : vector<16xf32>
      %xor3A = arith.constant 1 : i32
      %xor3A_1226 = vector.broadcast %xor3A : i32 to vector<16xi32>
      %xor3A_1227 = arith.xori %iota3A, %xor3A_1226 : vector<16xi32>
      %and3A = arith.constant 1 : i32
      %and3A_1228 = vector.broadcast %and3A : i32 to vector<16xi32>
      %and3A_1229 = arith.andi %iota3A, %and3A_1228 : vector<16xi32>
      %ne3A = arith.constant 0 : i32
      %ne3A_1230 = vector.broadcast %ne3A : i32 to vector<16xi32>
      %ne3A_1231 = arith.cmpi ne, %and3A_1229, %ne3A_1230 : vector<16xi32>
      %broadcast_in_dim3A = vector.shape_cast %xor3A_1227 : vector<16xi32> to vector<16x1xi32>
      %gather3A = vector.shape_cast %broadcast_in_dim3A : vector<16x1xi32> to vector<16xi32>
      %gather3A_1232 = tpu.dynamic_gather %add3A_310[%gather3A] in [0] : vector<16xf32>, vector<16xi32> -> vector<16xf32>
      %add3A_1233 = arith.addf %add3A_310, %gather3A_1232 : vector<16xf32>
      %broadcast_in_dim3A_1234 = vector.shape_cast %xor3A_1227 : vector<16xi32> to vector<16x1xi32>
      %gather3A_1235 = vector.shape_cast %broadcast_in_dim3A_1234 : vector<16x1xi32> to vector<16xi32>
      %gather3A_1236 = tpu.dynamic_gather %add3A_371[%gather3A_1235] in [0] : vector<16xf32>, vector<16xi32> -> vector<16xf32>
      %add3A_1237 = arith.addf %add3A_371, %gather3A_1236 : vector<16xf32>
      %select_n3A = arith.select %ne3A_1231, %add3A_1237, %add3A_1233 : vector<16xi1>, vector<16xf32>
      %broadcast_in_dim3A_1238 = vector.shape_cast %xor3A_1227 : vector<16xi32> to vector<16x1xi32>
      %gather3A_1239 = vector.shape_cast %broadcast_in_dim3A_1238 : vector<16x1xi32> to vector<16xi32>
      %gather3A_1240 = tpu.dynamic_gather %add3A_432[%gather3A_1239] in [0] : vector<16xf32>, vector<16xi32> -> vector<16xf32>
      %add3A_1241 = arith.addf %add3A_432, %gather3A_1240 : vector<16xf32>
      %broadcast_in_dim3A_1242 = vector.shape_cast %xor3A_1227 : vector<16xi32> to vector<16x1xi32>
      %gather3A_1243 = vector.shape_cast %broadcast_in_dim3A_1242 : vector<16x1xi32> to vector<16xi32>
      %gather3A_1244 = tpu.dynamic_gather %add3A_493[%gather3A_1243] in [0] : vector<16xf32>, vector<16xi32> -> vector<16xf32>
      %add3A_1245 = arith.addf %add3A_493, %gather3A_1244 : vector<16xf32>
      %select_n3A_1246 = arith.select %ne3A_1231, %add3A_1245, %add3A_1241 : vector<16xi1>, vector<16xf32>
      %broadcast_in_dim3A_1247 = vector.shape_cast %xor3A_1227 : vector<16xi32> to vector<16x1xi32>
      %gather3A_1248 = vector.shape_cast %broadcast_in_dim3A_1247 : vector<16x1xi32> to vector<16xi32>
      %gather3A_1249 = tpu.dynamic_gather %add3A_554[%gather3A_1248] in [0] : vector<16xf32>, vector<16xi32> -> vector<16xf32>
      %add3A_1250 = arith.addf %add3A_554, %gather3A_1249 : vector<16xf32>
      %broadcast_in_dim3A_1251 = vector.shape_cast %xor3A_1227 : vector<16xi32> to vector<16x1xi32>
      %gather3A_1252 = vector.shape_cast %broadcast_in_dim3A_1251 : vector<16x1xi32> to vector<16xi32>
      %gather3A_1253 = tpu.dynamic_gather %add3A_615[%gather3A_1252] in [0] : vector<16xf32>, vector<16xi32> -> vector<16xf32>
      %add3A_1254 = arith.addf %add3A_615, %gather3A_1253 : vector<16xf32>
      %select_n3A_1255 = arith.select %ne3A_1231, %add3A_1254, %add3A_1250 : vector<16xi1>, vector<16xf32>
      %broadcast_in_dim3A_1256 = vector.shape_cast %xor3A_1227 : vector<16xi32> to vector<16x1xi32>
      %gather3A_1257 = vector.shape_cast %broadcast_in_dim3A_1256 : vector<16x1xi32> to vector<16xi32>
      %gather3A_1258 = tpu.dynamic_gather %add3A_676[%gather3A_1257] in [0] : vector<16xf32>, vector<16xi32> -> vector<16xf32>
      %add3A_1259 = arith.addf %add3A_676, %gather3A_1258 : vector<16xf32>
      %broadcast_in_dim3A_1260 = vector.shape_cast %xor3A_1227 : vector<16xi32> to vector<16x1xi32>
      %gather3A_1261 = vector.shape_cast %broadcast_in_dim3A_1260 : vector<16x1xi32> to vector<16xi32>
      %gather3A_1262 = tpu.dynamic_gather %add3A_737[%gather3A_1261] in [0] : vector<16xf32>, vector<16xi32> -> vector<16xf32>
      %add3A_1263 = arith.addf %add3A_737, %gather3A_1262 : vector<16xf32>
      %select_n3A_1264 = arith.select %ne3A_1231, %add3A_1263, %add3A_1259 : vector<16xi1>, vector<16xf32>
      %broadcast_in_dim3A_1265 = vector.shape_cast %xor3A_1227 : vector<16xi32> to vector<16x1xi32>
      %gather3A_1266 = vector.shape_cast %broadcast_in_dim3A_1265 : vector<16x1xi32> to vector<16xi32>
      %gather3A_1267 = tpu.dynamic_gather %add3A_798[%gather3A_1266] in [0] : vector<16xf32>, vector<16xi32> -> vector<16xf32>
      %add3A_1268 = arith.addf %add3A_798, %gather3A_1267 : vector<16xf32>
      %broadcast_in_dim3A_1269 = vector.shape_cast %xor3A_1227 : vector<16xi32> to vector<16x1xi32>
      %gather3A_1270 = vector.shape_cast %broadcast_in_dim3A_1269 : vector<16x1xi32> to vector<16xi32>
      %gather3A_1271 = tpu.dynamic_gather %add3A_859[%gather3A_1270] in [0] : vector<16xf32>, vector<16xi32> -> vector<16xf32>
      %add3A_1272 = arith.addf %add3A_859, %gather3A_1271 : vector<16xf32>
      %select_n3A_1273 = arith.select %ne3A_1231, %add3A_1272, %add3A_1268 : vector<16xi1>, vector<16xf32>
      %broadcast_in_dim3A_1274 = vector.shape_cast %xor3A_1227 : vector<16xi32> to vector<16x1xi32>
      %gather3A_1275 = vector.shape_cast %broadcast_in_dim3A_1274 : vector<16x1xi32> to vector<16xi32>
      %gather3A_1276 = tpu.dynamic_gather %add3A_920[%gather3A_1275] in [0] : vector<16xf32>, vector<16xi32> -> vector<16xf32>
      %add3A_1277 = arith.addf %add3A_920, %gather3A_1276 : vector<16xf32>
      %broadcast_in_dim3A_1278 = vector.shape_cast %xor3A_1227 : vector<16xi32> to vector<16x1xi32>
      %gather3A_1279 = vector.shape_cast %broadcast_in_dim3A_1278 : vector<16x1xi32> to vector<16xi32>
      %gather3A_1280 = tpu.dynamic_gather %add3A_981[%gather3A_1279] in [0] : vector<16xf32>, vector<16xi32> -> vector<16xf32>
      %add3A_1281 = arith.addf %add3A_981, %gather3A_1280 : vector<16xf32>
      %select_n3A_1282 = arith.select %ne3A_1231, %add3A_1281, %add3A_1277 : vector<16xi1>, vector<16xf32>
      %broadcast_in_dim3A_1283 = vector.shape_cast %xor3A_1227 : vector<16xi32> to vector<16x1xi32>
      %gather3A_1284 = vector.shape_cast %broadcast_in_dim3A_1283 : vector<16x1xi32> to vector<16xi32>
      %gather3A_1285 = tpu.dynamic_gather %add3A_1042[%gather3A_1284] in [0] : vector<16xf32>, vector<16xi32> -> vector<16xf32>
      %add3A_1286 = arith.addf %add3A_1042, %gather3A_1285 : vector<16xf32>
      %broadcast_in_dim3A_1287 = vector.shape_cast %xor3A_1227 : vector<16xi32> to vector<16x1xi32>
      %gather3A_1288 = vector.shape_cast %broadcast_in_dim3A_1287 : vector<16x1xi32> to vector<16xi32>
      %gather3A_1289 = tpu.dynamic_gather %add3A_1103[%gather3A_1288] in [0] : vector<16xf32>, vector<16xi32> -> vector<16xf32>
      %add3A_1290 = arith.addf %add3A_1103, %gather3A_1289 : vector<16xf32>
      %select_n3A_1291 = arith.select %ne3A_1231, %add3A_1290, %add3A_1286 : vector<16xi1>, vector<16xf32>
      %broadcast_in_dim3A_1292 = vector.shape_cast %xor3A_1227 : vector<16xi32> to vector<16x1xi32>
      %gather3A_1293 = vector.shape_cast %broadcast_in_dim3A_1292 : vector<16x1xi32> to vector<16xi32>
      %gather3A_1294 = tpu.dynamic_gather %add3A_1164[%gather3A_1293] in [0] : vector<16xf32>, vector<16xi32> -> vector<16xf32>
      %add3A_1295 = arith.addf %add3A_1164, %gather3A_1294 : vector<16xf32>
      %broadcast_in_dim3A_1296 = vector.shape_cast %xor3A_1227 : vector<16xi32> to vector<16x1xi32>
      %gather3A_1297 = vector.shape_cast %broadcast_in_dim3A_1296 : vector<16x1xi32> to vector<16xi32>
      %gather3A_1298 = tpu.dynamic_gather %add3A_1225[%gather3A_1297] in [0] : vector<16xf32>, vector<16xi32> -> vector<16xf32>
      %add3A_1299 = arith.addf %add3A_1225, %gather3A_1298 : vector<16xf32>
      %select_n3A_1300 = arith.select %ne3A_1231, %add3A_1299, %add3A_1295 : vector<16xi1>, vector<16xf32>
      %xor3A_1301 = arith.constant 2 : i32
      %xor3A_1302 = vector.broadcast %xor3A_1301 : i32 to vector<16xi32>
      %xor3A_1303 = arith.xori %iota3A, %xor3A_1302 : vector<16xi32>
      %and3A_1304 = arith.constant 2 : i32
      %and3A_1305 = vector.broadcast %and3A_1304 : i32 to vector<16xi32>
      %and3A_1306 = arith.andi %iota3A, %and3A_1305 : vector<16xi32>
      %ne3A_1307 = arith.constant 0 : i32
      %ne3A_1308 = vector.broadcast %ne3A_1307 : i32 to vector<16xi32>
      %ne3A_1309 = arith.cmpi ne, %and3A_1306, %ne3A_1308 : vector<16xi32>
      %broadcast_in_dim3A_1310 = vector.shape_cast %xor3A_1303 : vector<16xi32> to vector<16x1xi32>
      %gather3A_1311 = vector.shape_cast %broadcast_in_dim3A_1310 : vector<16x1xi32> to vector<16xi32>
      %gather3A_1312 = tpu.dynamic_gather %select_n3A[%gather3A_1311] in [0] : vector<16xf32>, vector<16xi32> -> vector<16xf32>
      %add3A_1313 = arith.addf %select_n3A, %gather3A_1312 : vector<16xf32>
      %broadcast_in_dim3A_1314 = vector.shape_cast %xor3A_1303 : vector<16xi32> to vector<16x1xi32>
      %gather3A_1315 = vector.shape_cast %broadcast_in_dim3A_1314 : vector<16x1xi32> to vector<16xi32>
      %gather3A_1316 = tpu.dynamic_gather %select_n3A_1246[%gather3A_1315] in [0] : vector<16xf32>, vector<16xi32> -> vector<16xf32>
      %add3A_1317 = arith.addf %select_n3A_1246, %gather3A_1316 : vector<16xf32>
      %select_n3A_1318 = arith.select %ne3A_1309, %add3A_1317, %add3A_1313 : vector<16xi1>, vector<16xf32>
      %broadcast_in_dim3A_1319 = vector.shape_cast %xor3A_1303 : vector<16xi32> to vector<16x1xi32>
      %gather3A_1320 = vector.shape_cast %broadcast_in_dim3A_1319 : vector<16x1xi32> to vector<16xi32>
      %gather3A_1321 = tpu.dynamic_gather %select_n3A_1255[%gather3A_1320] in [0] : vector<16xf32>, vector<16xi32> -> vector<16xf32>
      %add3A_1322 = arith.addf %select_n3A_1255, %gather3A_1321 : vector<16xf32>
      %broadcast_in_dim3A_1323 = vector.shape_cast %xor3A_1303 : vector<16xi32> to vector<16x1xi32>
      %gather3A_1324 = vector.shape_cast %broadcast_in_dim3A_1323 : vector<16x1xi32> to vector<16xi32>
      %gather3A_1325 = tpu.dynamic_gather %select_n3A_1264[%gather3A_1324] in [0] : vector<16xf32>, vector<16xi32> -> vector<16xf32>
      %add3A_1326 = arith.addf %select_n3A_1264, %gather3A_1325 : vector<16xf32>
      %select_n3A_1327 = arith.select %ne3A_1309, %add3A_1326, %add3A_1322 : vector<16xi1>, vector<16xf32>
      %broadcast_in_dim3A_1328 = vector.shape_cast %xor3A_1303 : vector<16xi32> to vector<16x1xi32>
      %gather3A_1329 = vector.shape_cast %broadcast_in_dim3A_1328 : vector<16x1xi32> to vector<16xi32>
      %gather3A_1330 = tpu.dynamic_gather %select_n3A_1273[%gather3A_1329] in [0] : vector<16xf32>, vector<16xi32> -> vector<16xf32>
      %add3A_1331 = arith.addf %select_n3A_1273, %gather3A_1330 : vector<16xf32>
      %broadcast_in_dim3A_1332 = vector.shape_cast %xor3A_1303 : vector<16xi32> to vector<16x1xi32>
      %gather3A_1333 = vector.shape_cast %broadcast_in_dim3A_1332 : vector<16x1xi32> to vector<16xi32>
      %gather3A_1334 = tpu.dynamic_gather %select_n3A_1282[%gather3A_1333] in [0] : vector<16xf32>, vector<16xi32> -> vector<16xf32>
      %add3A_1335 = arith.addf %select_n3A_1282, %gather3A_1334 : vector<16xf32>
      %select_n3A_1336 = arith.select %ne3A_1309, %add3A_1335, %add3A_1331 : vector<16xi1>, vector<16xf32>
      %broadcast_in_dim3A_1337 = vector.shape_cast %xor3A_1303 : vector<16xi32> to vector<16x1xi32>
      %gather3A_1338 = vector.shape_cast %broadcast_in_dim3A_1337 : vector<16x1xi32> to vector<16xi32>
      %gather3A_1339 = tpu.dynamic_gather %select_n3A_1291[%gather3A_1338] in [0] : vector<16xf32>, vector<16xi32> -> vector<16xf32>
      %add3A_1340 = arith.addf %select_n3A_1291, %gather3A_1339 : vector<16xf32>
      %broadcast_in_dim3A_1341 = vector.shape_cast %xor3A_1303 : vector<16xi32> to vector<16x1xi32>
      %gather3A_1342 = vector.shape_cast %broadcast_in_dim3A_1341 : vector<16x1xi32> to vector<16xi32>
      %gather3A_1343 = tpu.dynamic_gather %select_n3A_1300[%gather3A_1342] in [0] : vector<16xf32>, vector<16xi32> -> vector<16xf32>
      %add3A_1344 = arith.addf %select_n3A_1300, %gather3A_1343 : vector<16xf32>
      %select_n3A_1345 = arith.select %ne3A_1309, %add3A_1344, %add3A_1340 : vector<16xi1>, vector<16xf32>
      %xor3A_1346 = arith.constant 4 : i32
      %xor3A_1347 = vector.broadcast %xor3A_1346 : i32 to vector<16xi32>
      %xor3A_1348 = arith.xori %iota3A, %xor3A_1347 : vector<16xi32>
      %and3A_1349 = arith.constant 4 : i32
      %and3A_1350 = vector.broadcast %and3A_1349 : i32 to vector<16xi32>
      %and3A_1351 = arith.andi %iota3A, %and3A_1350 : vector<16xi32>
      %ne3A_1352 = arith.constant 0 : i32
      %ne3A_1353 = vector.broadcast %ne3A_1352 : i32 to vector<16xi32>
      %ne3A_1354 = arith.cmpi ne, %and3A_1351, %ne3A_1353 : vector<16xi32>
      %broadcast_in_dim3A_1355 = vector.shape_cast %xor3A_1348 : vector<16xi32> to vector<16x1xi32>
      %gather3A_1356 = vector.shape_cast %broadcast_in_dim3A_1355 : vector<16x1xi32> to vector<16xi32>
      %gather3A_1357 = tpu.dynamic_gather %select_n3A_1318[%gather3A_1356] in [0] : vector<16xf32>, vector<16xi32> -> vector<16xf32>
      %add3A_1358 = arith.addf %select_n3A_1318, %gather3A_1357 : vector<16xf32>
      %broadcast_in_dim3A_1359 = vector.shape_cast %xor3A_1348 : vector<16xi32> to vector<16x1xi32>
      %gather3A_1360 = vector.shape_cast %broadcast_in_dim3A_1359 : vector<16x1xi32> to vector<16xi32>
      %gather3A_1361 = tpu.dynamic_gather %select_n3A_1327[%gather3A_1360] in [0] : vector<16xf32>, vector<16xi32> -> vector<16xf32>
      %add3A_1362 = arith.addf %select_n3A_1327, %gather3A_1361 : vector<16xf32>
      %select_n3A_1363 = arith.select %ne3A_1354, %add3A_1362, %add3A_1358 : vector<16xi1>, vector<16xf32>
      %broadcast_in_dim3A_1364 = vector.shape_cast %xor3A_1348 : vector<16xi32> to vector<16x1xi32>
      %gather3A_1365 = vector.shape_cast %broadcast_in_dim3A_1364 : vector<16x1xi32> to vector<16xi32>
      %gather3A_1366 = tpu.dynamic_gather %select_n3A_1336[%gather3A_1365] in [0] : vector<16xf32>, vector<16xi32> -> vector<16xf32>
      %add3A_1367 = arith.addf %select_n3A_1336, %gather3A_1366 : vector<16xf32>
      %broadcast_in_dim3A_1368 = vector.shape_cast %xor3A_1348 : vector<16xi32> to vector<16x1xi32>
      %gather3A_1369 = vector.shape_cast %broadcast_in_dim3A_1368 : vector<16x1xi32> to vector<16xi32>
      %gather3A_1370 = tpu.dynamic_gather %select_n3A_1345[%gather3A_1369] in [0] : vector<16xf32>, vector<16xi32> -> vector<16xf32>
      %add3A_1371 = arith.addf %select_n3A_1345, %gather3A_1370 : vector<16xf32>
      %select_n3A_1372 = arith.select %ne3A_1354, %add3A_1371, %add3A_1367 : vector<16xi1>, vector<16xf32>
      %xor3A_1373 = arith.constant 8 : i32
      %xor3A_1374 = vector.broadcast %xor3A_1373 : i32 to vector<16xi32>
      %xor3A_1375 = arith.xori %iota3A, %xor3A_1374 : vector<16xi32>
      %and3A_1376 = arith.constant 8 : i32
      %and3A_1377 = vector.broadcast %and3A_1376 : i32 to vector<16xi32>
      %and3A_1378 = arith.andi %iota3A, %and3A_1377 : vector<16xi32>
      %ne3A_1379 = arith.constant 0 : i32
      %ne3A_1380 = vector.broadcast %ne3A_1379 : i32 to vector<16xi32>
      %ne3A_1381 = arith.cmpi ne, %and3A_1378, %ne3A_1380 : vector<16xi32>
      %broadcast_in_dim3A_1382 = vector.shape_cast %xor3A_1375 : vector<16xi32> to vector<16x1xi32>
      %gather3A_1383 = vector.shape_cast %broadcast_in_dim3A_1382 : vector<16x1xi32> to vector<16xi32>
      %gather3A_1384 = tpu.dynamic_gather %select_n3A_1363[%gather3A_1383] in [0] : vector<16xf32>, vector<16xi32> -> vector<16xf32>
      %add3A_1385 = arith.addf %select_n3A_1363, %gather3A_1384 : vector<16xf32>
      %broadcast_in_dim3A_1386 = vector.shape_cast %xor3A_1375 : vector<16xi32> to vector<16x1xi32>
      %gather3A_1387 = vector.shape_cast %broadcast_in_dim3A_1386 : vector<16x1xi32> to vector<16xi32>
      %gather3A_1388 = tpu.dynamic_gather %select_n3A_1372[%gather3A_1387] in [0] : vector<16xf32>, vector<16xi32> -> vector<16xf32>
      %add3A_1389 = arith.addf %select_n3A_1372, %gather3A_1388 : vector<16xf32>
      %select_n3A_1390 = arith.select %ne3A_1381, %add3A_1389, %add3A_1385 : vector<16xi1>, vector<16xf32>
      %neg3A = arith.constant 0.000000e+00 : f32
      %neg3A_1391 = vector.broadcast %neg3A : f32 to vector<16xf32>
      %neg3A_1392 = arith.subf %neg3A_1391, %select_n3A_1390 : vector<16xf32>
      %exp3A = math.exp %neg3A_1392 : vector<16xf32>
      %add3A_1393 = arith.constant 1.000000e+00 : f32
      %add3A_1394 = vector.broadcast %add3A_1393 : f32 to vector<16xf32>
      %add3A_1395 = arith.addf %add3A_1394, %exp3A : vector<16xf32>
      %div3A = arith.constant 1.000000e+00 : f32
      %div3A_1396 = vector.broadcast %div3A : f32 to vector<16xf32>
      %div3A_1397 = arith.divf %div3A_1396, %add3A_1395 : vector<16xf32>
      %swap3A = arith.index_cast %mul3A_250 : i32 to index
      %swap3A_1398 = tpu.vector_load %arg15[%swap3A] {strides = array<i32>} : memref<512xf32, #tpu.memory_space<vmem>>, vector<16xf32>,
      %swap3A_1399 = vector.shape_cast %swap3A_1398 : vector<16xf32> to vector<16xf32>
      %swap3A_1400 = vector.shape_cast %div3A_1397 : vector<16xf32> to vector<16xf32>
      tpu.vector_store %arg15[%swap3A], %swap3A_1400 {strides = array<i32>} : memref<512xf32, #tpu.memory_space<vmem>>, vector<16xf32>,
    }
    %scan3A_245 = arith.constant 32 : i32
    %mul3A_246 = arith.constant 512 : i32
    %mul3A_247 = arith.muli %add3A, %mul3A_246 : i32
    "tpu.region"() ({
      %run_scoped3A = tpu.sem_alloc : memref<!tpu.dma_semaphore, #tpu.memory_space<semaphore_mem>>
      %dma_start3A_248 = tpu.memref_slice %arg8[%mul3A_247] : memref<16384xf32, #tpu.memory_space<hbm>> -> memref<512xf32, #tpu.memory_space<hbm>>
      %dma_start3A_249 = tpu.memref_slice %arg8[%mul3A_247] : memref<16384xf32, #tpu.memory_space<hbm>> -> memref<512xf32, #tpu.memory_space<hbm>>
      tpu.enqueue_dma source(%arg15 : memref<512xf32, #tpu.memory_space<vmem>>) target(%dma_start3A_249 : memref<512xf32, #tpu.memory_space<hbm>>) target_semaphore(%run_scoped3A : memref<!tpu.dma_semaphore, #tpu.memory_space<semaphore_mem>>)
      %dma_wait3A_250 = tpu.memref_slice %arg8[%mul3A_247] : memref<16384xf32, #tpu.memory_space<hbm>> -> memref<512xf32, #tpu.memory_space<hbm>>
      %dma_wait3A_251 = tpu.memref_slice %arg8[%mul3A_247] : memref<16384xf32, #tpu.memory_space<hbm>> -> memref<512xf32, #tpu.memory_space<hbm>>
      tpu.wait_dma2 semaphore(%run_scoped3A : memref<!tpu.dma_semaphore, #tpu.memory_space<semaphore_mem>>) src(%arg15 : memref<512xf32, #tpu.memory_space<vmem>>) dst(%dma_wait3A_251 : memref<512xf32, #tpu.memory_space<hbm>>)
      tpu.yield
    }) : () -> ()
    return
  }
}

</mosaic_0001>

<sc_bundles>
// kernel: kernel.3.cloned.1.call-start
scs
__scs_entry_jumppad:
0x0: {  	(pc) =	sbr.rel $0x88, $3  }
0x1: {  	(tag) =	ssettag $0x0;
	lr =	simm.s32 $0x1  }
0x2: {  	[smem:$0x3F9C] =	sst lr;
	_ =	strace $0xD0000000  }
0x3: {  	_ = 	snop  }
0x4: {  	_ = 	snop  }
0x5: {  	_ = 	snop  }
0x6: {  	_ = 	snop  }
0x7: {  	_ = 	snop  }
__scs_overlays_trampoline_lowered:
0x8: {  	[smem:$0x3FAB] =	sst s0  }
0x9: {  	[smem:$0x3FAC] =	sst s1  }
0xa: {  	[smem:$0x3FAD] =	sst s2  }
0xb: {  	[smem:$0x3FAE] =	sst s3  }
0xc: {  	[smem:$0x3FAF] =	sst s4  }
0xd: {  	[smem:$0x3FB0] =	sst s5  }
0xe: {  	[smem:$0x3FB1] =	sst s6  }
0xf: {  	[smem:$0x3FB2] =	sst s7  }
0x10: {  	[smem:$0x3FB3] =	sst s8  }
0x11: {  	[smem:$0x3FB4] =	sst s9;
	s0 =	simm.s32 @!p0 $0x0  }
0x12: {  	s1 =	sld [smem:$0x3F9A];
	s0 =	simm.s32 @p0 $0x1  }
0x13: {  	[smem:$0x3FB5] =	sst s0;
	s0 =	simm.s32 @!p1 $0x0  }
0x14: {  	s2 =	sld [smem:$0x3F99];
	s0 =	simm.s32 @p1 $0x1  }
0x15: {  	[smem:$0x3FB6] =	sst s0;
	s0 =	simm.s32 @!p2 $0x0  }
0x16: {  	s3 =	sld [smem:$0x3FDB];
	s0 =	simm.s32 @p2 $0x1  }
0x17: {  	s4 =	simm.s32 $0x1BF5;
	[smem:$0x3FB8] =	sst s0  }
0x18: {  	s0 =	sld [smem:$0x3F9B];
	_ =	swait.ge [sflag:s4], $0x0  }
0x19: {  	s7 =	sld [smem:$0x3F9C]  }
0x1a: {  	s8 =	sadd.s32 $0xFFFFE003, lr  }
0x1b: {  	s9 =	sadd.s32 $0xFFFFFEF7, lr;
	s5 =	simm.s32 $0xFFFFFFFF;
	p2 =	slt.u32 s8, $0xFFFFF086  }
0x1c: {  	p1 =	slt.u32 s9, $0xF7A;
	s5 =	simm.s32 @!p2 $0x0  }
0x1d: {  	s5 =	simm.s32 @p1 $0x1;
	p0 =	seq.s32 s7, s2  }
0x1e: {  	s7 =	smul.u32 @!p0 $0xF7A, s2;
	p2 =	seq.s32 @!p0 s5, $0x0  }
0x1f: {  	s9 =	smul.u32 $0xF7A, s1;
	s8 =	simm.s32 @!p0 $0x1BF5;
	p2 =	por !p2, p0  }
0x20: {  	[sflag:s8] =	ssyncset.s32 @!p0 $0xFFFFF086;
	s6 =	sadd.s32 @!p0 s3, s7;
	s7 =	simm.s32 @!p0 $0x108  }
0x21: {  	s3 =	sadd.s32 s3, s9;
	s6 =	sadd.s32 @!p0 $0x88, s6;
	s7 =	simm.s32 @p2 $0x1082  }
0x22: {  	[simem:s7], [sflag:s8] =	dma.local @!p0 [hbm:s6], $0xF7A  }
0x23: {  	s9 =	sor.u32 $0xD0000000, s2;
	s6 =	simm.s32 $0x108;
	_ =	swait.ge @!p0 [sflag:s8], $0x0  }
0x24: {  	s3 =	sadd.s32 $0x88, s3;
	s6 =	simm.s32 @!p1 $0x1082;
	[sflag:s4] =	ssyncset.s32 $0xFFFFF086  }
0x25: {  	[simem:s6], [sflag:s4] =	dma.local [hbm:s3], $0xF7A  }
0x26: {  	[smem:$0x3F9C] =	sst s1;
	(tag) =	ssettag s2;
	_ =	strace s9  }
0x27: {  	s1 =	sld [smem:$0x3FAC]  }
0x28: {  	s2 =	sld [smem:$0x3FAD]  }
0x29: {  	s4 =	sld [smem:$0x3FAF]  }
0x2a: {  	p0 =	seq.s32 s5, $0x0;
	s5 =	sld [smem:$0x3FB0]  }
0x2b: {  	s6 =	sld [smem:$0x3FB1]  }
0x2c: {  	s7 =	sld [smem:$0x3FB2]  }
0x2d: {  	s3 =	simm.s32 $0x108;
	s8 =	sld [smem:$0x3FB3]  }
0x2e: {  	s3 =	simm.s32 @!p0 $0x1082;
	s9 =	sld [smem:$0x3FB4]  }
0x2f: {  	lr =	sadd.s32 s0, s3;
	s0 =	sld [smem:$0x3FAB]  }
0x30: {  	s3 =	sld [smem:$0x3FAE]  }
0x31: {  	[smem:$0x3FB7] =	sst s10  }
0x32: {  	s10 =	sld [smem:$0x3FB5];
	_ =	sdelay $0x3  }
0x33: {  	p0 =	seq.s32 s10, $0x1;
	s10 =	sld [smem:$0x3FB7];
	_ =	sdelay $0x3  }
0x34: {  	[smem:$0x3FB7] =	sst s10  }
0x35: {  	s10 =	sld [smem:$0x3FB6];
	_ =	sdelay $0x3  }
0x36: {  	p1 =	seq.s32 s10, $0x1;
	s10 =	sld [smem:$0x3FB7];
	_ =	sdelay $0x3  }
0x37: {  	[smem:$0x3FB7] =	sst s10  }
0x38: {  	s10 =	sld [smem:$0x3FB8]  }
0x39: {  	_ = 	snop;
	(pc) =	sbr.ind lr, $3  }
0x3a: {  	_ = 	snop  }
0x3b: {  	_ = 	snop  }
0x3c: {  	p2 =	seq.s32 s10, $0x1;
	s10 =	sld [smem:$0x3FB7]  }
0x3d: {  	_ =	shalt  }
0x3e: {  	_ =	shalt  }
0x3f: {  	_ =	shalt  }
0x40: {  	_ =	shalt  }
0x41: {  	_ =	shalt  }
0x42: {  	_ =	shalt  }
0x43: {  	_ =	shalt  }
0x44: {  	_ =	shalt  }
0x45: {  	_ =	shalt  }
0x46: {  	_ =	shalt  }
0x47: {  	_ =	shalt  }
0x48: {  	_ =	shalt  }
0x49: {  	_ =	shalt  }
0x4a: {  	_ =	shalt  }
0x4b: {  	_ =	shalt  }
0x4c: {  	_ =	shalt  }
0x4d: {  	_ =	shalt  }
0x4e: {  	_ =	shalt  }
0x4f: {  	_ =	shalt  }
0x50: {  	_ =	shalt  }
0x51: {  	_ =	shalt  }
0x52: {  	_ =	shalt  }
0x53: {  	_ =	shalt  }
0x54: {  	_ =	shalt  }
0x55: {  	_ =	shalt  }
0x56: {  	_ =	shalt  }
0x57: {  	_ =	shalt  }
0x58: {  	_ =	shalt  }
0x59: {  	_ =	shalt  }
0x5a: {  	_ =	shalt  }
0x5b: {  	_ =	shalt  }
0x5c: {  	_ =	shalt  }
0x5d: {  	_ =	shalt  }
0x5e: {  	_ =	shalt  }
0x5f: {  	_ =	shalt  }
0x60: {  	_ =	shalt  }
0x61: {  	_ =	shalt  }
0x62: {  	_ =	shalt  }
0x63: {  	_ =	shalt  }
0x64: {  	_ =	shalt  }
0x65: {  	_ =	shalt  }
0x66: {  	_ =	shalt  }
0x67: {  	_ =	shalt  }
0x68: {  	_ =	shalt  }
0x69: {  	_ =	shalt  }
0x6a: {  	_ =	shalt  }
0x6b: {  	_ =	shalt  }
0x6c: {  	_ =	shalt  }
0x6d: {  	_ =	shalt  }
0x6e: {  	_ =	shalt  }
0x6f: {  	_ =	shalt  }
0x70: {  	_ =	shalt  }
0x71: {  	_ =	shalt  }
0x72: {  	_ =	shalt  }
0x73: {  	_ =	shalt  }
0x74: {  	_ =	shalt  }
0x75: {  	_ =	shalt  }
0x76: {  	_ =	shalt  }
0x77: {  	_ =	shalt  }
0x78: {  	_ =	shalt  }
0x79: {  	_ =	shalt  }
0x7a: {  	_ =	shalt  }
0x7b: {  	_ =	shalt  }
0x7c: {  	_ =	shalt  }
0x7d: {  	_ =	shalt  }
0x7e: {  	_ =	shalt  }
0x7f: {  	_ =	shalt  }
0x80: {  	_ =	shalt  }
0x81: {  	_ =	shalt  }
0x82: {  	_ =	shalt  }
0x83: {  	_ =	shalt  }
0x84: {  	_ =	shalt  }
0x85: {  	_ =	shalt  }
0x86: {  	_ =	shalt  }
0x87: {  	_ =	shalt  }
.Lfunc_end0:
.L_simem_size_0:
called_computation_lowered:
.L_overlay_start_0:
0x88: {  	s2 =	sld [smem:$0x3FD9]  }
0x89: {  	s3 =	sld [smem:$0x3FFE];
	_ =	sdelay $0x1  }
0x8a: {  	s1 =	srdreg.scid  }
0x8b: {  	s0 =	sand.u32 $0x1, s1  }
0x8c: {  	s14 =	sshll.u32 s0, $0xA;
	s2 =	sadd.s32 s3, s2  }
0x8d: {  	s2 =	sadd.s32 s2, s14  }
0x8e: {  	[smem:$0x3FC3] =	sst s2  }
0x8f: {  	_ = 	snop  }
0x90: {  	s2 =	sld [smem:$0x3FD0]  }
0x91: {  	s15 =	sld [smem:$0x3FC9]  }
0x92: {  	s4 =	sld [smem:$0x3FC8]  }
0x93: {  	s6 =	simm.s32 $0xA;
	s7 =	simm.s32 $0x10;
	s5 =	sld [smem:$0x3FC7]  }
0x94: {  	[smem:s7], [sflag:s6] =	dma.local [hbm:s2], $0x1  }
0x95: {  	_ =	swait.eq [sflag:s6], $0x1  }
0x96: {  	[sflag:s6] =	ssyncset.done $0x0  }
0x97: {  	[sflag:s6] =	ssyncadd.s32 $0xFFFFFFFF  }
0x98: {  	s16 =	sld [smem:$0x10];
	(tm) =	ssettm $0x1  }
0x99: {  	s17 =	sld [smem:$0x3FFB];
	_ =	sdelay $0x3  }
0x9a: {  	_ =	strace s17  }
0x9b: {  	s6 =	sld [smem:$0x3FFC];
	_ =	sdelay $0x3  }
0x9c: {  	_ =	strace s6  }
0x9d: {  	s6 =	sld [smem:$0x3FFD];
	_ =	sdelay $0x3  }
0x9e: {  	_ =	strace s6  }
0x9f: {  	_ =	strace $0x8FFFFFFF  }
0xa0: {  	s18 =	sld [smem:$0x3FDB];
	_ =	sdelay $0x1  }
0xa1: {  	s19 =	simm.s32 $_scs_section_size  }
0xa2: {  	s8 =	simm.s32 $_size__tile_overlayer_lowered;
	s9 =	simm.s32 $_tile_overlayer_lowered  }
0xa3: {  	s22 =	simm.s32 $0x1BFF;
	s21 =	sshll.u32 s9, $0x1;
	s6 =	sadd.s32 s19, s18  }
0xa4: {  	s10 =	simm.s32 $0x0;
	s20 =	sshll.u32 s8, $0x1;
	s8 =	sadd.s32 s21, s6  }
0xa5: {  	[timem:s10], [sflag:s22] =	dma.local [hbm:s8], s20  }
0xa6: {  	_ =	swait.ge [sflag:s22], s20  }
0xa7: {  	s7 =	ssub.s32 $0x0, s20;
	[sflag:s22] =	ssyncset.done $0x0  }
0xa8: {  	[sflag:s22] =	ssyncadd.s32 s7;
	_ =	sdelay $0x1  }
0xa9: {  	s23 =	simm.s32 $0x1B8B  }
0xaa: {  	_ =	swait.ge [sflag:s23], $0x1  }
0xab: {  	[sflag:s23] =	ssyncset.done $0x0  }
0xac: {  	s25 =	simm.s32 $0x1B8E;
	s24 =	sld [smem:$0x3FFE];
	[sflag:s23] =	ssyncadd.s32 $0xFFFFFFFF  }
0xad: {  	s26 =	simm.s32 $execute0_lowered;
	[smem:$0x3FD2] =	sst s25  }
0xae: {  	s8 =	sshll.u32 s26, $0x1;
	_ =	strace $0x80000046;
	[dreg:$0x1] =	wrdreg $0xFFFFFFFF  }
0xaf: {  	s28 =	simm.s32 $_size_execute0_lowered;
	s6 =	sadd.s32 s6, s8;
	[dreg:$0x0] =	wrdreg $0x0  }
0xb0: {  	s8 =	sshll.u32 s28, $0x1;
	[dreg:$0x2] =	wrdreg s6  }
0xb1: {  	[dreg:$0x3] =	wrdreg s8  }
0xb2: {  	[dreg:$0x4] =	wrdreg $0xC0  }
0xb3: {  	_ =	task [dreg:s10], $0x5FFFF  }
0xb4: {  	[dreg:$0x1] =	wrdreg $0xFFFFFFFF  }
0xb5: {  	[dreg:$0x0] =	wrdreg $0x60  }
0xb6: {  	[dreg:$0x2] =	wrdreg s15  }
0xb7: {  	[dreg:$0x3] =	wrdreg s4  }
0xb8: {  	[dreg:$0x4] =	wrdreg s5  }
0xb9: {  	[dreg:$0x5] =	wrdreg s24  }
0xba: {  	[dreg:$0x6] =	wrdreg s16  }
0xbb: {  	[dreg:$0x7] =	wrdreg $0x9  }
0xbc: {  	_ =	task.clear_ibuf [dreg:s10], $0x8FFFF;
	_ =	strace $0x90000046  }
0xbd: {  	s29 =	simm.s32 $0x9;
	_ =	strace $0x80000048  }
0xbe: {  	_ =	swait.ge [sflag:s29], $0x1  }
0xbf: {  	[sflag:s29] =	ssyncadd.s32 $0xFFFFFFFF  }
0xc0: {  	_ =	strace $0x90000048  }
0xc1: {  	_ =	sfence  }
0xc2: {  	s30 =	sld [smem:$0x0];
	_ =	sdelay $0x2  }
0xc3: {  	s31 =	sshll.u32 s1, $0xD;
	s1 =	sshrl.u32 s1, $0x2  }
0xc4: {  	s3 =	sand.u32 $0x4000, s31;
	s1 =	sadd.s32 s1, s30  }
0xc5: {  	s0 =	sor.u32 s3, s0;
	s1 =	sshll.u32 s1, $0x11  }
0xc6: {  	s0 =	sor.u32 s1, s0  }
0xc7: {  	s0 =	sadd.s32 $0x8F2B, s0  }
0xc8: {  	[sflag:s0] =	ssyncadd.remote.s32 $0x1  }
0xc9: {  	_ =	sfence.sel $0xFFFF  }
0xca: {  	[dreg:$0x0] =	wrdreg $0xFFFFFFFF;
	(pc) =	sbr.abs _section_cstart, $3  }
0xcb: {  	[dreg:$0x1] =	wrdreg $0xFFFFFFFF  }
0xcc: {  	_ =	task.clear_ibuf [dreg:s10], $0x2FFFF;
	_ =	strace $0x9FFFFFFF  }
0xcd: {  	(tm) =	ssettm $0x7FFFFFFF  }
tec
execute0_lowered:
.L_overlay_start_1:
0x0: {  	(tag) =	ssettag $0x1  }
0x1: {  	v0 =	vimm.s32 $0xEFCDAB89;
	vm0 =	vcmask $0xB08  }
0x2: {  	vm1 =	vcmask $0x300;
	v1 =	vimm.s32 $0x67452301;
	v2 =	vimm.s32 $0xDCFE98BA  }
0x3: {  	s0 =	rddreg [dreg:$0x0];
	v3 =	vimm.s32 $0x54761032;
	vm2 =	vcmask $0x700;
	vm3 =	vcmask $0x3B38  }
0x4: {  	s2 =	rddreg [dreg:$0x1];
	v58 =	vimm.s32 $0xBA98FEDC;
	v59 =	vimm.s32 $0x32107654;
	v4 =	vimm.s32 $0xFEDCBA98  }
0x5: {  	s7 =	rddreg [dreg:$0x2];
	v5 =	vimm.s32 $0x76543210;
	v0 =	vunpack.c.l.s4.s8 v0;
	vm0 =	vmor vm1, vm0  }
0x6: {  	s4 =	rddreg [dreg:$0x3];
	vm1 =	vcmask $0x1310;
	v1 =	vunpack.c.l.s4.s8 v1;
	v2 =	vunpack.c.l.s4.s8 v2  }
0x7: {  	s8 =	rddreg [dreg:$0x4];
	v3 =	vunpack.c.l.s4.s8 v3;
	v4 =	vunpack.c.l.s4.s8 v4;
	v5 =	vunpack.c.l.s4.s8 v5  }
0x8: {  	s1 =	simm.s32 $0x0;
	s5 =	srdreg.scid;
	s9 =	stileid.u32;
	vm0 =	vmor vm0, vm1;
	vm1 =	vcmask $0x1B18;
	v0 =	vunpack.c.0.s8.s32 v0  }
0x9: {  	s11 =	simm.s32 $0x400;
	s13 =	simm.s32 $0x2;
	s14 =	simm.s32 $0x80;
	vm0 =	vmor vm0, vm1;
	vm1 =	vcmask $0x2320;
	v1 =	vunpack.c.0.s8.s32 v1  }
0xa: {  	s21 =	simm.s32 $0x12600;
	s22 =	simm.s32 $0x100;
	s23 =	simm.s32 $0x4600;
	v56 =	vunpack.c.0.s8.s32 v2;
	v57 =	vunpack.c.0.s8.s32 v3;
	v2 =	vunpack.c.l.s4.s8 v58  }
0xb: {  	s24 =	simm.s32 $0x300;
	s25 =	simm.s32 $0xC600;
	s26 =	simm.s32 $0x500;
	v3 =	vunpack.c.l.s4.s8 v59;
	vm0 =	vmor vm0, vm1;
	vm1 =	vcmask $0x2B28  }
0xc: {  	s28 =	simm.s32 $0x14600;
	s29 =	simm.s32 $0x180;
	s30 =	simm.s32 $0x6600;
	v4 =	vunpack.c.0.s8.s32 v4;
	v60 =	vunpack.c.0.s8.s32 v5;
	vm0 =	vmor vm0, vm1  }
0xd: {  	s31 =	simm.s32 $0x380;
	s12 =	simm.s32 $0x16600;
	s15 =	simm.s32 $0x1;
	vm1 =	vcmask $0x3330;
	v0 =	vcombine.low v1, v0;
	v2 =	vunpack.c.0.s8.s32 v2  }
0xe: {  	s16 =	simm.s32 $0x18600;
	s17 =	simm.s32 $0x0;
	[smem:$0x7FF] =	sst s1;
	v3 =	vunpack.c.0.s8.s32 v3;
	vm0 =	vmor vm0, vm1;
	vm1 =	vcmask $0x1710  }
0xf: {  	s3 =	sadd.s32 $0xF42A00, s4;
	s5 =	sand.u32 $0x1, s5;
	s9 =	sshll.u32 s9, $0x7;
	v1 =	vcombine.low v57, v56;
	v62 =	vand.u32 $0xF, v4;
	vm1 =	vmor vm2, vm1  }
0x10: {  	s4 =	sadd.s32 $0x600, s4;
	s6 =	ssub.s32 $0x2, s5;
	s5 =	sshll.u32 s5, $0x6;
	vm2 =	vcmask $0x2720;
	v2 =	vcombine.low v3, v2;
	v0 =	vand.u32 $0xF, v0  }
0x11: {  	_ =	strace $0x80000047;
	s10 =	sshrl.u32 s6, $0x1;
	s9 =	sor.u32 s5, s9;
	vm0 =	vmor vm0, vm3;
	v61 =	vand.u32 $0xF, v1;
	vm1 =	vmor vm1, vm2;
	[tilespmem:$0x1FFC0] =	vst v0  }
0x12: {  	s10 =	ssub.s32 s6, s10;
	s5 =	sadd.s32 s0, s9;
	s6 =	sadd.s32 s2, s9;
	vm2 =	vcmask $0x3730;
	[tilespmem:$0x1FFD0] =	vst v61;
	v0 =	vcombine.low v62, v60;
	v63 =	vand.u32 $0xF, v2  }
0x13: {  	s7 =	sadd.s32 s7, s9;
	s8 =	sadd.s32 s8, s9;
	s0 =	simm.s32 $0xE600;
	vm3 =	vcmask $0xF00;
	vm1 =	vmor vm1, vm2;
	vm2 =	vcmask $0x2F20;
	[tilespmem:$0x1FFE0] =	vst v63  }
0x14: {  	s2 =	simm.s32 $0x580;
	s9 =	smax.u32 s10, $0x1;
	s10 =	simm.s32 $0x200;
	vm2 =	vmor vm3, vm2;
	[tilespmem:$0x1FFF0] =	vst v0;
	vm3 =	vmmov $0xff  }
.LBB2_1:
0x15: {  	[tilespmem:s1], [sflag:$0x2] =	stream.linear.gather [hbm4b:s5+s1], $0x200, $0x38;
	[tilespmem:$0x18800] =	vst v63  }
0x16: {  	_ =	swait.ge [sflag:s13], $0x200  }
0x17: {  	[sflag:s13] =	ssyncset.done $0x0  }
0x18: {  	[sflag:s13] =	ssyncadd.s32 $0xFFFFFE00  }
0x19: {  	[tilespmem:s10], [sflag:$0x2] =	stream.linear.gather [hbm4b:s6+s1], $0x200, $0x38;
	[tilespmem:$0x18800] =	vst v63  }
0x1a: {  	_ =	swait.ge [sflag:s13], $0x200  }
0x1b: {  	[sflag:s13] =	ssyncset.done $0x0  }
0x1c: {  	[sflag:s13] =	ssyncadd.s32 $0xFFFFFE00  }
0x1d: {  	[tilespmem:s11], [sflag:$0x2] =	stream.linear.gather [hbm4b:s7+s1], $0x200, $0x38;
	[tilespmem:$0x18800] =	vst v63  }
0x1e: {  	_ =	swait.ge [sflag:s13], $0x200  }
0x1f: {  	[sflag:s13] =	ssyncset.done $0x0  }
0x20: {  	s18 =	simm.s32 $0x600;
	[sflag:s13] =	ssyncadd.s32 $0xFFFFFE00  }
0x21: {  	[tilespmem:s18], [sflag:$0x1] =	stream.indirect.gather [hbm4b:s3+s14], $0x40, s1, s14, $0xb8;
	[tilespmem:$0x18800] =	vst v63  }
0x22: {  	s19 =	simm.s32 $0x8600  }
0x23: {  	[tilespmem:s19], [sflag:$0x1] =	stream.indirect.gather [hbm4b:s4+s14], $0x40, s10, s14, $0xb8;
	[tilespmem:$0x18800] =	vst v63  }
0x24: {  	s20 =	simm.s32 $0x10600  }
0x25: {  	[tilespmem:s20], [sflag:$0x1] =	stream.indirect.gather [hbm4b:s3+s14], $0x40, s11, s14, $0xb8;
	[tilespmem:$0x18800] =	vst v63  }
0x26: {  	s19 =	simm.s32 $0x2600  }
0x27: {  	[tilespmem:s19], [sflag:$0x1] =	stream.indirect.gather [hbm4b:s3+s14], $0x40, s14, s14, $0xb8;
	[tilespmem:$0x18800] =	vst v63  }
0x28: {  	s20 =	simm.s32 $0x280;
	s19 =	simm.s32 $0xA600  }
0x29: {  	[tilespmem:s19], [sflag:$0x1] =	stream.indirect.gather [hbm4b:s4+s14], $0x40, s20, s14, $0xb8;
	[tilespmem:$0x18800] =	vst v63  }
0x2a: {  	s19 =	simm.s32 $0x480  }
0x2b: {  	[tilespmem:s21], [sflag:$0x1] =	stream.indirect.gather [hbm4b:s3+s14], $0x40, s19, s14, $0xb8;
	[tilespmem:$0x18800] =	vst v63  }
0x2c: {  	_ = 	snop  }
0x2d: {  	[tilespmem:s23], [sflag:$0x1] =	stream.indirect.gather [hbm4b:s3+s14], $0x40, s22, s14, $0xb8;
	[tilespmem:$0x18800] =	vst v63  }
0x2e: {  	_ = 	snop  }
0x2f: {  	[tilespmem:s25], [sflag:$0x1] =	stream.indirect.gather [hbm4b:s4+s14], $0x40, s24, s14, $0xb8;
	[tilespmem:$0x18800] =	vst v63  }
0x30: {  	_ = 	snop  }
0x31: {  	[tilespmem:s28], [sflag:$0x1] =	stream.indirect.gather [hbm4b:s3+s14], $0x40, s26, s14, $0xb8;
	[tilespmem:$0x18800] =	vst v63  }
0x32: {  	_ = 	snop  }
0x33: {  	[tilespmem:s30], [sflag:$0x1] =	stream.indirect.gather [hbm4b:s3+s14], $0x40, s29, s14, $0xb8;
	[tilespmem:$0x18800] =	vst v63  }
0x34: {  	_ = 	snop  }
0x35: {  	[tilespmem:s0], [sflag:$0x1] =	stream.indirect.gather [hbm4b:s4+s14], $0x40, s31, s14, $0xb8;
	[tilespmem:$0x18800] =	vst v63  }
0x36: {  	_ = 	snop  }
0x37: {  	[tilespmem:s12], [sflag:$0x1] =	stream.indirect.gather [hbm4b:s3+s14], $0x40, s2, s14, $0xb8;
	[tilespmem:$0x18800] =	vst v63  }
0x38: {  	_ =	swait.ge [sflag:s15], $0x2000  }
0x39: {  	[sflag:s15] =	ssyncset.done $0x0  }
0x3a: {  	[sflag:s15] =	ssyncadd.s32 $0xFFFFE000  }
0x3b: {  	_ =	swait.ge [sflag:s15], $0x2000  }
0x3c: {  	[sflag:s15] =	ssyncset.done $0x0  }
0x3d: {  	[sflag:s15] =	ssyncadd.s32 $0xFFFFE000  }
0x3e: {  	_ =	swait.ge [sflag:s15], $0x2000  }
0x3f: {  	[sflag:s15] =	ssyncset.done $0x0  }
0x40: {  	[sflag:s15] =	ssyncadd.s32 $0xFFFFE000  }
0x41: {  	_ =	swait.ge [sflag:s15], $0x2000  }
0x42: {  	[sflag:s15] =	ssyncset.done $0x0  }
0x43: {  	[sflag:s15] =	ssyncadd.s32 $0xFFFFE000  }
0x44: {  	_ =	swait.ge [sflag:s15], $0x2000  }
0x45: {  	[sflag:s15] =	ssyncset.done $0x0  }
0x46: {  	[sflag:s15] =	ssyncadd.s32 $0xFFFFE000  }
0x47: {  	_ =	swait.ge [sflag:s15], $0x2000  }
0x48: {  	[sflag:s15] =	ssyncset.done $0x0  }
0x49: {  	[sflag:s15] =	ssyncadd.s32 $0xFFFFE000  }
0x4a: {  	_ =	swait.ge [sflag:s15], $0x2000  }
0x4b: {  	[sflag:s15] =	ssyncset.done $0x0  }
0x4c: {  	[sflag:s15] =	ssyncadd.s32 $0xFFFFE000  }
0x4d: {  	_ =	swait.ge [sflag:s15], $0x2000  }
0x4e: {  	[sflag:s15] =	ssyncset.done $0x0  }
0x4f: {  	[sflag:s15] =	ssyncadd.s32 $0xFFFFE000  }
0x50: {  	_ =	swait.ge [sflag:s15], $0x2000  }
0x51: {  	[sflag:s15] =	ssyncset.done $0x0  }
0x52: {  	[sflag:s15] =	ssyncadd.s32 $0xFFFFE000  }
0x53: {  	_ =	swait.ge [sflag:s15], $0x2000  }
0x54: {  	[sflag:s15] =	ssyncset.done $0x0  }
0x55: {  	[sflag:s15] =	ssyncadd.s32 $0xFFFFE000  }
0x56: {  	_ =	swait.ge [sflag:s15], $0x2000  }
0x57: {  	[sflag:s15] =	ssyncset.done $0x0  }
0x58: {  	[sflag:s15] =	ssyncadd.s32 $0xFFFFE000  }
0x59: {  	_ =	swait.ge [sflag:s15], $0x2000  }
0x5a: {  	[sflag:s15] =	ssyncset.done $0x0  }
0x5b: {  	s20 =	simm.s32 $0x0;
	[sflag:s15] =	ssyncadd.s32 $0xFFFFE000  }
0x5c: {  	v0 =	vld [tilespmem:s20+$0x106F0];
	_ =	sdelay $0x4  }
0x5d: {  	[tilespmem:$0x1F850] =	vst v0;
	v0 =	vld [tilespmem:s20+$0x10730];
	_ =	sdelay $0x4  }
0x5e: {  	[tilespmem:$0x1F860] =	vst v0;
	v0 =	vld [tilespmem:s20+$0x10770];
	_ =	sdelay $0x4  }
0x5f: {  	[tilespmem:$0x1F870] =	vst v0;
	v0 =	vld [tilespmem:s20+$0x107B0];
	_ =	sdelay $0x4  }
0x60: {  	[tilespmem:$0x1F880] =	vst v0;
	v0 =	vld [tilespmem:s20+$0x107F0];
	_ =	sdelay $0x4  }
0x61: {  	[tilespmem:$0x1F890] =	vst v0;
	v0 =	vld [tilespmem:s20+$0x10830];
	_ =	sdelay $0x4  }
0x62: {  	[tilespmem:$0x1F8A0] =	vst v0;
	v0 =	vld [tilespmem:s20+$0x10870];
	_ =	sdelay $0x4  }
0x63: {  	[tilespmem:$0x1F8B0] =	vst v0;
	v0 =	vld [tilespmem:s20+$0x108B0];
	_ =	sdelay $0x4  }
0x64: {  	[tilespmem:$0x1F8C0] =	vst v0;
	v0 =	vld [tilespmem:s20+$0x108F0];
	_ =	sdelay $0x4  }
0x65: {  	[tilespmem:$0x1F8D0] =	vst v0;
	v0 =	vld [tilespmem:s20+$0x10930];
	_ =	sdelay $0x4  }
0x66: {  	[tilespmem:$0x1F8E0] =	vst v0;
	v0 =	vld [tilespmem:s20+$0x10970];
	_ =	sdelay $0x4  }
0x67: {  	[tilespmem:$0x1F8F0] =	vst v0;
	v0 =	vld [tilespmem:s20+$0x10620];
	_ =	sdelay $0x4  }
0x68: {  	[tilespmem:$0x1F900] =	vst v0;
	v0 =	vld [tilespmem:s20+$0x10660];
	_ =	sdelay $0x4  }
0x69: {  	[tilespmem:$0x1F910] =	vst v0;
	v0 =	vld [tilespmem:s20+$0x106A0];
	_ =	sdelay $0x4  }
0x6a: {  	[tilespmem:$0x1F920] =	vst v0;
	v0 =	vld [tilespmem:s20+$0x106E0];
	_ =	sdelay $0x4  }
0x6b: {  	[tilespmem:$0x1F930] =	vst v0;
	v0 =	vld [tilespmem:s20+$0x10720];
	_ =	sdelay $0x4  }
0x6c: {  	[tilespmem:$0x1F940] =	vst v0;
	v0 =	vld [tilespmem:s20+$0x10760];
	_ =	sdelay $0x4  }
0x6d: {  	[tilespmem:$0x1F950] =	vst v0;
	v0 =	vld [tilespmem:s20+$0x107A0];
	_ =	sdelay $0x4  }
0x6e: {  	[tilespmem:$0x1F960] =	vst v0;
	v0 =	vld [tilespmem:s20+$0x107E0];
	_ =	sdelay $0x4  }
0x6f: {  	[tilespmem:$0x1F970] =	vst v0;
	v0 =	vld [tilespmem:s20+$0x10820];
	_ =	sdelay $0x4  }
0x70: {  	[tilespmem:$0x1F980] =	vst v0;
	v0 =	vld [tilespmem:s20+$0x10860];
	_ =	sdelay $0x4  }
0x71: {  	[tilespmem:$0x1F990] =	vst v0;
	v0 =	vld [tilespmem:s20+$0x108A0];
	_ =	sdelay $0x4  }
0x72: {  	[tilespmem:$0x1F9A0] =	vst v0;
	v0 =	vld [tilespmem:s20+$0x108E0];
	_ =	sdelay $0x4  }
0x73: {  	[tilespmem:$0x1F9B0] =	vst v0;
	v0 =	vld [tilespmem:s20+$0x10920];
	_ =	sdelay $0x4  }
0x74: {  	[tilespmem:$0x1FA80] =	vst v0;
	v0 =	vld [tilespmem:s20+$0x10960]  }
0x75: {  	v55 =	vld [tilespmem:s20+$0x10630]  }
0x76: {  	v56 =	vld [tilespmem:s20+$0x10670]  }
0x77: {  	v60 =	vld [tilespmem:s20+$0x106B0]  }
0x78: {  	v46 =	vld [tilespmem:s20+$0x630]  }
0x79: {  	[tilespmem:$0x1FA90] =	vst v0;
	v0 =	vld [tilespmem:s20+$0x10600]  }
0x7a: {  	v41 =	vld [tilespmem:s20+$0x8630]  }
0x7b: {  	v58 =	vld [tilespmem:s20+$0x670]  }
0x7c: {  	v59 =	vld [tilespmem:s20+$0x8670]  }
0x7d: {  	v62 =	vld [tilespmem:s20+$0x6B0]  }
0x7e: {  	[tilespmem:$0x1F9C0] =	vst v0;
	v0 =	vld [tilespmem:s20+$0x10610]  }
0x7f: {  	v47 =	vld [tilespmem:s20+$0x86B0]  }
0x80: {  	v48 =	vld [tilespmem:s20+$0x6F0]  }
0x81: {  	v37 =	vld [tilespmem:s20+$0x86F0]  }
0x82: {  	v34 =	vld [tilespmem:s20+$0x730]  }
0x83: {  	[tilespmem:$0x1F9D0] =	vst v0;
	v0 =	vld [tilespmem:s20+$0x10640]  }
0x84: {  	v29 =	vld [tilespmem:s20+$0x8730]  }
0x85: {  	v26 =	vld [tilespmem:s20+$0x770]  }
0x86: {  	v24 =	vld [tilespmem:s20+$0x8770]  }
0x87: {  	v52 =	vld [tilespmem:s20+$0x7B0]  }
0x88: {  	[tilespmem:$0x1F9E0] =	vst v0;
	v0 =	vld [tilespmem:s20+$0x10650]  }
0x89: {  	v42 =	vld [tilespmem:s20+$0x87B0]  }
0x8a: {  	v43 =	vld [tilespmem:s20+$0x7F0]  }
0x8b: {  	v40 =	vld [tilespmem:s20+$0x87F0]  }
0x8c: {  	v33 =	vld [tilespmem:s20+$0x830]  }
0x8d: {  	[tilespmem:$0x1F9F0] =	vst v0;
	v0 =	vld [tilespmem:s20+$0x10680]  }
0x8e: {  	v31 =	vld [tilespmem:s20+$0x8830]  }
0x8f: {  	v32 =	vld [tilespmem:s20+$0x870]  }
0x90: {  	v25 =	vld [tilespmem:s20+$0x8870]  }
0x91: {  	v51 =	vld [tilespmem:s20+$0x8B0]  }
0x92: {  	[tilespmem:$0x1FA00] =	vst v0;
	v0 =	vld [tilespmem:s20+$0x10690]  }
0x93: {  	v44 =	vld [tilespmem:s20+$0x88B0]  }
0x94: {  	v45 =	vld [tilespmem:s20+$0x8F0]  }
0x95: {  	v38 =	vld [tilespmem:s20+$0x88F0]  }
0x96: {  	v35 =	vld [tilespmem:s20+$0x930]  }
0x97: {  	[tilespmem:$0x1FA10] =	vst v0;
	v0 =	vld [tilespmem:s20+$0x106C0]  }
0x98: {  	v27 =	vld [tilespmem:s20+$0x8930]  }
0x99: {  	v28 =	vld [tilespmem:s20+$0x970]  }
0x9a: {  	v22 =	vld [tilespmem:s20+$0x8970]  }
0x9b: {  	v54 =	vld [tilespmem:s20+$0x9B0]  }
0x9c: {  	[tilespmem:$0x1FA20] =	vst v0;
	v0 =	vld [tilespmem:s20+$0x106D0]  }
0x9d: {  	v49 =	vld [tilespmem:s20+$0x89B0]  }
0x9e: {  	v53 =	vld [tilespmem:s20+$0x9F0]  }
0x9f: {  	v50 =	vld [tilespmem:s20+$0x89F0]  }
0xa0: {  	v39 =	vld [tilespmem:s20+$0x620]  }
0xa1: {  	[tilespmem:$0x1FA30] =	vst v0;
	v0 =	vld [tilespmem:s20+$0x10700]  }
0xa2: {  	v36 =	vld [tilespmem:s20+$0x8620]  }
0xa3: {  	v30 =	vld [tilespmem:s20+$0x660]  }
0xa4: {  	v23 =	vld [tilespmem:s20+$0x8660]  }
0xa5: {  	v19 =	vld [tilespmem:s20+$0x6A0]  }
0xa6: {  	[tilespmem:$0x1FA40] =	vst v0;
	v0 =	vld [tilespmem:s20+$0x10710]  }
0xa7: {  	v18 =	vld [tilespmem:s20+$0x86A0]  }
0xa8: {  	v15 =	vld [tilespmem:s20+$0x6E0]  }
0xa9: {  	v14 =	vld [tilespmem:s20+$0x86E0]  }
0xaa: {  	v21 =	vld [tilespmem:s20+$0x720]  }
0xab: {  	v20 =	vld [tilespmem:s20+$0x8720];
	[tilespmem:$0x1FA50] =	vst v0  }
0xac: {  	v0 =	vld [tilespmem:s20+$0x10740];
	_ =	sdelay $0x3  }
0xad: {  	v17 =	vld [tilespmem:s20+$0x760]  }
0xae: {  	[tilespmem:$0x1FA60] =	vst v0;
	v0 =	vld [tilespmem:s20+$0x10750]  }
0xaf: {  	v16 =	vld [tilespmem:s20+$0x8760]  }
0xb0: {  	v11 =	vld [tilespmem:s20+$0x7A0]  }
0xb1: {  	v10 =	vld [tilespmem:s20+$0x87A0]  }
0xb2: {  	v7 =	vld [tilespmem:s20+$0x7E0]  }
0xb3: {  	[tilespmem:$0x1FA70] =	vst v0;
	v0 =	vld [tilespmem:s20+$0x10780]  }
0xb4: {  	v6 =	vld [tilespmem:s20+$0x87E0]  }
0xb5: {  	v13 =	vld [tilespmem:s20+$0x820]  }
0xb6: {  	v12 =	vld [tilespmem:s20+$0x8820]  }
0xb7: {  	v9 =	vld [tilespmem:s20+$0x860]  }
0xb8: {  	[tilespmem:$0x1FAA0] =	vst v0;
	v0 =	vld [tilespmem:s20+$0x10790]  }
0xb9: {  	v8 =	vld [tilespmem:s20+$0x8860]  }
0xba: {  	v3 =	vld [tilespmem:s20+$0x8A0]  }
0xbb: {  	v2 =	vld [tilespmem:s20+$0x88A0]  }
0xbc: {  	v1 =	vld [tilespmem:s20+$0x8E0]  }
0xbd: {  	[tilespmem:$0x1FAB0] =	vst v0;
	v0 =	vld [tilespmem:s20+$0x107C0]  }
0xbe: {  	v4 =	vld [tilespmem:s20+$0x10900]  }
0xbf: {  	v5 =	vld [tilespmem:s20+$0x920]  }
0xc0: {  	v57 =	vld [tilespmem:s20+$0x10940]  }
0xc1: {  	v61 =	vld [tilespmem:s20+$0x10950]  }
0xc2: {  	[tilespmem:$0x1FAC0] =	vst v0;
	v0 =	vld [tilespmem:s20+$0x107D0]  }
0xc3: {  	v63 =	vld [tilespmem:s20+$0x10980]  }
0xc4: {  	v46 =	vmul.f32 v41, v46;
	v59 =	vmul.f32 v59, v58;
	v41 =	vld [tilespmem:s20+$0x9A0]  }
0xc5: {  	v58 =	vld [tilespmem:s20+$0x89A0]  }
0xc6: {  	v56 =	vmul.f32 v56, v59;
	v59 =	vld [tilespmem:s20+$0x9E0]  }
0xc7: {  	[tilespmem:$0x1FAD0] =	vst v0;
	v0 =	vld [tilespmem:s20+$0x10800]  }
0xc8: {  	v55 =	vmul.f32 v55, v46;
	v46 =	vld [tilespmem:s20+$0x89E0]  }
0xc9: {  	v37 =	vmul.f32 v37, v48;
	v48 =	vld [tilespmem:s20+$0x8600]  }
0xca: {  	v24 =	vmul.f32 v24, v26;
	v26 =	vld [tilespmem:$0x1F850]  }
0xcb: {  	v32 =	vmul.f32 v25, v32;
	v25 =	vld [tilespmem:$0x1F880]  }
0xcc: {  	[tilespmem:$0x1FAE0] =	vst v0;
	v0 =	vld [tilespmem:s20+$0x10810]  }
0xcd: {  	v38 =	vmul.f32 v38, v45;
	v45 =	vld [tilespmem:s20+$0x8650]  }
0xce: {  	v31 =	vmul.f32 v31, v33;
	v33 =	vmul.f32 v49, v54;
	v49 =	vld [tilespmem:s20+$0x690]  }
0xcf: {  	v18 =	vmul.f32 v18, v19;
	v19 =	vld [tilespmem:s20+$0x6C0]  }
0xd0: {  	v14 =	vmul.f32 v14, v15;
	v15 =	vld [tilespmem:$0x1F900]  }
0xd1: {  	[tilespmem:$0x1FAF0] =	vst v0;
	v0 =	vld [tilespmem:s20+$0x10840]  }
0xd2: {  	v23 =	vmul.f32 v23, v30;
	v30 =	vld [tilespmem:s20+$0x86C0]  }
0xd3: {  	v20 =	vmul.f32 v20, v21;
	v21 =	vld [tilespmem:s20+$0x86D0]  }
0xd4: {  	v27 =	vmul.f32 v27, v35;
	v35 =	vmul.f32 v50, v53;
	v50 =	vld [tilespmem:s20+$0x8710]  }
0xd5: {  	[tilespmem:$0x1FBA0] =	vst v63;
	v63 =	vld [tilespmem:s20+$0x10990]  }
0xd6: {  	[tilespmem:$0x1FB00] =	vst v0;
	v0 =	vld [tilespmem:s20+$0x10850]  }
0xd7: {  	v53 =	vld [tilespmem:$0x1F9F0]  }
0xd8: {  	[tilespmem:$0x1FB60] =	vst v4;
	v4 =	vld [tilespmem:s20+$0x10910]  }
0xd9: {  	[tilespmem:$0x1FB90] =	vst v61;
	v61 =	vld [tilespmem:s20+$0x960]  }
0xda: {  	[tilespmem:$0x1FBB0] =	vst v63;
	v63 =	vld [tilespmem:$0x1F8A0]  }
0xdb: {  	v47 =	vmul.f32 v47, v62;
	[tilespmem:$0x1FB10] =	vst v0;
	v0 =	vld [tilespmem:s20+$0x10880]  }
0xdc: {  	[tilespmem:$0x1FB80] =	vst v57;
	v57 =	vld [tilespmem:s20+$0x8960]  }
0xdd: {  	v62 =	vmul.f32 v60, v47;
	v60 =	vmul.f32 v26, v37;
	v26 =	vld [tilespmem:$0x1F860]  }
0xde: {  	v37 =	vmul.f32 v40, v43;
	v40 =	vld [tilespmem:s20+$0x8610]  }
0xdf: {  	v29 =	vmul.f32 v29, v34;
	v34 =	vmul.f32 v63, v31;
	v31 =	vld [tilespmem:$0x1F8B0]  }
0xe0: {  	[tilespmem:$0x1FB20] =	vst v0;
	v0 =	vld [tilespmem:s20+$0x10890]  }
0xe1: {  	v43 =	vld [tilespmem:s20+$0x8640]  }
0xe2: {  	v63 =	vmul.f32 v22, v28;
	v22 =	vld [tilespmem:$0x1F8C0]  }
0xe3: {  	v10 =	vmul.f32 v10, v11;
	v11 =	vld [tilespmem:s20+$0x700]  }
0xe4: {  	v6 =	vmul.f32 v6, v7;
	v7 =	vld [tilespmem:$0x1F940]  }
0xe5: {  	v32 =	vmul.f32 v31, v32;
	v31 =	vmul.f32 v44, v51;
	[tilespmem:$0x1FB30] =	vst v0;
	v0 =	vld [tilespmem:s20+$0x108C0]  }
0xe6: {  	v28 =	vld [tilespmem:$0x1F8D0]  }
0xe7: {  	v22 =	vmul.f32 v22, v31;
	v31 =	vld [tilespmem:$0x1F8E0]  }
0xe8: {  	v16 =	vmul.f32 v16, v17;
	v17 =	vld [tilespmem:s20+$0x8700]  }
0xe9: {  	v2 =	vmul.f32 v2, v3;
	v3 =	vld [tilespmem:s20+$0x740]  }
0xea: {  	v8 =	vmul.f32 v8, v9;
	[tilespmem:$0x1FB40] =	vst v0;
	v0 =	vld [tilespmem:s20+$0x108D0]  }
0xeb: {  	v9 =	vld [tilespmem:s20+$0x8740];
	v19 =	vmul.f32 v30, v19;
	v28 =	vmul.f32 v28, v38  }
0xec: {  	v30 =	vld [tilespmem:s20+$0x87C0];
	v38 =	vmul.f32 v31, v27;
	v31 =	vmul.f32 v36, v39  }
0xed: {  	[tilespmem:$0x1FB70] =	vst v4;
	v4 =	vld [tilespmem:s20+$0x8920]  }
0xee: {  	v15 =	vmul.f32 v15, v31;
	v31 =	vld [tilespmem:$0x1F910]  }
0xef: {  	[tilespmem:$0x1FB50] =	vst v0;
	v0 =	vld [tilespmem:s20+$0x88E0]  }
0xf0: {  	v47 =	vmul.f32 v26, v29;
	v29 =	vld [tilespmem:s20+$0x600]  }
0xf1: {  	v26 =	vld [tilespmem:$0x1F870]  }
0xf2: {  	v7 =	vmul.f32 v7, v20;
	v20 =	vld [tilespmem:$0x1F950]  }
0xf3: {  	v23 =	vmul.f32 v31, v23;
	v31 =	vld [tilespmem:$0x1F920]  }
0xf4: {  	v0 =	vmul.f32 v0, v1;
	v1 =	vld [tilespmem:$0x1F980]  }
0xf5: {  	v11 =	vmul.f32 v17, v11;
	v17 =	vld [tilespmem:s20+$0x800]  }
0xf6: {  	v12 =	vmul.f32 v12, v13;
	v3 =	vmul.f32 v9, v3;
	v9 =	vld [tilespmem:$0x1FA40]  }
0xf7: {  	v26 =	vmul.f32 v26, v24;
	v24 =	vmul.f32 v42, v52;
	v42 =	vld [tilespmem:s20+$0x610]  }
0xf8: {  	v18 =	vmul.f32 v31, v18;
	v31 =	vld [tilespmem:$0x1F930]  }
0xf9: {  	v1 =	vmul.f32 v1, v12;
	v12 =	vld [tilespmem:$0x1F990]  }
0xfa: {  	v52 =	vld [tilespmem:$0x1F890]  }
0xfb: {  	v16 =	vmul.f32 v20, v16;
	v20 =	vld [tilespmem:$0x1F960]  }
0xfc: {  	v9 =	vmul.f32 v9, v11;
	v11 =	vld [tilespmem:$0x1FA50]  }
0xfd: {  	v14 =	vmul.f32 v31, v14;
	v31 =	vld [tilespmem:$0x1F970]  }
0xfe: {  	v8 =	vmul.f32 v12, v8;
	v12 =	vld [tilespmem:$0x1F9A0]  }
0xff: {  	v44 =	vld [tilespmem:s20+$0x650]  }
0x100: {  	v25 =	vmul.f32 v25, v24;
	v24 =	vld [tilespmem:s20+$0x640]  }
0x101: {  	v27 =	vld [tilespmem:$0x1F8F0]  }
0x102: {  	v51 =	vld [tilespmem:s20+$0x680]  }
0x103: {  	v6 =	vmul.f32 v31, v6;
	v31 =	vmul.f32 v12, v2;
	v12 =	vld [tilespmem:$0x1F9B0]  }
0x104: {  	v54 =	vmul.f32 v45, v44;
	v45 =	vld [tilespmem:$0x1F9D0]  }
0x105: {  	v39 =	vld [tilespmem:s20+$0x6D0]  }
0x106: {  	v27 =	vmul.f32 v27, v63;
	v63 =	vld [tilespmem:$0x1F9C0]  }
0x107: {  	v37 =	vmul.f32 v52, v37;
	v10 =	vmul.f32 v20, v10;
	v36 =	vld [tilespmem:s20+$0x8690]  }
0x108: {  	v52 =	vld [tilespmem:s20+$0x8680];
	v13 =	vmul.f32 v12, v0;
	v0 =	vmul.f32 v4, v5  }
0x109: {  	v20 =	vld [tilespmem:s20+$0x710];
	v5 =	vmul.f32 v48, v29;
	v12 =	vmul.f32 v40, v42  }
0x10a: {  	v24 =	vmul.f32 v43, v24;
	v43 =	vld [tilespmem:s20+$0x790];
	v21 =	vmul.f32 v21, v39  }
0x10b: {  	v39 =	vld [tilespmem:s20+$0x7D0];
	v5 =	vmul.f32 v63, v5;
	v12 =	vmul.f32 v45, v12  }
0x10c: {  	v36 =	vmul.f32 v36, v49;
	v49 =	vld [tilespmem:$0x1FA20]  }
0x10d: {  	v2 =	vld [tilespmem:s20+$0x750];
	v5 =	vadd.f32 v12, v5  }
0x10e: {  	v4 =	vld [tilespmem:s20+$0x8750]  }
0x10f: {  	v29 =	vld [tilespmem:s20+$0x780];
	v5 =	vadd.f32 v15, v5;
	v15 =	vmul.f32 v50, v20  }
0x110: {  	v42 =	vld [tilespmem:s20+$0x8780]  }
0x111: {  	v11 =	vmul.f32 v11, v15;
	v15 =	vld [tilespmem:$0x1FA60]  }
0x112: {  	v48 =	vld [tilespmem:$0x1F9E0]  }
0x113: {  	v40 =	vmul.f32 v53, v54;
	v54 =	vld [tilespmem:s20+$0x8790]  }
0x114: {  	v45 =	vld [tilespmem:$0x1FA10]  }
0x115: {  	v63 =	vmul.f32 v52, v51;
	v51 =	vld [tilespmem:$0x1FA30]  }
0x116: {  	v15 =	vmul.f32 v15, v3;
	v3 =	vld [tilespmem:$0x1FA70]  }
0x117: {  	v12 =	vld [tilespmem:$0x1FA00]  }
0x118: {  	v24 =	vmul.f32 v48, v24;
	v48 =	vld [tilespmem:s20+$0x7C0]  }
0x119: {  	v2 =	vmul.f32 v4, v2;
	v4 =	vld [tilespmem:s20+$0x8800]  }
0x11a: {  	v52 =	vmul.f32 v54, v43;
	v54 =	vld [tilespmem:s20+$0x8880]  }
0x11b: {  	v2 =	vmul.f32 v3, v2;
	v3 =	vld [tilespmem:$0x1FA80]  }
0x11c: {  	v43 =	vld [tilespmem:$0x1FFD0]  }
0x11d: {  	v19 =	vmul.f32 v49, v19;
	v24 =	vadd.f32 v40, v24;
	v21 =	vmul.f32 v51, v21;
	v40 =	vld [tilespmem:s20+$0x87D0]  }
0x11e: {  	v36 =	vmul.f32 v45, v36;
	v45 =	vld [tilespmem:s20+$0x8810]  }
0x11f: {  	v19 =	vadd.f32 v21, v19;
	v21 =	vld [tilespmem:s20+$0x840]  }
0x120: {  	v3 =	vmul.f32 v3, v0;
	v0 =	vadd.f32 v11, v9;
	v9 =	vld [tilespmem:s20+$0x8840]  }
0x121: {  	v2 =	vadd.f32 v2, v15;
	v11 =	vld [tilespmem:$0x1FA90]  }
0x122: {  	v5 =	vadd.f32 v55, v5;
	v55 =	vld [tilespmem:s20+$0x890];
	v12 =	vmul.f32 v12, v63;
	v20 =	vadd.f32 v23, v24  }
0x123: {  	v63 =	vld [tilespmem:$0x1FFC0];
	v2 =	vadd.f32 v16, v2  }
0x124: {  	v23 =	vld [tilespmem:s20+$0x810];
	v24 =	vmul.f32 v57, v61;
	v20 =	vadd.f32 v56, v20;
	v12 =	vadd.f32 v36, v12  }
0x125: {  	v2 =	vadd.f32 v26, v2;
	v26 =	vld [tilespmem:$0x1FAA0];
	v0 =	vadd.f32 v7, v0  }
0x126: {  	v15 =	vmul.f32 v11, v24;
	v11 =	vadd.f32 v18, v12;
	v9 =	vmul.f32 v9, v21;
	v21 =	vld [tilespmem:$0x1FAE0]  }
0x127: {  	v4 =	vmul.f32 v4, v17;
	v18 =	vmul.f32 v58, v41;
	v58 =	vld [tilespmem:$0x1FAB0]  }
0x128: {  	v57 =	vld [tilespmem:s20+$0x8890];
	v53 =	vperm.xlane v20, v63;
	v0 =	vadd.f32 v47, v0;
	v11 =	vadd.f32 v62, v11  }
0x129: {  	v61 =	vld [tilespmem:$0x1FAD0];
	v16 =	vmul.f32 v30, v48;
	v12 =	vadd.f32 v14, v19;
	v19 =	vmul.f32 v42, v29  }
0x12a: {  	v36 =	vld [tilespmem:s20+$0x880];
	v47 =	vperm.xlane v0, v63;
	v30 =	vperm.xlane v11, v63  }
0x12b: {  	v12 =	vadd.f32 v60, v12;
	v60 =	vperm.xlane v2, v63;
	v4 =	vmul.f32 v21, v4;
	v21 =	vld [tilespmem:$0x1FAF0]  }
0x12c: {  	v19 =	vmul.f32 v26, v19;
	v41 =	vmul.f32 v58, v52;
	v11 =	vadd.f32 v30, v11;
	v30 =	vld [tilespmem:$0x1FB00]  }
0x12d: {  	v17 =	vmul.f32 v45, v23;
	v23 =	vld [tilespmem:s20+$0x88D0];
	v0 =	vadd.f32 v47, v0;
	v2 =	vadd.f32 v60, v2  }
0x12e: {  	v7 =	vld [tilespmem:s20+$0x8850];
	v29 =	vperm.xlane v5, v63;
	v19 =	vadd.f32 v41, v19  }
0x12f: {  	v20 =	vadd.f32 v53, v20;
	v24 =	vmul.f32 v46, v59;
	v59 =	vld [tilespmem:$0x1FAC0];
	v0 =	vsel vm0, v0, v2  }
0x130: {  	v14 =	vld [tilespmem:s20+$0x850];
	v5 =	vadd.f32 v29, v5;
	v10 =	vadd.f32 v10, v19;
	v19 =	vperm.xlane v0, v43  }
0x131: {  	v17 =	vmul.f32 v21, v17;
	v9 =	vmul.f32 v30, v9;
	v30 =	vld [tilespmem:$0x1FB10]  }
0x132: {  	v39 =	vmul.f32 v40, v39;
	v5 =	vsel vm0, v5, v20;
	v0 =	vadd.f32 v19, v0;
	v19 =	vld [tilespmem:$0x1FB20]  }
0x133: {  	v45 =	vld [tilespmem:s20+$0x8910];
	v4 =	vadd.f32 v17, v4;
	v17 =	vperm.xlane v5, v43  }
0x134: {  	v39 =	vmul.f32 v61, v39;
	v48 =	vld [tilespmem:s20+$0x990];
	v16 =	vmul.f32 v59, v16  }
0x135: {  	v26 =	vld [tilespmem:s20+$0x8C0];
	v7 =	vmul.f32 v7, v14;
	v5 =	vadd.f32 v17, v5;
	v17 =	vmul.f32 v54, v36  }
0x136: {  	v29 =	vld [tilespmem:s20+$0x88C0];
	v16 =	vadd.f32 v39, v16  }
0x137: {  	v7 =	vmul.f32 v30, v7;
	v17 =	vmul.f32 v19, v17;
	v19 =	vld [tilespmem:$0x1FB30]  }
0x138: {  	v6 =	vadd.f32 v6, v16;
	v16 =	vld [tilespmem:s20+$0x8940]  }
0x139: {  	v7 =	vadd.f32 v7, v9;
	v9 =	vld [tilespmem:s20+$0x940]  }
0x13a: {  	v53 =	vmul.f32 v57, v55;
	v62 =	vld [tilespmem:s20+$0x8D0]  }
0x13b: {  	v56 =	vperm.xlane v12, v63;
	v14 =	vld [tilespmem:s20+$0x900]  }
0x13c: {  	v21 =	vld [tilespmem:s20+$0x8900];
	v19 =	vmul.f32 v19, v53  }
0x13d: {  	v20 =	vld [tilespmem:s20+$0x8980];
	v12 =	vadd.f32 v56, v12  }
0x13e: {  	v10 =	vadd.f32 v25, v10;
	v9 =	vmul.f32 v16, v9;
	v16 =	vadd.f32 v19, v17;
	v17 =	vld [tilespmem:$0x1FB60]  }
0x13f: {  	v11 =	vsel vm0, v11, v12;
	v12 =	vld [tilespmem:s20+$0x8950]  }
0x140: {  	v25 =	vperm.xlane v10, v63;
	v30 =	vld [tilespmem:s20+$0x910]  }
0x141: {  	v54 =	vld [tilespmem:s20+$0x8990];
	v14 =	vmul.f32 v21, v14  }
0x142: {  	v10 =	vadd.f32 v25, v10;
	v25 =	vld [tilespmem:$0x1FB40]  }
0x143: {  	v14 =	vmul.f32 v17, v14;
	v17 =	vld [tilespmem:$0x1FB70]  }
0x144: {  	v1 =	vadd.f32 v1, v4;
	v4 =	vadd.f32 v8, v7;
	v7 =	vld [tilespmem:s20+$0x950]  }
0x145: {  	v8 =	vperm.xlane v11, v43;
	v21 =	vmul.f32 v45, v30;
	v30 =	vld [tilespmem:s20+$0x89D0]  }
0x146: {  	v2 =	vadd.f32 v32, v4;
	v4 =	vld [tilespmem:s20+$0x980]  }
0x147: {  	v8 =	vadd.f32 v8, v11;
	v11 =	vmul.f32 v29, v26;
	v26 =	vld [tilespmem:s20+$0x9C0]  }
0x148: {  	v17 =	vmul.f32 v17, v21;
	v21 =	vld [tilespmem:$0x1FB80]  }
0x149: {  	v29 =	vld [tilespmem:s20+$0x89C0];
	v16 =	vadd.f32 v31, v16  }
0x14a: {  	v11 =	vmul.f32 v25, v11;
	v25 =	vld [tilespmem:$0x1FB50]  }
0x14b: {  	v16 =	vadd.f32 v22, v16;
	v22 =	vld [tilespmem:$0x1FBA0]  }
0x14c: {  	v19 =	vld [tilespmem:s20+$0x109D0]  }
0x14d: {  	v23 =	vmul.f32 v23, v62;
	v6 =	vadd.f32 v37, v6;
	v9 =	vmul.f32 v21, v9;
	v21 =	vld [tilespmem:$0x1FB90]  }
0x14e: {  	v1 =	vadd.f32 v34, v1;
	v7 =	vmul.f32 v12, v7;
	v12 =	vld [tilespmem:s20+$0x109C0];
	v4 =	vmul.f32 v20, v4  }
0x14f: {  	v47 =	vperm.xlane v6, v63;
	v23 =	vmul.f32 v25, v23;
	v25 =	vld [tilespmem:s20+$0x9D0]  }
0x150: {  	v51 =	vperm.xlane v1, v63;
	v4 =	vmul.f32 v22, v4;
	v22 =	vld [tilespmem:$0x1FBB0]  }
0x151: {  	v6 =	vadd.f32 v47, v6;
	v11 =	vadd.f32 v23, v11;
	v23 =	vld [tilespmem:s20+$0x109E0]  }
0x152: {  	v1 =	vadd.f32 v51, v1;
	v26 =	vmul.f32 v29, v26;
	v7 =	vmul.f32 v21, v7;
	v21 =	vld [tilespmem:s20+$0x109A0]  }
0x153: {  	v52 =	vperm.xlane v2, v63;
	v20 =	vmul.f32 v54, v48;
	v11 =	vadd.f32 v13, v11  }
0x154: {  	v12 =	vmul.f32 v12, v26;
	v13 =	vld [tilespmem:s20+$0x109B0];
	v25 =	vmul.f32 v30, v25;
	v7 =	vadd.f32 v7, v9  }
0x155: {  	v11 =	vadd.f32 v28, v11;
	v14 =	vadd.f32 v17, v14;
	v20 =	vmul.f32 v22, v20;
	v22 =	vld [tilespmem:s20+$0x109F0]  }
0x156: {  	v19 =	vmul.f32 v19, v25;
	v17 =	vmul.f32 v23, v24;
	v7 =	vadd.f32 v15, v7  }
0x157: {  	v3 =	vadd.f32 v3, v14;
	v4 =	vadd.f32 v20, v4;
	v9 =	vmul.f32 v21, v18  }
0x158: {  	v14 =	vperm.xlane v16, v63;
	v12 =	vadd.f32 v19, v12;
	v7 =	vadd.f32 v27, v7  }
0x159: {  	v13 =	vmul.f32 v13, v33;
	v3 =	vadd.f32 v38, v3;
	v4 =	vadd.f32 v9, v4  }
0x15a: {  	v9 =	vadd.f32 v17, v12;
	v12 =	vmul.f32 v22, v35;
	v15 =	vperm.xlane v7, v63  }
0x15b: {  	v4 =	vadd.f32 v13, v4;
	v13 =	vadd.f32 v14, v16;
	v14 =	vperm.xlane v3, v63  }
0x15c: {  	v2 =	vadd.f32 v52, v2;
	v9 =	vadd.f32 v12, v9;
	v12 =	vperm.xlane v11, v63  }
0x15d: {  	v7 =	vadd.f32 v15, v7;
	v3 =	vadd.f32 v14, v3  }
0x15e: {  	v11 =	vadd.f32 v12, v11;
	v12 =	vperm.xlane v4, v63;
	v16 =	vperm.xlane v9, v63  }
0x15f: {  	v6 =	vsel vm0, v10, v6;
	v1 =	vsel vm0, v1, v2;
	v3 =	vsel vm0, v3, v7  }
0x160: {  	v2 =	vadd.f32 v12, v4;
	v4 =	vadd.f32 v16, v9;
	v7 =	vperm.xlane v3, v43  }
0x161: {  	v10 =	vperm.xlane v6, v43  }
0x162: {  	v2 =	vsel vm0, v2, v4;
	v3 =	vadd.f32 v7, v3;
	v7 =	vld [tilespmem:$0x1FFE0]  }
0x163: {  	v6 =	vadd.f32 v10, v6;
	v9 =	vsel vm0, v13, v11;
	v10 =	vperm.xlane v2, v43  }
0x164: {  	v11 =	vperm.xlane v1, v43;
	v4 =	vperm.xlane v9, v43  }
0x165: {  	v2 =	vadd.f32 v10, v2  }
0x166: {  	v0 =	vsel vm1, v0, v6;
	v1 =	vadd.f32 v11, v1;
	v4 =	vadd.f32 v4, v9  }
0x167: {  	v5 =	vsel vm1, v5, v8;
	v2 =	vsel vm1, v3, v2;
	v3 =	vperm.xlane v0, v7  }
0x168: {  	v1 =	vsel vm1, v1, v4;
	v6 =	vperm.xlane v5, v7  }
0x169: {  	v4 =	vperm.xlane v1, v7;
	v7 =	vperm.xlane v2, v7;
	v0 =	vadd.f32 v3, v0;
	v3 =	vld [tilespmem:$0x1FFF0]  }
0x16a: {  	v5 =	vadd.f32 v6, v5  }
0x16b: {  	v1 =	vadd.f32 v4, v1;
	v2 =	vadd.f32 v7, v2;
	_ =	sdelay $0x1  }
0x16c: {  	v0 =	vsel vm2, v5, v0;
	v1 =	vsel vm2, v1, v2  }
0x16d: {  	v2 =	vperm.xlane v0, v3;
	v3 =	vperm.xlane v1, v3;
	_ =	sdelay $0x1  }
0x16e: {  	v0 =	vadd.f32 v2, v0;
	v1 =	vadd.f32 v3, v1;
	_ =	sdelay $0x1  }
0x16f: {  	v0 =	vsel vm3, v0, v1  }
0x170: {  	v0 =	vsub.f32 $0.0e+00, v0;
	_ =	sdelay $0x1  }
0x171: {  	v0 =	vmul.f32 $1.442695020e+00, v0;
	_ =	sdelay $0x1  }
0x172: {  	(erf) = vpow2.f32 v0;
	_ =	sdelay $0x8  }
0x173: {  	v0 =	vpop (erf)  }
0x174: {  	v0 =	vadd.f32 $1.000000000e+00, v0;
	_ =	sdelay $0x1  }
0x175: {  	(erf) = vrcp.f32 v0;
	_ =	sdelay $0x8  }
0x176: {  	v0 =	vpop (erf)  }
0x177: {  	s18 =	simm.s32 $0x400;
	[tilespmem:s16+$0x0] =	vst v0  }
0x178: {  	v0 =	vld [tilespmem:s18+$0x10670];
	_ =	sdelay $0x4  }
0x179: {  	[tilespmem:$0x1FC20] =	vst v0;
	v0 =	vld [tilespmem:s18+$0x106B0];
	_ =	sdelay $0x4  }
0x17a: {  	[tilespmem:$0x1FC30] =	vst v0;
	v0 =	vld [tilespmem:s18+$0x106F0];
	_ =	sdelay $0x4  }
0x17b: {  	[tilespmem:$0x1FC40] =	vst v0;
	v0 =	vld [tilespmem:s18+$0x10730];
	_ =	sdelay $0x4  }
0x17c: {  	[tilespmem:$0x1FC50] =	vst v0;
	v0 =	vld [tilespmem:s18+$0x10770];
	_ =	sdelay $0x4  }
0x17d: {  	[tilespmem:$0x1FC60] =	vst v0;
	v0 =	vld [tilespmem:s18+$0x107B0];
	_ =	sdelay $0x4  }
0x17e: {  	[tilespmem:$0x1FC70] =	vst v0;
	v0 =	vld [tilespmem:s18+$0x107F0];
	_ =	sdelay $0x4  }
0x17f: {  	[tilespmem:$0x1FC80] =	vst v0;
	v0 =	vld [tilespmem:s18+$0x10830];
	_ =	sdelay $0x4  }
0x180: {  	[tilespmem:$0x1FC90] =	vst v0;
	v0 =	vld [tilespmem:s18+$0x10870];
	_ =	sdelay $0x4  }
0x181: {  	[tilespmem:$0x1FCA0] =	vst v0;
	v0 =	vld [tilespmem:s18+$0x108B0];
	_ =	sdelay $0x4  }
0x182: {  	[tilespmem:$0x1FCB0] =	vst v0;
	v0 =	vld [tilespmem:s18+$0x108F0];
	_ =	sdelay $0x4  }
0x183: {  	[tilespmem:$0x1FCC0] =	vst v0;
	v0 =	vld [tilespmem:s18+$0x10930];
	_ =	sdelay $0x4  }
0x184: {  	[tilespmem:$0x1FCE0] =	vst v0;
	v0 =	vld [tilespmem:s18+$0x10970];
	_ =	sdelay $0x4  }
0x185: {  	[tilespmem:$0x1FD00] =	vst v0;
	v0 =	vld [tilespmem:s18+$0x10620];
	_ =	sdelay $0x4  }
0x186: {  	[tilespmem:$0x1FD20] =	vst v0;
	v0 =	vld [tilespmem:s18+$0x10660];
	_ =	sdelay $0x4  }
0x187: {  	[tilespmem:$0x1FD30] =	vst v0;
	v0 =	vld [tilespmem:s18+$0x106A0];
	_ =	sdelay $0x4  }
0x188: {  	[tilespmem:$0x1FD40] =	vst v0;
	v0 =	vld [tilespmem:s18+$0x106E0];
	_ =	sdelay $0x4  }
0x189: {  	[tilespmem:$0x1FD50] =	vst v0;
	v0 =	vld [tilespmem:s18+$0x10720];
	_ =	sdelay $0x4  }
0x18a: {  	[tilespmem:$0x1FD60] =	vst v0;
	v0 =	vld [tilespmem:s18+$0x10760];
	_ =	sdelay $0x4  }
0x18b: {  	[tilespmem:$0x1FD70] =	vst v0;
	v0 =	vld [tilespmem:s18+$0x107A0];
	_ =	sdelay $0x4  }
0x18c: {  	[tilespmem:$0x1FD80] =	vst v0;
	v0 =	vld [tilespmem:s18+$0x107E0];
	_ =	sdelay $0x4  }
0x18d: {  	[tilespmem:$0x1FD90] =	vst v0;
	v0 =	vld [tilespmem:s18+$0x10820];
	_ =	sdelay $0x4  }
0x18e: {  	[tilespmem:$0x1FDA0] =	vst v0;
	v0 =	vld [tilespmem:s18+$0x10860];
	_ =	sdelay $0x4  }
0x18f: {  	[tilespmem:$0x1FDB0] =	vst v0;
	v0 =	vld [tilespmem:s18+$0x108A0];
	_ =	sdelay $0x4  }
0x190: {  	[tilespmem:$0x1FDC0] =	vst v0;
	v0 =	vld [tilespmem:s18+$0x108E0];
	_ =	sdelay $0x4  }
0x191: {  	[tilespmem:$0x1FDD0] =	vst v0;
	v0 =	vld [tilespmem:s18+$0x10920];
	_ =	sdelay $0x4  }
0x192: {  	[tilespmem:$0x1FEA0] =	vst v0;
	v0 =	vld [tilespmem:s18+$0x10960];
	_ =	sdelay $0x4  }
0x193: {  	[tilespmem:$0x1FEB0] =	vst v0;
	v0 =	vld [tilespmem:s18+$0x10600];
	_ =	sdelay $0x4  }
0x194: {  	[tilespmem:$0x1FDE0] =	vst v0;
	v0 =	vld [tilespmem:s18+$0x10610]  }
0x195: {  	v54 =	vld [tilespmem:s18+$0x10630]  }
0x196: {  	v45 =	vld [tilespmem:s18+$0x630]  }
0x197: {  	v40 =	vld [tilespmem:s18+$0x8630]  }
0x198: {  	v53 =	vld [tilespmem:s18+$0x670]  }
0x199: {  	[tilespmem:$0x1FDF0] =	vst v0;
	v0 =	vld [tilespmem:s18+$0x10640]  }
0x19a: {  	v55 =	vld [tilespmem:s18+$0x8670]  }
0x19b: {  	v56 =	vld [tilespmem:s18+$0x6B0]  }
0x19c: {  	v57 =	vld [tilespmem:s18+$0x86B0]  }
0x19d: {  	v62 =	vld [tilespmem:s18+$0x770]  }
0x19e: {  	[tilespmem:$0x1FE00] =	vst v0;
	v0 =	vld [tilespmem:s18+$0x10650]  }
0x19f: {  	v40 =	vmul.f32 v40, v45;
	v45 =	vmul.f32 v55, v53;
	v55 =	vld [tilespmem:s18+$0x9A0]  }
0x1a0: {  	v13 =	vld [tilespmem:s18+$0x8770]  }
0x1a1: {  	v50 =	vld [tilespmem:s18+$0x7B0]  }
0x1a2: {  	v46 =	vld [tilespmem:s18+$0x87B0]  }
0x1a3: {  	[tilespmem:$0x1FE10] =	vst v0;
	v0 =	vld [tilespmem:s18+$0x10680]  }
0x1a4: {  	[tilespmem:$0x1FF40] =	vst v55;
	v55 =	vld [tilespmem:s18+$0x89A0]  }
0x1a5: {  	v13 =	vmul.f32 v13, v62;
	v62 =	vld [tilespmem:$0x1FC60];
	_ =	sdelay $0x1  }
0x1a6: {  	v39 =	vld [tilespmem:s18+$0x7F0]  }
0x1a7: {  	[tilespmem:$0x1FE20] =	vst v0;
	v0 =	vld [tilespmem:s18+$0x10690]  }
0x1a8: {  	v34 =	vld [tilespmem:s18+$0x87F0];
	[tilespmem:$0x1FF50] =	vst v55;
	v55 =	vmul.f32 v54, v40;
	v40 =	vmul.f32 v57, v56  }
0x1a9: {  	v57 =	vmul.f32 v62, v13;
	v13 =	vmul.f32 v46, v50;
	v50 =	vld [tilespmem:$0x1FC70];
	_ =	sdelay $0x1  }
0x1aa: {  	v33 =	vld [tilespmem:s18+$0x830]  }
0x1ab: {  	[tilespmem:$0x1FE30] =	vst v0;
	v0 =	vld [tilespmem:s18+$0x106C0]  }
0x1ac: {  	v30 =	vld [tilespmem:s18+$0x8830]  }
0x1ad: {  	v34 =	vmul.f32 v34, v39;
	v39 =	vmul.f32 v50, v13;
	v13 =	vld [tilespmem:$0x1FC80]  }
0x1ae: {  	v29 =	vld [tilespmem:s18+$0x870]  }
0x1af: {  	v10 =	vld [tilespmem:s18+$0x8870]  }
0x1b0: {  	[tilespmem:$0x1FE40] =	vst v0;
	v0 =	vld [tilespmem:s18+$0x106D0]  }
0x1b1: {  	v48 =	vld [tilespmem:s18+$0x8B0]  }
0x1b2: {  	v34 =	vmul.f32 v13, v34;
	v13 =	vld [tilespmem:$0x1FC90]  }
0x1b3: {  	v36 =	vld [tilespmem:s18+$0x930]  }
0x1b4: {  	v31 =	vld [tilespmem:s18+$0x8930]  }
0x1b5: {  	v30 =	vmul.f32 v30, v33;
	[tilespmem:$0x1FE50] =	vst v0;
	v0 =	vld [tilespmem:s18+$0x10700]  }
0x1b6: {  	v42 =	vld [tilespmem:s18+$0x88B0]  }
0x1b7: {  	v62 =	vmul.f32 v13, v30;
	v13 =	vld [tilespmem:$0x1FCA0];
	_ =	sdelay $0x1  }
0x1b8: {  	v30 =	vmul.f32 v31, v36;
	v31 =	vld [tilespmem:$0x1FCB0]  }
0x1b9: {  	v10 =	vmul.f32 v10, v29;
	[tilespmem:$0x1FE60] =	vst v0;
	v0 =	vld [tilespmem:s18+$0x10710];
	_ =	sdelay $0x1  }
0x1ba: {  	v38 =	vld [tilespmem:s18+$0x8F0];
	v46 =	vmul.f32 v13, v10;
	v10 =	vmul.f32 v42, v48  }
0x1bb: {  	v35 =	vld [tilespmem:s18+$0x88F0]  }
0x1bc: {  	v36 =	vmul.f32 v31, v10;
	v10 =	vld [tilespmem:$0x1FCC0]  }
0x1bd: {  	[tilespmem:$0x1FE70] =	vst v0;
	v0 =	vld [tilespmem:s18+$0x10740];
	_ =	sdelay $0x2  }
0x1be: {  	v13 =	vmul.f32 v35, v38  }
0x1bf: {  	v58 =	vld [tilespmem:s18+$0x6F0]  }
0x1c0: {  	v10 =	vmul.f32 v10, v13;
	[tilespmem:$0x1FE80] =	vst v0;
	v0 =	vld [tilespmem:s18+$0x10750]  }
0x1c1: {  	v59 =	vld [tilespmem:s18+$0x86F0]  }
0x1c2: {  	[tilespmem:$0x1FCD0] =	vst v10;
	v10 =	vld [tilespmem:$0x1FCE0]  }
0x1c3: {  	v60 =	vld [tilespmem:s18+$0x730]  }
0x1c4: {  	v61 =	vld [tilespmem:s18+$0x8730]  }
0x1c5: {  	[tilespmem:$0x1FE90] =	vst v0;
	v0 =	vld [tilespmem:s18+$0x10780]  }
0x1c6: {  	v28 =	vld [tilespmem:s18+$0x970]  }
0x1c7: {  	v11 =	vld [tilespmem:s18+$0x8970];
	v10 =	vmul.f32 v10, v30  }
0x1c8: {  	v52 =	vld [tilespmem:s18+$0x9B0]  }
0x1c9: {  	[tilespmem:$0x1FCF0] =	vst v10;
	v10 =	vld [tilespmem:$0x1FD00]  }
0x1ca: {  	[tilespmem:$0x1FEC0] =	vst v0;
	v0 =	vld [tilespmem:s18+$0x10790]  }
0x1cb: {  	v47 =	vld [tilespmem:s18+$0x89B0]  }
0x1cc: {  	v41 =	vld [tilespmem:s18+$0x620]  }
0x1cd: {  	v37 =	vld [tilespmem:s18+$0x8620];
	v11 =	vmul.f32 v11, v28  }
0x1ce: {  	v24 =	vld [tilespmem:s18+$0x6A0]  }
0x1cf: {  	v10 =	vmul.f32 v10, v11;
	[tilespmem:$0x1FED0] =	vst v0;
	v0 =	vld [tilespmem:s18+$0x107C0]  }
0x1d0: {  	v23 =	vld [tilespmem:s18+$0x86A0]  }
0x1d1: {  	[tilespmem:$0x1FD10] =	vst v10;
	v10 =	vld [tilespmem:$0x1FD20]  }
0x1d2: {  	v32 =	vld [tilespmem:s18+$0x660]  }
0x1d3: {  	v27 =	vld [tilespmem:s18+$0x8660]  }
0x1d4: {  	v37 =	vmul.f32 v37, v41;
	[tilespmem:$0x1FEE0] =	vst v0;
	v0 =	vld [tilespmem:s18+$0x107D0]  }
0x1d5: {  	v20 =	vld [tilespmem:s18+$0x6E0]  }
0x1d6: {  	v23 =	vmul.f32 v23, v24;
	v24 =	vmul.f32 v10, v37;
	v10 =	vld [tilespmem:$0x1FD30]  }
0x1d7: {  	v16 =	vld [tilespmem:s18+$0x86E0]  }
0x1d8: {  	v26 =	vld [tilespmem:s18+$0x720]  }
0x1d9: {  	v27 =	vmul.f32 v27, v32;
	[tilespmem:$0x1FEF0] =	vst v0;
	v0 =	vld [tilespmem:s18+$0x10800]  }
0x1da: {  	v25 =	vld [tilespmem:s18+$0x8720]  }
0x1db: {  	v27 =	vmul.f32 v10, v27;
	v10 =	vld [tilespmem:$0x1FD40]  }
0x1dc: {  	v22 =	vld [tilespmem:s18+$0x760]  }
0x1dd: {  	v21 =	vld [tilespmem:s18+$0x8760]  }
0x1de: {  	[tilespmem:$0x1FF00] =	vst v0;
	v0 =	vld [tilespmem:s18+$0x10810]  }
0x1df: {  	v18 =	vld [tilespmem:s18+$0x7A0]  }
0x1e0: {  	v41 =	vmul.f32 v10, v23;
	v10 =	vld [tilespmem:$0x1FD50]  }
0x1e1: {  	v15 =	vld [tilespmem:s18+$0x87A0]  }
0x1e2: {  	v8 =	vld [tilespmem:s18+$0x7E0]  }
0x1e3: {  	v16 =	vmul.f32 v16, v20;
	[tilespmem:$0x1FF10] =	vst v0;
	v0 =	vld [tilespmem:s18+$0x10840]  }
0x1e4: {  	v7 =	vld [tilespmem:s18+$0x87E0]  }
0x1e5: {  	v31 =	vmul.f32 v47, v52;
	v47 =	vmul.f32 v10, v16;
	v10 =	vld [tilespmem:$0x1FD60]  }
0x1e6: {  	v19 =	vld [tilespmem:s18+$0x820]  }
0x1e7: {  	v17 =	vld [tilespmem:s18+$0x8820]  }
0x1e8: {  	v16 =	vmul.f32 v25, v26;
	[tilespmem:$0x1FF20] =	vst v0;
	v0 =	vld [tilespmem:s18+$0x10850]  }
0x1e9: {  	v14 =	vld [tilespmem:s18+$0x860]  }
0x1ea: {  	v25 =	vmul.f32 v10, v16;
	v10 =	vld [tilespmem:$0x1FD70]  }
0x1eb: {  	v9 =	vld [tilespmem:s18+$0x8860]  }
0x1ec: {  	v6 =	vld [tilespmem:s18+$0x8A0]  }
0x1ed: {  	v21 =	vmul.f32 v21, v22;
	[tilespmem:$0x1FF30] =	vst v0;
	v0 =	vld [tilespmem:s18+$0x10880]  }
0x1ee: {  	v4 =	vld [tilespmem:s18+$0x88A0]  }
0x1ef: {  	v21 =	vmul.f32 v10, v21;
	v10 =	vld [tilespmem:$0x1FD80]  }
0x1f0: {  	v51 =	vld [tilespmem:s18+$0x10980]  }
0x1f1: {  	v1 =	vld [tilespmem:s18+$0x8E0]  }
0x1f2: {  	v15 =	vmul.f32 v15, v18;
	[tilespmem:$0x1FF80] =	vst v0;
	v0 =	vld [tilespmem:s18+$0x10890]  }
0x1f3: {  	v12 =	vld [tilespmem:s18+$0x920]  }
0x1f4: {  	v15 =	vmul.f32 v10, v15;
	v10 =	vld [tilespmem:$0x1FD90]  }
0x1f5: {  	[tilespmem:$0x1FC00] =	vst v51;
	v51 =	vld [tilespmem:s18+$0x10990]  }
0x1f6: {  	v5 =	vld [tilespmem:s18+$0x8920]  }
0x1f7: {  	v7 =	vmul.f32 v7, v8;
	[tilespmem:$0x1FF90] =	vst v0;
	v0 =	vld [tilespmem:s18+$0x108C0]  }
0x1f8: {  	v53 =	vld [tilespmem:$0x1FC20]  }
0x1f9: {  	v7 =	vmul.f32 v10, v7;
	v10 =	vld [tilespmem:$0x1FDB0]  }
0x1fa: {  	[tilespmem:$0x1FC10] =	vst v51;
	v51 =	vmul.f32 v59, v58;
	v58 =	vld [tilespmem:s18+$0x89E0]  }
0x1fb: {  	v59 =	vld [tilespmem:$0x1FC30]  }
0x1fc: {  	v9 =	vmul.f32 v9, v14;
	[tilespmem:$0x1FFA0] =	vst v0;
	v0 =	vld [tilespmem:s18+$0x108D0]  }
0x1fd: {  	v54 =	vld [tilespmem:s18+$0x9E0]  }
0x1fe: {  	v9 =	vmul.f32 v10, v9;
	v10 =	vld [tilespmem:$0x1FDC0]  }
0x1ff: {  	v45 =	vmul.f32 v53, v45;
	v53 =	vmul.f32 v61, v60;
	v60 =	vld [tilespmem:$0x1FC40]  }
0x200: {  	[tilespmem:$0x1FF70] =	vst v58;
	v58 =	vld [tilespmem:s18+$0x8600]  }
0x201: {  	v4 =	vmul.f32 v4, v6;
	[tilespmem:$0x1FFB0] =	vst v0;
	v0 =	vld [tilespmem:s18+$0x88E0]  }
0x202: {  	v61 =	vld [tilespmem:$0x1FC50]  }
0x203: {  	v16 =	vmul.f32 v17, v19;
	v17 =	vmul.f32 v10, v4;
	v4 =	vld [tilespmem:$0x1FDD0]  }
0x204: {  	v56 =	vmul.f32 v59, v40;
	v40 =	vmul.f32 v60, v51;
	v51 =	vld [tilespmem:s18+$0x600];
	_ =	sdelay $0x1  }
0x205: {  	v10 =	vld [tilespmem:$0x1FDE0];
	v0 =	vmul.f32 v0, v1;
	_ =	sdelay $0x1  }
0x206: {  	v59 =	vld [tilespmem:s18+$0x8610];
	v53 =	vmul.f32 v61, v53;
	v61 =	vmul.f32 v4, v0  }
0x207: {  	[tilespmem:$0x1FF60] =	vst v54;
	v54 =	vld [tilespmem:s18+$0x610];
	v4 =	vmul.f32 v5, v12;
	v5 =	vmul.f32 v58, v51;
	_ =	sdelay $0x1  }
0x208: {  	v5 =	vmul.f32 v10, v5;
	v10 =	vld [tilespmem:$0x1FDF0];
	_ =	sdelay $0x1  }
0x209: {  	v29 =	vld [tilespmem:s18+$0x640]  }
0x20a: {  	v33 =	vld [tilespmem:s18+$0x8640];
	v12 =	vmul.f32 v59, v54;
	_ =	sdelay $0x1  }
0x20b: {  	v12 =	vmul.f32 v10, v12;
	v10 =	vld [tilespmem:$0x1FE00];
	_ =	sdelay $0x1  }
0x20c: {  	v60 =	vld [tilespmem:s18+$0x650]  }
0x20d: {  	v29 =	vmul.f32 v33, v29;
	v35 =	vld [tilespmem:s18+$0x8650]  }
0x20e: {  	v49 =	vld [tilespmem:s18+$0x9F0]  }
0x20f: {  	v29 =	vmul.f32 v10, v29;
	v10 =	vld [tilespmem:$0x1FE10]  }
0x210: {  	v44 =	vld [tilespmem:s18+$0x89F0]  }
0x211: {  	v28 =	vld [tilespmem:s18+$0x680]  }
0x212: {  	v38 =	vld [tilespmem:s18+$0x8680];
	v60 =	vmul.f32 v35, v60;
	_ =	sdelay $0x1  }
0x213: {  	v33 =	vmul.f32 v10, v60;
	v10 =	vld [tilespmem:$0x1FE20];
	_ =	sdelay $0x1  }
0x214: {  	v42 =	vld [tilespmem:s18+$0x690]  }
0x215: {  	v28 =	vmul.f32 v38, v28;
	v30 =	vmul.f32 v44, v49;
	v44 =	vld [tilespmem:s18+$0x8690];
	_ =	sdelay $0x1  }
0x216: {  	v28 =	vmul.f32 v10, v28;
	v10 =	vld [tilespmem:$0x1FE30];
	_ =	sdelay $0x1  }
0x217: {  	v32 =	vld [tilespmem:s18+$0x6C0]  }
0x218: {  	v20 =	vld [tilespmem:s18+$0x86C0];
	v59 =	vmul.f32 v44, v42;
	_ =	sdelay $0x1  }
0x219: {  	v38 =	vmul.f32 v10, v59;
	v10 =	vld [tilespmem:$0x1FE40]  }
0x21a: {  	v2 =	vld [tilespmem:s18+$0x10900]  }
0x21b: {  	v37 =	vld [tilespmem:s18+$0x6D0]  }
0x21c: {  	v20 =	vmul.f32 v20, v32;
	v23 =	vld [tilespmem:s18+$0x86D0];
	_ =	sdelay $0x1  }
0x21d: {  	v20 =	vmul.f32 v10, v20;
	v10 =	vld [tilespmem:$0x1FE50]  }
0x21e: {  	[tilespmem:$0x1FBC0] =	vst v2;
	v2 =	vld [tilespmem:s18+$0x10910]  }
0x21f: {  	v22 =	vld [tilespmem:s18+$0x700]  }
0x220: {  	v8 =	vld [tilespmem:s18+$0x8700];
	v23 =	vmul.f32 v23, v37  }
0x221: {  	v18 =	vld [tilespmem:s18+$0x710]  }
0x222: {  	v23 =	vmul.f32 v10, v23;
	v10 =	vld [tilespmem:$0x1FE60]  }
0x223: {  	[tilespmem:$0x1FBD0] =	vst v2;
	v2 =	vld [tilespmem:s18+$0x10940]  }
0x224: {  	v26 =	vld [tilespmem:s18+$0x8710]  }
0x225: {  	v8 =	vmul.f32 v8, v22;
	v19 =	vld [tilespmem:s18+$0x750]  }
0x226: {  	v0 =	vld [tilespmem:s18+$0x8750]  }
0x227: {  	v8 =	vmul.f32 v10, v8;
	v10 =	vld [tilespmem:$0x1FE70]  }
0x228: {  	v14 =	vld [tilespmem:s18+$0x740]  }
0x229: {  	[tilespmem:$0x1FBE0] =	vst v2;
	v2 =	vld [tilespmem:s18+$0x10950]  }
0x22a: {  	v18 =	vmul.f32 v26, v18;
	v1 =	vld [tilespmem:s18+$0x8740];
	_ =	sdelay $0x1  }
0x22b: {  	v0 =	vmul.f32 v0, v19;
	v19 =	vmul.f32 v10, v18;
	v10 =	vld [tilespmem:$0x1FE80];
	_ =	sdelay $0x1  }
0x22c: {  	v3 =	vld [tilespmem:s18+$0x960]  }
0x22d: {  	[tilespmem:$0x1FBF0] =	vst v2;
	v2 =	vld [tilespmem:s18+$0x8960];
	v1 =	vmul.f32 v1, v14;
	_ =	sdelay $0x1  }
0x22e: {  	v1 =	vmul.f32 v10, v1;
	v10 =	vld [tilespmem:$0x1FE90];
	_ =	sdelay $0x2  }
0x22f: {  	v2 =	vmul.f32 v2, v3;
	v3 =	vld [tilespmem:s18+$0x780]  }
0x230: {  	v48 =	vld [tilespmem:s18+$0x8780]  }
0x231: {  	v0 =	vmul.f32 v10, v0;
	v10 =	vld [tilespmem:$0x1FEA0]  }
0x232: {  	v52 =	vld [tilespmem:s18+$0x790]  }
0x233: {  	v49 =	vld [tilespmem:s18+$0x8880]  }
0x234: {  	v11 =	vld [tilespmem:$0x1FF70]  }
0x235: {  	v26 =	vld [tilespmem:s18+$0x8800]  }
0x236: {  	v18 =	vmul.f32 v10, v4;
	v10 =	vld [tilespmem:$0x1FEC0]  }
0x237: {  	v6 =	vld [tilespmem:$0x1FDA0]  }
0x238: {  	v54 =	vld [tilespmem:s18+$0x8790]  }
0x239: {  	v3 =	vmul.f32 v48, v3;
	v58 =	vld [tilespmem:s18+$0x7C0]  }
0x23a: {  	v44 =	vld [tilespmem:s18+$0x87D0]  }
0x23b: {  	v0 =	vadd.f32 v0, v1;
	v48 =	vmul.f32 v10, v3;
	v10 =	vld [tilespmem:$0x1FED0]  }
0x23c: {  	v14 =	vld [tilespmem:s18+$0x810];
	v20 =	vadd.f32 v23, v20  }
0x23d: {  	v5 =	vadd.f32 v12, v5;
	v12 =	vld [tilespmem:s18+$0x7D0];
	v0 =	vadd.f32 v21, v0  }
0x23e: {  	v60 =	vld [tilespmem:s18+$0x87C0];
	v21 =	vmul.f32 v54, v52;
	v4 =	vadd.f32 v19, v8;
	v19 =	vadd.f32 v47, v20  }
0x23f: {  	v1 =	vld [tilespmem:$0x1FEB0]  }
0x240: {  	v29 =	vadd.f32 v33, v29;
	v3 =	vadd.f32 v40, v19;
	v19 =	vmul.f32 v10, v21;
	v10 =	vld [tilespmem:$0x1FEE0]  }
0x241: {  	v5 =	vadd.f32 v24, v5;
	v24 =	vld [tilespmem:s18+$0x800]  }
0x242: {  	v22 =	vadd.f32 v27, v29;
	v27 =	vld [tilespmem:s18+$0x8810]  }
0x243: {  	v20 =	vld [tilespmem:s18+$0x8850];
	v4 =	vadd.f32 v25, v4;
	v25 =	vmul.f32 v60, v58  }
0x244: {  	v28 =	vadd.f32 v38, v28;
	v23 =	vmul.f32 v1, v2;
	v2 =	vld [tilespmem:s18+$0x850]  }
0x245: {  	v21 =	vmul.f32 v10, v25;
	v10 =	vld [tilespmem:$0x1FEF0]  }
0x246: {  	v51 =	vld [tilespmem:s18+$0x8890];
	v5 =	vadd.f32 v55, v5;
	v12 =	vmul.f32 v44, v12;
	v1 =	vadd.f32 v41, v28  }
0x247: {  	v55 =	vld [tilespmem:s18+$0x88D0];
	v14 =	vmul.f32 v27, v14;
	v27 =	vperm.xlane v3, v63  }
0x248: {  	v50 =	vperm.xlane v5, v63;
	v24 =	vmul.f32 v26, v24;
	v26 =	vld [tilespmem:s18+$0x8C0];
	v1 =	vadd.f32 v56, v1  }
0x249: {  	v4 =	vadd.f32 v53, v4;
	v2 =	vmul.f32 v20, v2;
	v20 =	vadd.f32 v27, v3;
	v3 =	vld [tilespmem:$0x1FF00]  }
0x24a: {  	v53 =	vadd.f32 v50, v5;
	v5 =	vperm.xlane v1, v63;
	v12 =	vmul.f32 v10, v12;
	v10 =	vld [tilespmem:$0x1FF10]  }
0x24b: {  	v29 =	vld [tilespmem:s18+$0x840]  }
0x24c: {  	v8 =	vld [tilespmem:s18+$0x8840];
	v1 =	vadd.f32 v5, v1;
	v5 =	vperm.xlane v4, v63  }
0x24d: {  	v22 =	vadd.f32 v45, v22;
	v54 =	vld [tilespmem:s18+$0x88C0]  }
0x24e: {  	v6 =	vmul.f32 v6, v16;
	v0 =	vadd.f32 v57, v0;
	v56 =	vadd.f32 v5, v4;
	v4 =	vld [tilespmem:$0x1FF20]  }
0x24f: {  	v5 =	vld [tilespmem:$0x1FF30];
	v24 =	vmul.f32 v3, v24;
	v14 =	vmul.f32 v10, v14  }
0x250: {  	v52 =	vperm.xlane v22, v63;
	v28 =	vld [tilespmem:s18+$0x880];
	v27 =	vperm.xlane v0, v63;
	v19 =	vadd.f32 v19, v48  }
0x251: {  	v8 =	vmul.f32 v8, v29;
	v29 =	vld [tilespmem:s18+$0x8D0];
	v12 =	vadd.f32 v12, v21;
	v21 =	vadd.f32 v14, v24  }
0x252: {  	v22 =	vadd.f32 v52, v22;
	v0 =	vadd.f32 v27, v0;
	v1 =	vsel vm0, v1, v20;
	v20 =	vld [tilespmem:s18+$0x950]  }
0x253: {  	v3 =	vld [tilespmem:s18+$0x900];
	v19 =	vadd.f32 v15, v19;
	v6 =	vadd.f32 v6, v21  }
0x254: {  	v15 =	vld [tilespmem:s18+$0x8940];
	v57 =	vmul.f32 v4, v8;
	v2 =	vmul.f32 v5, v2;
	v24 =	vsel vm0, v53, v22  }
0x255: {  	v25 =	vld [tilespmem:s18+$0x890];
	v27 =	vadd.f32 v62, v6;
	v6 =	vperm.xlane v24, v43  }
0x256: {  	v0 =	vsel vm0, v56, v0;
	v4 =	vld [tilespmem:s18+$0x8900];
	v2 =	vadd.f32 v2, v57  }
0x257: {  	v5 =	vld [tilespmem:s18+$0x910];
	v24 =	vadd.f32 v6, v24;
	v6 =	vperm.xlane v0, v43  }
0x258: {  	v8 =	vld [tilespmem:$0x1FF40];
	v2 =	vadd.f32 v9, v2  }
0x259: {  	v59 =	vmul.f32 v54, v26;
	v26 =	vadd.f32 v6, v0;
	v0 =	vld [tilespmem:$0x1FF90]  }
0x25a: {  	v39 =	vadd.f32 v39, v19;
	v9 =	vld [tilespmem:s18+$0x8980];
	v21 =	vadd.f32 v46, v2;
	v2 =	vperm.xlane v1, v43  }
0x25b: {  	v19 =	vmul.f32 v49, v28;
	v7 =	vadd.f32 v7, v12;
	v12 =	vld [tilespmem:s18+$0x990]  }
0x25c: {  	v28 =	vmul.f32 v51, v25;
	v10 =	vld [tilespmem:$0x1FF50];
	v25 =	vadd.f32 v2, v1;
	v1 =	vperm.xlane v39, v63  }
0x25d: {  	v58 =	vadd.f32 v34, v7;
	v7 =	vld [tilespmem:s18+$0x980]  }
0x25e: {  	v38 =	vmul.f32 v0, v28;
	v0 =	vadd.f32 v1, v39;
	v1 =	vld [tilespmem:$0x1FFA0]  }
0x25f: {  	v14 =	vld [tilespmem:s18+$0x940]  }
0x260: {  	v22 =	vld [tilespmem:s18+$0x8950]  }
0x261: {  	v2 =	vld [tilespmem:$0x1FF80]  }
0x262: {  	v32 =	vmul.f32 v10, v8;
	v10 =	vld [tilespmem:$0x1FF60]  }
0x263: {  	v35 =	vmul.f32 v1, v59;
	v1 =	vld [tilespmem:$0x1FFB0]  }
0x264: {  	v8 =	vld [tilespmem:s18+$0x8910]  }
0x265: {  	v60 =	vmul.f32 v55, v29;
	v6 =	vld [tilespmem:s18+$0x9C0]  }
0x266: {  	v62 =	vperm.xlane v58, v63;
	v29 =	vmul.f32 v2, v19;
	v19 =	vld [tilespmem:s18+$0x8990]  }
0x267: {  	v34 =	vperm.xlane v21, v63;
	v37 =	vperm.xlane v27, v63;
	v2 =	vld [tilespmem:s18+$0x89C0]  }
0x268: {  	s19 =	simm.s32 $0x18600;
	s20 =	simm.s32 $0x2000;
	v33 =	vmul.f32 v11, v10;
	v28 =	vld [tilespmem:s18+$0x9D0];
	v39 =	vmul.f32 v1, v60;
	v1 =	vadd.f32 v62, v58  }
.LBB2_2:
0x269: {  	v10 =	vld [tilespmem:$0x1FBC0];
	_ =	sdelay $0x2  }
0x26a: {  	v3 =	vmul.f32 v4, v3;
	_ =	sdelay $0x1  }
0x26b: {  	v3 =	vmul.f32 v10, v3;
	v10 =	vld [tilespmem:$0x1FBD0];
	_ =	sdelay $0x2  }
0x26c: {  	v4 =	vmul.f32 v8, v5;
	_ =	sdelay $0x1  }
0x26d: {  	v4 =	vmul.f32 v10, v4;
	v10 =	vld [tilespmem:$0x1FBE0];
	_ =	sdelay $0x2  }
0x26e: {  	v14 =	vmul.f32 v15, v14;
	_ =	sdelay $0x1  }
0x26f: {  	v14 =	vmul.f32 v10, v14;
	v10 =	vld [tilespmem:$0x1FBF0];
	_ =	sdelay $0x2  }
0x270: {  	v15 =	vmul.f32 v22, v20;
	_ =	sdelay $0x1  }
0x271: {  	v15 =	vmul.f32 v10, v15;
	v10 =	vld [tilespmem:$0x1FC00];
	_ =	sdelay $0x2  }
0x272: {  	v7 =	vmul.f32 v9, v7  }
0x273: {  	v5 =	vld [tilespmem:s18+$0x89D0]  }
0x274: {  	v7 =	vmul.f32 v10, v7;
	v10 =	vld [tilespmem:$0x1FC10]  }
0x275: {  	v20 =	vld [tilespmem:s18+$0x109C0]  }
0x276: {  	v8 =	vadd.f32 v37, v27;
	v27 =	vld [tilespmem:s18+$0x109D0]  }
0x277: {  	v22 =	vadd.f32 v38, v29;
	v9 =	vmul.f32 v19, v12;
	v12 =	vld [tilespmem:s18+$0x109E0]  }
0x278: {  	v19 =	vld [tilespmem:s18+$0x109B0]  }
0x279: {  	v17 =	vadd.f32 v17, v22;
	v9 =	vmul.f32 v10, v9;
	v10 =	vld [tilespmem:$0x1FCD0]  }
0x27a: {  	v63 =	vld [tilespmem:s18+$0x109A0];
	v29 =	vadd.f32 v39, v35;
	v2 =	vmul.f32 v2, v6;
	v5 =	vmul.f32 v5, v28  }
0x27b: {  	v6 =	vadd.f32 v36, v17;
	v17 =	vld [tilespmem:s18+$0x109F0]  }
0x27c: {  	v16 =	vadd.f32 v61, v29;
	v2 =	vmul.f32 v20, v2;
	v5 =	vmul.f32 v27, v5  }
0x27d: {  	v7 =	vadd.f32 v9, v7;
	v9 =	vmul.f32 v19, v31;
	v19 =	vld [tilespmem:$0x1FFC0]  }
0x27e: {  	v2 =	vadd.f32 v5, v2;
	v5 =	vmul.f32 v12, v33;
	v13 =	vadd.f32 v10, v16;
	v10 =	vld [tilespmem:$0x1FCF0]  }
0x27f: {  	v3 =	vadd.f32 v4, v3;
	v4 =	vadd.f32 v15, v14;
	v14 =	vmul.f32 v63, v32  }
0x280: {  	v2 =	vadd.f32 v5, v2;
	v5 =	vmul.f32 v17, v30  }
0x281: {  	v3 =	vadd.f32 v18, v3;
	v7 =	vadd.f32 v14, v7  }
0x282: {  	v2 =	vadd.f32 v5, v2  }
0x283: {  	v7 =	vadd.f32 v9, v7;
	v5 =	vperm.xlane v13, v19;
	v3 =	vadd.f32 v10, v3;
	v10 =	vld [tilespmem:$0x1FD10];
	_ =	sdelay $0x1  }
0x284: {  	v12 =	vperm.xlane v2, v19;
	v11 =	vperm.xlane v7, v19;
	v5 =	vadd.f32 v5, v13;
	v13 =	vld [tilespmem:$0x1FFD0]  }
0x285: {  	v4 =	vadd.f32 v23, v4  }
0x286: {  	v2 =	vadd.f32 v12, v2;
	v7 =	vadd.f32 v11, v7  }
0x287: {  	v4 =	vadd.f32 v10, v4;
	v10 =	vperm.xlane v6, v19  }
0x288: {  	v9 =	vperm.xlane v3, v19;
	v2 =	vsel vm0, v7, v2  }
0x289: {  	v7 =	vperm.xlane v2, v13;
	v6 =	vadd.f32 v10, v6;
	v10 =	vperm.xlane v4, v19  }
0x28a: {  	v21 =	vadd.f32 v34, v21;
	v0 =	vsel vm0, v0, v1;
	v1 =	vadd.f32 v9, v3  }
0x28b: {  	v2 =	vadd.f32 v7, v2;
	v3 =	vadd.f32 v10, v4  }
0x28c: {  	v4 =	vsel vm0, v8, v21;
	v5 =	vsel vm0, v6, v5;
	v6 =	vperm.xlane v0, v13  }
0x28d: {  	v7 =	vld [tilespmem:$0x1FFE0];
	v8 =	vperm.xlane v4, v13;
	v1 =	vsel vm0, v1, v3;
	v3 =	vperm.xlane v5, v13  }
0x28e: {  	v0 =	vadd.f32 v6, v0;
	v6 =	vperm.xlane v1, v13  }
0x28f: {  	v4 =	vadd.f32 v8, v4;
	v3 =	vadd.f32 v3, v5  }
0x290: {  	v1 =	vadd.f32 v6, v1  }
0x291: {  	v5 =	vsel vm1, v24, v25;
	v0 =	vsel vm1, v26, v0;
	v3 =	vsel vm1, v4, v3  }
0x292: {  	v1 =	vsel vm1, v1, v2;
	v2 =	vperm.xlane v0, v7;
	v4 =	vperm.xlane v3, v7  }
0x293: {  	v6 =	vperm.xlane v5, v7  }
0x294: {  	v7 =	vperm.xlane v1, v7;
	v0 =	vadd.f32 v2, v0;
	v2 =	vadd.f32 v4, v3;
	v3 =	vld [tilespmem:$0x1FFF0];
	_ =	sdelay $0x1  }
0x295: {  	v5 =	vadd.f32 v6, v5;
	v1 =	vadd.f32 v7, v1;
	_ =	sdelay $0x1  }
0x296: {  	v0 =	vsel vm2, v5, v0;
	v1 =	vsel vm2, v2, v1  }
0x297: {  	v2 =	vperm.xlane v0, v3;
	v3 =	vperm.xlane v1, v3;
	_ =	sdelay $0x1  }
0x298: {  	v0 =	vadd.f32 v2, v0;
	v1 =	vadd.f32 v3, v1;
	_ =	sdelay $0x1  }
0x299: {  	v0 =	vsel vm3, v0, v1  }
0x29a: {  	v0 =	vsub.f32 $0.0e+00, v0;
	_ =	sdelay $0x1  }
0x29b: {  	v0 =	vmul.f32 $1.442695020e+00, v0;
	_ =	sdelay $0x1  }
0x29c: {  	(erf) = vpow2.f32 v0;
	_ =	sdelay $0x8  }
0x29d: {  	v0 =	vpop (erf)  }
0x29e: {  	v0 =	vadd.f32 $1.000000000e+00, v0;
	_ =	sdelay $0x1  }
0x29f: {  	(erf) = vrcp.f32 v0;
	_ =	sdelay $0x8  }
0x2a0: {  	s19 =	sadd.s32 $0x10, s19;
	v0 =	vpop (erf)  }
0x2a1: {  	s18 =	sshra.s32 s20, $0x2;
	[tilespmem:s19+$0x0] =	vst v0  }
0x2a2: {  	v0 =	vld [tilespmem:s18+$0x106B0];
	_ =	sdelay $0x4  }
0x2a3: {  	[tilespmem:$0x1F510] =	vst v0;
	v0 =	vld [tilespmem:s18+$0x106F0];
	_ =	sdelay $0x4  }
0x2a4: {  	[tilespmem:$0x1F520] =	vst v0;
	v0 =	vld [tilespmem:s18+$0x10730];
	_ =	sdelay $0x4  }
0x2a5: {  	[tilespmem:$0x1F530] =	vst v0;
	v0 =	vld [tilespmem:s18+$0x10770];
	_ =	sdelay $0x4  }
0x2a6: {  	[tilespmem:$0x1F540] =	vst v0;
	v0 =	vld [tilespmem:s18+$0x107B0];
	_ =	sdelay $0x4  }
0x2a7: {  	[tilespmem:$0x1F550] =	vst v0;
	v0 =	vld [tilespmem:s18+$0x107F0];
	_ =	sdelay $0x4  }
0x2a8: {  	[tilespmem:$0x1F560] =	vst v0;
	v0 =	vld [tilespmem:s18+$0x10830];
	_ =	sdelay $0x4  }
0x2a9: {  	[tilespmem:$0x1F570] =	vst v0;
	v0 =	vld [tilespmem:s18+$0x10870];
	_ =	sdelay $0x4  }
0x2aa: {  	[tilespmem:$0x1F580] =	vst v0;
	v0 =	vld [tilespmem:s18+$0x108B0];
	_ =	sdelay $0x4  }
0x2ab: {  	[tilespmem:$0x1F590] =	vst v0;
	v0 =	vld [tilespmem:s18+$0x108F0];
	_ =	sdelay $0x4  }
0x2ac: {  	[tilespmem:$0x1F5A0] =	vst v0;
	v0 =	vld [tilespmem:s18+$0x10930];
	_ =	sdelay $0x4  }
0x2ad: {  	[tilespmem:$0x1F5B0] =	vst v0;
	v0 =	vld [tilespmem:s18+$0x10970];
	_ =	sdelay $0x4  }
0x2ae: {  	[tilespmem:$0x1F5C0] =	vst v0;
	v0 =	vld [tilespmem:s18+$0x10620];
	_ =	sdelay $0x4  }
0x2af: {  	[tilespmem:$0x1F5D0] =	vst v0;
	v0 =	vld [tilespmem:s18+$0x10660];
	_ =	sdelay $0x4  }
0x2b0: {  	[tilespmem:$0x1F5E0] =	vst v0;
	v0 =	vld [tilespmem:s18+$0x106A0];
	_ =	sdelay $0x4  }
0x2b1: {  	[tilespmem:$0x1F5F0] =	vst v0;
	v0 =	vld [tilespmem:s18+$0x106E0];
	_ =	sdelay $0x4  }
0x2b2: {  	[tilespmem:$0x1F600] =	vst v0;
	v0 =	vld [tilespmem:s18+$0x10720];
	_ =	sdelay $0x4  }
0x2b3: {  	[tilespmem:$0x1F610] =	vst v0;
	v0 =	vld [tilespmem:s18+$0x10760];
	_ =	sdelay $0x4  }
0x2b4: {  	[tilespmem:$0x1F620] =	vst v0;
	v0 =	vld [tilespmem:s18+$0x107A0];
	_ =	sdelay $0x4  }
0x2b5: {  	[tilespmem:$0x1F630] =	vst v0;
	v0 =	vld [tilespmem:s18+$0x107E0];
	_ =	sdelay $0x4  }
0x2b6: {  	[tilespmem:$0x1F640] =	vst v0;
	v0 =	vld [tilespmem:s18+$0x10820];
	_ =	sdelay $0x4  }
0x2b7: {  	[tilespmem:$0x1F650] =	vst v0;
	v0 =	vld [tilespmem:s18+$0x10860];
	_ =	sdelay $0x4  }
0x2b8: {  	[tilespmem:$0x1F660] =	vst v0;
	v0 =	vld [tilespmem:s18+$0x108A0];
	_ =	sdelay $0x4  }
0x2b9: {  	[tilespmem:$0x1F670] =	vst v0;
	v0 =	vld [tilespmem:s18+$0x108E0];
	_ =	sdelay $0x4  }
0x2ba: {  	[tilespmem:$0x1F680] =	vst v0;
	v0 =	vld [tilespmem:s18+$0x10920];
	_ =	sdelay $0x4  }
0x2bb: {  	[tilespmem:$0x1F750] =	vst v0;
	v0 =	vld [tilespmem:s18+$0x10960];
	_ =	sdelay $0x4  }
0x2bc: {  	[tilespmem:$0x1F760] =	vst v0;
	v0 =	vld [tilespmem:s18+$0x10600];
	_ =	sdelay $0x4  }
0x2bd: {  	[tilespmem:$0x1F690] =	vst v0;
	v0 =	vld [tilespmem:s18+$0x10610];
	_ =	sdelay $0x4  }
0x2be: {  	[tilespmem:$0x1F6A0] =	vst v0;
	v0 =	vld [tilespmem:s18+$0x10640]  }
0x2bf: {  	v49 =	vld [tilespmem:s18+$0x10630]  }
0x2c0: {  	v33 =	vld [tilespmem:s18+$0x630]  }
0x2c1: {  	v18 =	vld [tilespmem:s18+$0x670]  }
0x2c2: {  	v5 =	vld [tilespmem:s18+$0x8670]  }
0x2c3: {  	[tilespmem:$0x1F6B0] =	vst v0;
	v0 =	vld [tilespmem:s18+$0x10650]  }
0x2c4: {  	v25 =	vld [tilespmem:s18+$0x6B0]  }
0x2c5: {  	v23 =	vld [tilespmem:s18+$0x86B0]  }
0x2c6: {  	v8 =	vld [tilespmem:s18+$0x770]  }
0x2c7: {  	v6 =	vld [tilespmem:s18+$0x8770]  }
0x2c8: {  	[tilespmem:$0x1F6C0] =	vst v0;
	v0 =	vld [tilespmem:s18+$0x10680]  }
0x2c9: {  	v17 =	vld [tilespmem:s18+$0x6F0]  }
0x2ca: {  	v10 =	vld [tilespmem:s18+$0x86F0]  }
0x2cb: {  	v18 =	vmul.f32 v5, v18;
	v5 =	vld [tilespmem:s18+$0x10980]  }
0x2cc: {  	v8 =	vmul.f32 v6, v8;
	v6 =	vld [tilespmem:$0x1F510]  }
0x2cd: {  	[tilespmem:$0x1F6D0] =	vst v0;
	v0 =	vld [tilespmem:s18+$0x10690]  }
0x2ce: {  	v24 =	vld [tilespmem:s18+$0x8630]  }
0x2cf: {  	v32 =	vld [tilespmem:s18+$0x7B0];
	v23 =	vmul.f32 v23, v25  }
0x2d0: {  	[tilespmem:$0x1FC00] =	vst v5;
	v5 =	vld [tilespmem:s18+$0x10990]  }
0x2d1: {  	v17 =	vmul.f32 v10, v17;
	v10 =	vmul.f32 v6, v23;
	v6 =	vld [tilespmem:$0x1F520]  }
0x2d2: {  	[tilespmem:$0x1F6E0] =	vst v0;
	v0 =	vld [tilespmem:s18+$0x106C0]  }
0x2d3: {  	v7 =	vld [tilespmem:s18+$0x830]  }
0x2d4: {  	v27 =	vld [tilespmem:s18+$0x8830];
	v24 =	vmul.f32 v24, v33  }
0x2d5: {  	v26 =	vld [tilespmem:s18+$0x87B0]  }
0x2d6: {  	[tilespmem:$0x1FC10] =	vst v5;
	v5 =	vmul.f32 v49, v24;
	v24 =	vmul.f32 v6, v17;
	v17 =	vld [tilespmem:$0x1F540]  }
0x2d7: {  	[tilespmem:$0x1F6F0] =	vst v0;
	v0 =	vld [tilespmem:s18+$0x106D0]  }
0x2d8: {  	v16 =	vld [tilespmem:s18+$0x7F0]  }
0x2d9: {  	v7 =	vmul.f32 v27, v7;
	v27 =	vld [tilespmem:$0x1F550]  }
0x2da: {  	v11 =	vld [tilespmem:s18+$0x87F0]  }
0x2db: {  	v29 =	vld [tilespmem:s18+$0x870]  }
0x2dc: {  	v8 =	vmul.f32 v17, v8;
	v17 =	vmul.f32 v26, v32;
	[tilespmem:$0x1F700] =	vst v0;
	v0 =	vld [tilespmem:s18+$0x10700]  }
0x2dd: {  	v34 =	vld [tilespmem:s18+$0x8870]  }
0x2de: {  	v27 =	vmul.f32 v27, v17;
	v17 =	vld [tilespmem:$0x1F560];
	_ =	sdelay $0x2  }
0x2df: {  	v11 =	vmul.f32 v11, v16;
	[tilespmem:$0x1F710] =	vst v0;
	v0 =	vld [tilespmem:s18+$0x10710];
	_ =	sdelay $0x1  }
0x2e0: {  	v16 =	vmul.f32 v34, v29;
	v29 =	vmul.f32 v17, v11;
	v17 =	vld [tilespmem:$0x1F570];
	_ =	sdelay $0x1  }
0x2e1: {  	v9 =	vld [tilespmem:s18+$0x8B0]  }
0x2e2: {  	[tilespmem:$0x1F720] =	vst v0;
	v0 =	vld [tilespmem:s18+$0x10740]  }
0x2e3: {  	v28 =	vld [tilespmem:s18+$0x88B0]  }
0x2e4: {  	v30 =	vld [tilespmem:s18+$0x8F0];
	v7 =	vmul.f32 v17, v7  }
0x2e5: {  	v35 =	vld [tilespmem:s18+$0x88F0]  }
0x2e6: {  	[tilespmem:$0x1F7F0] =	vst v7;
	v7 =	vld [tilespmem:$0x1F580]  }
0x2e7: {  	[tilespmem:$0x1F730] =	vst v0;
	v0 =	vld [tilespmem:s18+$0x10750]  }
0x2e8: {  	v12 =	vld [tilespmem:s18+$0x970]  }
0x2e9: {  	v45 =	vld [tilespmem:s18+$0x8970];
	_ =	sdelay $0x1  }
0x2ea: {  	v36 =	vld [tilespmem:s18+$0x930];
	v7 =	vmul.f32 v7, v16  }
0x2eb: {  	[tilespmem:$0x1F740] =	vst v0;
	v0 =	vld [tilespmem:s18+$0x10780]  }
0x2ec: {  	v38 =	vld [tilespmem:s18+$0x8930];
	[tilespmem:$0x1F800] =	vst v7;
	v7 =	vmul.f32 v28, v9  }
0x2ed: {  	v9 =	vmul.f32 v35, v30;
	v30 =	vmul.f32 v45, v12;
	v12 =	vld [tilespmem:$0x1F590];
	_ =	sdelay $0x1  }
0x2ee: {  	v51 =	vld [tilespmem:s18+$0x10670]  }
0x2ef: {  	[tilespmem:$0x1F770] =	vst v0;
	v0 =	vld [tilespmem:s18+$0x10790]  }
0x2f0: {  	v20 =	vld [tilespmem:s18+$0x730]  }
0x2f1: {  	v17 =	vmul.f32 v38, v36;
	v36 =	vmul.f32 v12, v7;
	v7 =	vld [tilespmem:$0x1F5A0]  }
0x2f2: {  	v22 =	vld [tilespmem:s18+$0x8730]  }
0x2f3: {  	v31 =	vld [tilespmem:s18+$0x9B0]  }
0x2f4: {  	[tilespmem:$0x1F780] =	vst v0;
	v0 =	vld [tilespmem:s18+$0x107C0]  }
0x2f5: {  	v37 =	vld [tilespmem:s18+$0x89B0]  }
0x2f6: {  	v21 =	vld [tilespmem:s18+$0x9F0];
	v7 =	vmul.f32 v7, v9  }
0x2f7: {  	v40 =	vld [tilespmem:s18+$0x89F0]  }
0x2f8: {  	[tilespmem:$0x1FCD0] =	vst v7;
	v7 =	vld [tilespmem:$0x1F5B0]  }
0x2f9: {  	[tilespmem:$0x1F790] =	vst v0;
	v0 =	vld [tilespmem:s18+$0x107D0]  }
0x2fa: {  	v42 =	vld [tilespmem:s18+$0x620]  }
0x2fb: {  	v46 =	vld [tilespmem:s18+$0x8620]  }
0x2fc: {  	v14 =	vld [tilespmem:s18+$0x660]  }
0x2fd: {  	v47 =	vld [tilespmem:s18+$0x8660]  }
0x2fe: {  	v7 =	vmul.f32 v7, v17;
	[tilespmem:$0x1F7A0] =	vst v0;
	v0 =	vld [tilespmem:s18+$0x10800]  }
0x2ff: {  	v15 =	vld [tilespmem:s18+$0x6A0]  }
0x300: {  	[tilespmem:$0x1FCF0] =	vst v7;
	v7 =	vld [tilespmem:$0x1F5C0]  }
0x301: {  	v48 =	vld [tilespmem:s18+$0x86A0]  }
0x302: {  	v53 =	vld [tilespmem:s18+$0x6E0]  }
0x303: {  	[tilespmem:$0x1F7B0] =	vst v0;
	v0 =	vld [tilespmem:s18+$0x10810]  }
0x304: {  	v54 =	vld [tilespmem:s18+$0x86E0]  }
0x305: {  	v17 =	vld [tilespmem:$0x1F5D0];
	v7 =	vmul.f32 v7, v30  }
0x306: {  	v50 =	vld [tilespmem:s18+$0x720]  }
0x307: {  	v52 =	vld [tilespmem:s18+$0x8720];
	[tilespmem:$0x1FD10] =	vst v7  }
0x308: {  	v7 =	vmul.f32 v46, v42;
	[tilespmem:$0x1F7C0] =	vst v0;
	v0 =	vld [tilespmem:s18+$0x10840]  }
0x309: {  	v55 =	vld [tilespmem:s18+$0x760]  }
0x30a: {  	v30 =	vmul.f32 v40, v21;
	v40 =	vmul.f32 v17, v7;
	v7 =	vld [tilespmem:$0x1F5E0]  }
0x30b: {  	v56 =	vld [tilespmem:s18+$0x8760]  }
0x30c: {  	v57 =	vld [tilespmem:s18+$0x7A0]  }
0x30d: {  	v9 =	vmul.f32 v47, v14;
	[tilespmem:$0x1F7D0] =	vst v0;
	v0 =	vld [tilespmem:s18+$0x10850]  }
0x30e: {  	v58 =	vld [tilespmem:s18+$0x87A0]  }
0x30f: {  	v42 =	vmul.f32 v7, v9;
	v7 =	vld [tilespmem:$0x1F5F0]  }
0x310: {  	v41 =	vld [tilespmem:s18+$0x7E0]  }
0x311: {  	v60 =	vld [tilespmem:s18+$0x87E0]  }
0x312: {  	v12 =	vmul.f32 v48, v15;
	[tilespmem:$0x1F7E0] =	vst v0;
	v0 =	vld [tilespmem:s18+$0x10880]  }
0x313: {  	v59 =	vld [tilespmem:s18+$0x820]  }
0x314: {  	v47 =	vmul.f32 v7, v12;
	v7 =	vld [tilespmem:$0x1F600]  }
0x315: {  	v39 =	vld [tilespmem:s18+$0x8820]  }
0x316: {  	v17 =	vld [tilespmem:$0x1F610]  }
0x317: {  	v15 =	vmul.f32 v54, v53;
	[tilespmem:$0x1F810] =	vst v0;
	v0 =	vld [tilespmem:s18+$0x10890]  }
0x318: {  	v43 =	vld [tilespmem:s18+$0x860]  }
0x319: {  	v44 =	vld [tilespmem:s18+$0x8860];
	v53 =	vmul.f32 v7, v15;
	v7 =	vmul.f32 v52, v50  }
0x31a: {  	v61 =	vld [tilespmem:s18+$0x8A0]  }
0x31b: {  	v52 =	vmul.f32 v17, v7;
	v7 =	vld [tilespmem:$0x1F620]  }
0x31c: {  	[tilespmem:$0x1F820] =	vst v0;
	v0 =	vld [tilespmem:s18+$0x108C0]  }
0x31d: {  	v62 =	vld [tilespmem:s18+$0x88A0]  }
0x31e: {  	v63 =	vld [tilespmem:s18+$0x8E0];
	v9 =	vmul.f32 v56, v55  }
0x31f: {  	v2 =	vld [tilespmem:s18+$0x88E0]  }
0x320: {  	v55 =	vmul.f32 v7, v9;
	v7 =	vld [tilespmem:$0x1F630]  }
0x321: {  	[tilespmem:$0x1F830] =	vst v0;
	v0 =	vld [tilespmem:s18+$0x108D0]  }
0x322: {  	v4 =	vld [tilespmem:s18+$0x920]  }
0x323: {  	v3 =	vld [tilespmem:s18+$0x8920];
	v12 =	vmul.f32 v58, v57  }
0x324: {  	v1 =	vld [tilespmem:s18+$0x960]  }
0x325: {  	v12 =	vmul.f32 v7, v12;
	v7 =	vld [tilespmem:$0x1F640]  }
0x326: {  	[tilespmem:$0x1F840] =	vst v0;
	v0 =	vld [tilespmem:s18+$0x10900]  }
0x327: {  	v25 =	vmul.f32 v22, v20;
	v20 =	vld [tilespmem:s18+$0x9E0]  }
0x328: {  	v21 =	vld [tilespmem:$0x1F650]  }
0x329: {  	v22 =	vld [tilespmem:s18+$0x89E0];
	v15 =	vmul.f32 v60, v41  }
0x32a: {  	v34 =	vld [tilespmem:s18+$0x8610]  }
0x32b: {  	v15 =	vmul.f32 v7, v15;
	v7 =	vmul.f32 v39, v59;
	[tilespmem:$0x1FBC0] =	vst v0;
	v0 =	vld [tilespmem:s18+$0x10910]  }
0x32c: {  	v33 =	vld [tilespmem:s18+$0x8680]  }
0x32d: {  	v7 =	vmul.f32 v21, v7;
	v21 =	vld [tilespmem:$0x1F660]  }
0x32e: {  	v31 =	vmul.f32 v37, v31;
	v37 =	vld [tilespmem:s18+$0x8690]  }
0x32f: {  	v2 =	vmul.f32 v2, v63;
	v63 =	vld [tilespmem:s18+$0x8800]  }
0x330: {  	v9 =	vmul.f32 v44, v43;
	[tilespmem:$0x1FBD0] =	vst v0;
	v0 =	vld [tilespmem:s18+$0x10940]  }
0x331: {  	v18 =	vmul.f32 v51, v18;
	v51 =	vld [tilespmem:s18+$0x89A0]  }
0x332: {  	v9 =	vmul.f32 v21, v9;
	v21 =	vld [tilespmem:$0x1F670]  }
0x333: {  	v6 =	vld [tilespmem:$0x1F530]  }
0x334: {  	v23 =	vld [tilespmem:s18+$0x8600]  }
0x335: {  	v17 =	vmul.f32 v62, v61;
	[tilespmem:$0x1FBE0] =	vst v0;
	v0 =	vld [tilespmem:s18+$0x10950]  }
0x336: {  	v49 =	vld [tilespmem:s18+$0x9A0]  }
0x337: {  	v17 =	vmul.f32 v21, v17;
	v21 =	vld [tilespmem:$0x1F680]  }
0x338: {  	v6 =	vmul.f32 v6, v25;
	v25 =	vld [tilespmem:s18+$0x600]  }
0x339: {  	v26 =	vld [tilespmem:s18+$0x610]  }
0x33a: {  	[tilespmem:$0x1FBF0] =	vst v0;
	v0 =	vld [tilespmem:s18+$0x8960]  }
0x33b: {  	v32 =	vmul.f32 v51, v49;
	v49 =	vld [tilespmem:s18+$0x850]  }
0x33c: {  	v61 =	vmul.f32 v21, v2;
	v21 =	vld [tilespmem:$0x1F690]  }
0x33d: {  	v51 =	vld [tilespmem:s18+$0x8880]  }
0x33e: {  	v3 =	vmul.f32 v3, v4;
	v4 =	vmul.f32 v34, v26;
	v26 =	vld [tilespmem:s18+$0x8780]  }
0x33f: {  	v34 =	vld [tilespmem:s18+$0x8790];
	v0 =	vmul.f32 v0, v1;
	v1 =	vmul.f32 v23, v25  }
0x340: {  	v11 =	vld [tilespmem:s18+$0x640]  }
0x341: {  	v1 =	vmul.f32 v21, v1;
	v21 =	vld [tilespmem:$0x1F6A0]  }
0x342: {  	v38 =	vld [tilespmem:s18+$0x680]  }
0x343: {  	v16 =	vld [tilespmem:s18+$0x8640]  }
0x344: {  	v28 =	vld [tilespmem:s18+$0x650]  }
0x345: {  	v35 =	vld [tilespmem:s18+$0x8650]  }
0x346: {  	v4 =	vmul.f32 v21, v4;
	v21 =	vld [tilespmem:$0x1F6B0]  }
0x347: {  	v45 =	vmul.f32 v33, v38;
	v38 =	vld [tilespmem:s18+$0x87C0]  }
0x348: {  	v48 =	vld [tilespmem:s18+$0x86C0]  }
0x349: {  	v11 =	vmul.f32 v16, v11;
	v54 =	vld [tilespmem:s18+$0x6D0]  }
0x34a: {  	v16 =	vmul.f32 v35, v28;
	v28 =	vld [tilespmem:s18+$0x790]  }
0x34b: {  	v11 =	vmul.f32 v21, v11;
	v21 =	vld [tilespmem:$0x1F6C0]  }
0x34c: {  	v35 =	vld [tilespmem:s18+$0x7D0]  }
0x34d: {  	v14 =	vld [tilespmem:s18+$0x690]  }
0x34e: {  	v46 =	vld [tilespmem:s18+$0x6C0]  }
0x34f: {  	v56 =	vld [tilespmem:s18+$0x8700]  }
0x350: {  	v16 =	vmul.f32 v21, v16;
	v21 =	vld [tilespmem:$0x1F6E0]  }
0x351: {  	v57 =	vld [tilespmem:s18+$0x710]  }
0x352: {  	v50 =	vld [tilespmem:s18+$0x86D0];
	v11 =	vadd.f32 v16, v11  }
0x353: {  	v14 =	vmul.f32 v37, v14;
	v43 =	vld [tilespmem:s18+$0x740]  }
0x354: {  	v44 =	vld [tilespmem:s18+$0x8740];
	v11 =	vadd.f32 v42, v11  }
0x355: {  	v14 =	vmul.f32 v21, v14;
	v21 =	vld [tilespmem:$0x1F700]  }
0x356: {  	v11 =	vadd.f32 v18, v11;
	v18 =	vld [tilespmem:$0x1F730]  }
0x357: {  	v59 =	vld [tilespmem:s18+$0x8710]  }
0x358: {  	v50 =	vmul.f32 v50, v54;
	v2 =	vld [tilespmem:s18+$0x750]  }
0x359: {  	v60 =	vmul.f32 v44, v43;
	v23 =	vld [tilespmem:s18+$0x8750]  }
0x35a: {  	v1 =	vadd.f32 v4, v1;
	v54 =	vmul.f32 v21, v50;
	v21 =	vld [tilespmem:$0x1F720]  }
0x35b: {  	v48 =	vmul.f32 v48, v46;
	v46 =	vmul.f32 v18, v60;
	v18 =	vld [tilespmem:$0x1F740]  }
0x35c: {  	v41 =	vld [tilespmem:s18+$0x700];
	v1 =	vadd.f32 v40, v1  }
0x35d: {  	v37 =	vld [tilespmem:s18+$0x7C0];
	v39 =	vmul.f32 v59, v57  }
0x35e: {  	v2 =	vmul.f32 v23, v2;
	v1 =	vadd.f32 v5, v1;
	v5 =	vld [tilespmem:$0x1F710]  }
0x35f: {  	v23 =	vmul.f32 v21, v39;
	v21 =	vld [tilespmem:$0x1F760]  }
0x360: {  	v2 =	vmul.f32 v18, v2;
	v18 =	vld [tilespmem:$0x1F750]  }
0x361: {  	v58 =	vmul.f32 v56, v41;
	v4 =	vld [tilespmem:$0x1F6D0]  }
0x362: {  	v16 =	vld [tilespmem:$0x1F6F0]  }
0x363: {  	v25 =	vld [tilespmem:s18+$0x780];
	v5 =	vmul.f32 v5, v58  }
0x364: {  	v62 =	vld [tilespmem:s18+$0x800]  }
0x365: {  	v18 =	vmul.f32 v18, v3;
	v3 =	vadd.f32 v23, v5;
	v23 =	vmul.f32 v21, v0;
	v21 =	vld [tilespmem:$0x1F770]  }
0x366: {  	v33 =	vmul.f32 v22, v20;
	v56 =	vld [tilespmem:s18+$0x88C0];
	v4 =	vmul.f32 v4, v45  }
0x367: {  	v59 =	vld [tilespmem:s18+$0x87D0];
	v20 =	vperm.xlane v1, v19;
	v16 =	vmul.f32 v16, v48  }
0x368: {  	v25 =	vmul.f32 v26, v25;
	v26 =	vmul.f32 v34, v28;
	v28 =	vld [tilespmem:s18+$0x8890];
	v4 =	vadd.f32 v14, v4  }
0x369: {  	v1 =	vadd.f32 v20, v1;
	v20 =	vld [tilespmem:$0x1F790];
	v14 =	vadd.f32 v54, v16  }
0x36a: {  	v2 =	vadd.f32 v2, v46;
	v0 =	vadd.f32 v47, v4;
	v25 =	vmul.f32 v21, v25;
	v21 =	vld [tilespmem:$0x1F780]  }
0x36b: {  	v58 =	vld [tilespmem:s18+$0x8D0];
	v4 =	vadd.f32 v53, v14  }
0x36c: {  	v2 =	vadd.f32 v55, v2;
	v0 =	vadd.f32 v10, v0;
	v10 =	vld [tilespmem:s18+$0x8850]  }
0x36d: {  	v48 =	vld [tilespmem:s18+$0x810];
	v4 =	vadd.f32 v24, v4  }
0x36e: {  	v5 =	vld [tilespmem:s18+$0x840];
	v2 =	vadd.f32 v8, v2;
	v8 =	vperm.xlane v0, v19  }
0x36f: {  	v22 =	vperm.xlane v4, v19;
	v26 =	vmul.f32 v21, v26;
	v21 =	vld [tilespmem:$0x1F7A0]  }
0x370: {  	v14 =	vld [tilespmem:s18+$0x8840]  }
0x371: {  	v0 =	vadd.f32 v8, v0;
	v8 =	vmul.f32 v10, v49;
	v10 =	vadd.f32 v22, v4;
	v4 =	vld [tilespmem:$0x1F7B0]  }
0x372: {  	v35 =	vmul.f32 v59, v35;
	v50 =	vld [tilespmem:s18+$0x880];
	v3 =	vadd.f32 v52, v3  }
0x373: {  	v16 =	vld [tilespmem:s18+$0x8810]  }
0x374: {  	v59 =	vmul.f32 v63, v62;
	v6 =	vadd.f32 v6, v3;
	v57 =	vmul.f32 v21, v35;
	v21 =	vld [tilespmem:$0x1F7D0]  }
0x375: {  	v60 =	vld [tilespmem:s18+$0x88D0];
	v53 =	vperm.xlane v2, v19;
	v5 =	vmul.f32 v14, v5  }
0x376: {  	v24 =	vperm.xlane v6, v19;
	v14 =	vmul.f32 v4, v59;
	v4 =	vld [tilespmem:$0x1F7C0]  }
0x377: {  	v54 =	vmul.f32 v38, v37;
	v55 =	vld [tilespmem:s18+$0x8C0];
	v3 =	vperm.xlane v11, v19  }
0x378: {  	v16 =	vmul.f32 v16, v48;
	v52 =	vld [tilespmem:s18+$0x890];
	v2 =	vadd.f32 v53, v2;
	v6 =	vadd.f32 v24, v6  }
0x379: {  	v11 =	vadd.f32 v3, v11;
	v0 =	vsel vm0, v0, v10;
	v22 =	vmul.f32 v21, v5;
	v5 =	vld [tilespmem:$0x1F7E0]  }
0x37a: {  	v3 =	vld [tilespmem:s18+$0x900];
	v10 =	vperm.xlane v0, v13;
	v2 =	vsel vm0, v6, v2;
	v25 =	vadd.f32 v26, v25  }
0x37b: {  	v6 =	vld [tilespmem:$0x1F7F0];
	v26 =	vperm.xlane v2, v13;
	v16 =	vmul.f32 v4, v16  }
0x37c: {  	v20 =	vmul.f32 v20, v54;
	v12 =	vadd.f32 v12, v25;
	v25 =	vadd.f32 v10, v0;
	v0 =	vld [tilespmem:$0x1F810]  }
0x37d: {  	v1 =	vsel vm0, v1, v11;
	v26 =	vadd.f32 v26, v2;
	v2 =	vld [tilespmem:s18+$0x89C0];
	v11 =	vadd.f32 v16, v14  }
0x37e: {  	v4 =	vld [tilespmem:s18+$0x8900];
	v24 =	vmul.f32 v5, v8  }
0x37f: {  	v20 =	vadd.f32 v57, v20;
	v14 =	vld [tilespmem:s18+$0x940];
	v7 =	vadd.f32 v7, v11  }
0x380: {  	v11 =	vadd.f32 v27, v12;
	v12 =	vld [tilespmem:s18+$0x990];
	v16 =	vadd.f32 v24, v22;
	v24 =	vperm.xlane v1, v13  }
0x381: {  	v27 =	vadd.f32 v6, v7;
	v6 =	vld [tilespmem:$0x1F800]  }
0x382: {  	v7 =	vld [tilespmem:s18+$0x980];
	v22 =	vadd.f32 v15, v20;
	v24 =	vadd.f32 v24, v1;
	v1 =	vmul.f32 v51, v50  }
0x383: {  	v5 =	vld [tilespmem:s18+$0x910]  }
0x384: {  	v9 =	vadd.f32 v9, v16;
	v16 =	vadd.f32 v29, v22;
	v29 =	vmul.f32 v0, v1;
	v1 =	vld [tilespmem:$0x1F830]  }
0x385: {  	v8 =	vld [tilespmem:s18+$0x8910]  }
0x386: {  	v15 =	vld [tilespmem:s18+$0x8940]  }
0x387: {  	v10 =	vmul.f32 v56, v55;
	v20 =	vld [tilespmem:s18+$0x950]  }
0x388: {  	v0 =	vld [tilespmem:$0x1F820]  }
0x389: {  	p0 =	sne.s32 s20, $0x1F000;
	v35 =	vmul.f32 v1, v10;
	v1 =	vld [tilespmem:$0x1F840]  }
.Ltmp0:
0x38a: {  	v39 =	vmul.f32 v60, v58;
	v22 =	vld [tilespmem:s18+$0x8950];
	(pc) =	sbr.rel @p0 .LBB2_2-.Ltmp0, $4  }
0x38b: {  	v28 =	vmul.f32 v28, v52;
	v62 =	vperm.xlane v11, v19;
	v21 =	vadd.f32 v6, v9;
	v9 =	vld [tilespmem:s18+$0x8980]  }
0x38c: {  	v37 =	vperm.xlane v27, v19;
	v63 =	vperm.xlane v16, v19;
	v6 =	vld [tilespmem:s18+$0x9C0]  }
0x38d: {  	v34 =	vperm.xlane v21, v19;
	v19 =	vld [tilespmem:s18+$0x8990];
	v38 =	vmul.f32 v0, v28  }
0x38e: {  	s20 =	sadd.s32 $0x1000, s20;
	v0 =	vadd.f32 v62, v11;
	v28 =	vld [tilespmem:s18+$0x9D0];
	v39 =	vmul.f32 v1, v39;
	v1 =	vadd.f32 v63, v16  }
0x38f: {  	v51 =	vld [tilespmem:s18+$0x89D0]  }
0x390: {  	v53 =	vld [tilespmem:s18+$0x109C0]  }
0x391: {  	v13 =	vld [tilespmem:$0x1FBC0]  }
0x392: {  	v55 =	vld [tilespmem:$0x1FBD0]  }
0x393: {  	v56 =	vld [tilespmem:s18+$0x109D0]  }
0x394: {  	v58 =	vld [tilespmem:$0x1FBE0]  }
0x395: {  	v59 =	vld [tilespmem:$0x1FBF0]  }
0x396: {  	v60 =	vld [tilespmem:s18+$0x109A0]  }
0x397: {  	v63 =	vld [tilespmem:s18+$0x109E0]  }
0x398: {  	v3 =	vmul.f32 v4, v3;
	v50 =	vmul.f32 v8, v5;
	v16 =	vadd.f32 v38, v29;
	v29 =	vld [tilespmem:$0x1FC00]  }
0x399: {  	v10 =	vmul.f32 v15, v14;
	v11 =	vmul.f32 v22, v20;
	v54 =	vadd.f32 v34, v21;
	v34 =	vld [tilespmem:$0x1FC10]  }
0x39a: {  	v52 =	vadd.f32 v37, v27;
	v27 =	vld [tilespmem:s18+$0x109B0];
	v7 =	vmul.f32 v9, v7;
	v2 =	vmul.f32 v2, v6  }
0x39b: {  	v42 =	vld [tilespmem:$0x1FCF0];
	v57 =	vadd.f32 v39, v35;
	v62 =	vmul.f32 v19, v12;
	v3 =	vmul.f32 v13, v3  }
0x39c: {  	v43 =	vld [tilespmem:$0x1FD10];
	v16 =	vadd.f32 v17, v16;
	v4 =	vmul.f32 v55, v50;
	v10 =	vmul.f32 v58, v10  }
0x39d: {  	v35 =	vld [tilespmem:s18+$0x109F0];
	v21 =	vadd.f32 v61, v57;
	v11 =	vmul.f32 v59, v11;
	v5 =	vmul.f32 v51, v28  }
0x39e: {  	v28 =	vadd.f32 v36, v16;
	v7 =	vmul.f32 v29, v7;
	v9 =	vmul.f32 v34, v62;
	v36 =	vld [tilespmem:$0x1FCD0]  }
0x39f: {  	v44 =	vld [tilespmem:$0x1FFC0];
	v2 =	vmul.f32 v53, v2;
	v5 =	vmul.f32 v56, v5;
	v3 =	vadd.f32 v4, v3  }
0x3a0: {  	v38 =	vmul.f32 v60, v32;
	v37 =	vadd.f32 v11, v10;
	v7 =	vadd.f32 v9, v7  }
0x3a1: {  	v39 =	vmul.f32 v63, v33;
	v2 =	vadd.f32 v5, v2;
	v3 =	vadd.f32 v18, v3  }
0x3a2: {  	v40 =	vmul.f32 v27, v31;
	v4 =	vadd.f32 v23, v37;
	v7 =	vadd.f32 v38, v7  }
0x3a3: {  	v41 =	vmul.f32 v35, v30;
	v13 =	vadd.f32 v36, v21;
	v2 =	vadd.f32 v39, v2  }
0x3a4: {  	v45 =	vperm.xlane v28, v44;
	v3 =	vadd.f32 v42, v3;
	v4 =	vadd.f32 v43, v4  }
0x3a5: {  	v53 =	vld [tilespmem:$0x1FFD0];
	v7 =	vadd.f32 v40, v7;
	v46 =	vperm.xlane v13, v44;
	v2 =	vadd.f32 v41, v2  }
0x3a6: {  	v6 =	vadd.f32 v45, v28;
	v47 =	vperm.xlane v3, v44;
	v48 =	vperm.xlane v4, v44  }
0x3a7: {  	v49 =	vperm.xlane v7, v44;
	v5 =	vadd.f32 v46, v13;
	v12 =	vperm.xlane v2, v44  }
0x3a8: {  	v0 =	vsel vm0, v0, v1;
	v50 =	vadd.f32 v47, v3;
	v51 =	vadd.f32 v48, v4  }
0x3a9: {  	v52 =	vsel vm0, v52, v54;
	v7 =	vadd.f32 v49, v7;
	v2 =	vadd.f32 v12, v2  }
0x3aa: {  	v58 =	vld [tilespmem:$0x1FFE0];
	v54 =	vperm.xlane v0, v53;
	v8 =	vperm.xlane v52, v53;
	v5 =	vsel vm0, v6, v5  }
0x3ab: {  	v1 =	vsel vm0, v50, v51;
	v55 =	vperm.xlane v5, v53;
	v2 =	vsel vm0, v7, v2  }
0x3ac: {  	v0 =	vadd.f32 v54, v0;
	v56 =	vperm.xlane v1, v53;
	v7 =	vperm.xlane v2, v53  }
0x3ad: {  	v4 =	vadd.f32 v8, v52;
	v3 =	vadd.f32 v55, v5  }
0x3ae: {  	v57 =	vsel vm1, v24, v25;
	v1 =	vadd.f32 v56, v1;
	v2 =	vadd.f32 v7, v2  }
0x3af: {  	v59 =	vperm.xlane v57, v58;
	v0 =	vsel vm1, v26, v0  }
0x3b0: {  	v60 =	vperm.xlane v0, v58;
	v3 =	vsel vm1, v4, v3;
	v1 =	vsel vm1, v1, v2  }
0x3b1: {  	v62 =	vld [tilespmem:$0x1FFF0];
	v4 =	vperm.xlane v3, v58;
	v7 =	vperm.xlane v1, v58  }
0x3b2: {  	v0 =	vadd.f32 v60, v0;
	v5 =	vadd.f32 v59, v57  }
0x3b3: {  	v61 =	vadd.f32 v4, v3;
	v1 =	vadd.f32 v7, v1;
	_ =	sdelay $0x1  }
0x3b4: {  	v0 =	vsel vm2, v5, v0;
	v1 =	vsel vm2, v61, v1  }
0x3b5: {  	v63 =	vperm.xlane v0, v62;
	v3 =	vperm.xlane v1, v62;
	_ =	sdelay $0x1  }
0x3b6: {  	v0 =	vadd.f32 v63, v0;
	v1 =	vadd.f32 v3, v1;
	_ =	sdelay $0x1  }
0x3b7: {  	v0 =	vsel vm3, v0, v1  }
0x3b8: {  	v0 =	vsub.f32 $0.0e+00, v0;
	_ =	sdelay $0x1  }
0x3b9: {  	v0 =	vmul.f32 $1.442695020e+00, v0;
	_ =	sdelay $0x1  }
0x3ba: {  	(erf) = vpow2.f32 v0;
	_ =	sdelay $0x8  }
0x3bb: {  	v0 =	vpop (erf)  }
0x3bc: {  	v0 =	vadd.f32 $1.000000000e+00, v0;
	_ =	sdelay $0x1  }
0x3bd: {  	(erf) = vrcp.f32 v0;
	_ =	sdelay $0x7  }
0x3be: {  	s17 =	sadd.s32 $0x1, s17  }
0x3bf: {  	s20 =	sadd.s32 $0x10, s19;
	p0 =	sne.s32 s17, s9;
	v0 =	vpop (erf)  }
.Ltmp1:
0x3c0: {  	[tilespmem:s20+$0x0] =	vst v0;
	(pc) =	sbr.rel @p0 .LBB2_1-.Ltmp1, $4  }
0x3c1: {  	[hbm4b:s8+s1] =	stream.linear.scatter [tilespmem:s16], [sflag:$0x2], $0x200, $0x38;
	[tilespmem:$0x18800] =	vst v63  }
0x3c2: {  	_ =	swait.ge [sflag:s13], $0x200  }
0x3c3: {  	[sflag:s13] =	ssyncset.done $0x0  }
0x3c4: {  	[sflag:s13] =	ssyncadd.s32 $0xFFFFFE00  }
0x3c5: {  	_ =	sfence.sel $0x180000  }
0x3c6: {  	[bflag:$0x0] =	sbarrier.arrive $0xFFFF  }
0x3c7: {  	_ =	strace $0x90000047  }
0x3c8: {  	s0 =	stileid.u32;
	[bflag:$0x2] =	sbarrier.arrive $0xFFFF  }
0x3c9: {  	p0 =	sne.s32 s0, $0x0;
	s0 =	rddreg [dreg:$0x5]  }
0x3ca: {  	s0 =	sadd.s32 @!p0 $0x100000, s0  }
0x3cb: {  	[sflag:s0] =	ssyncadd.tile.s32 @!p0 $0x1;
	_ =	shalt  }
.Lfunc_end2:
_tile_overlayer_lowered:
.L_overlay_start_2:
0x3cc: {  	(tag) =	ssettag $0x2  }
0x3cd: {  	s0 =	rddreg [dreg:$0x0];
	s2 =	stileid.u32  }
0x3ce: {  	s1 =	rddreg [dreg:$0x1];
	p0 =	sne.s32 s2, $0x0  }
0x3cf: {  	s3 =	rddreg [dreg:$0x2];
	[bflag:$0x3] =	sbarrier.arrive $0xFFFF;
	s2 =	simm.s32 @!p0 $0x1C02  }
0x3d0: {  	[timem:s3], [sflag:s2] =	dma.local @!p0 [hbm:s0], s1  }
0x3d1: {  	s0 =	simm.s32 @!p0 $0x2  }
0x3d2: {  	_ =	swait.ge @!p0 [sflag:s0], s1  }
0x3d3: {  	s1 =	ssub.s32 @!p0 $0x0, s1;
	[sflag:s0] =	ssyncset.done @!p0 $0x0  }
0x3d4: {  	[sflag:s0] =	ssyncadd.s32 @!p0 s1  }
0x3d5: {  	[bflag:$0x3] =	sbarrier.arrive $0xFFFF  }
0x3d6: {  	_ =	shalt  }

</sc_bundles>
